<compile_context>
chip_gen: v7x
topology: tpu7x:2x2x1
jax: 0.10.2.dev20260603
libtpu: 0.0.44.dev20260713+nightly
codegen_flags: <defaults>
</compile_context>

<pallas_src>
import functools

import jax
import jax.numpy as jnp
from jax import lax
from jax.experimental import pallas as pl
from jax.experimental.pallas import tpu as pltpu
from jax.experimental.pallas import tpu_sc as plsc

N = 10000
D = 128
H = D // 2
E = 320000

NC = 2
NS = 16
CH = 128
G = 80
EPT = G * CH
E_PAD = NC * NS * EPT
ER2D = E_PAD // CH
N_PAD = 10112
ROWS_PT = N_PAD // NS
DEGW = 16


def _sc_agg_body(with_deg, hv, srcA, srcB, dst2, *refs):
    if with_deg:
        (ones_in, zrow, zrow16, a00, a01, a10, a11, deg0, deg1,
         ones_v, srcsA, srcsB, dsts, b0, b1, b2, b3,
         aggs, degs, gsem, ssem, dsem) = refs
    else:
        (zrow, a00, a01, a10, a11,
         srcsA, srcsB, dsts, b0, b1, b2, b3,
         aggs, gsem, ssem, dsem) = refs
        ones_v = degs = None
    bufs = (b0, b1, b2, b3)
    cid = lax.axis_index("c")
    sid = lax.axis_index("s")
    tid = cid * NS + sid
    zb = sid * ROWS_PT

    if with_deg:
        pltpu.sync_copy(ones_in, ones_v)
    rb = tid * G
    pltpu.sync_copy(srcA.at[pl.ds(rb, G)], srcsA)
    pltpu.sync_copy(srcB.at[pl.ds(rb, G)], srcsB)
    pltpu.sync_copy(dst2.at[pl.ds(rb, G)], dsts)

    for half, srcs, out0, out1 in ((0, srcsA, a00, a10), (1, srcsB, a01, a11)):
        h_hbm = hv
        pltpu.sync_copy(zrow, aggs.at[pl.ds(zb, ROWS_PT)])
        if half == 0 and with_deg:
            pltpu.sync_copy(zrow16, degs.at[pl.ds(zb, ROWS_PT)])
        plsc.subcore_barrier()

        deg_here = half == 0 and with_deg

        def emit(g, buf_cur, buf_next, drain):
            pltpu.make_async_copy(h_hbm.at[srcs.at[g]], buf_cur, gsem).wait()
            pltpu.async_copy(buf_cur, aggs.at[dsts.at[g]], ssem, add=True)
            if deg_here:
                pltpu.async_copy(ones_v, degs.at[dsts.at[g]], dsem, add=True)
            if drain:
                pltpu.make_async_copy(buf_cur, aggs.at[dsts.at[g]], ssem).wait()
                if deg_here:
                    pltpu.make_async_copy(ones_v, degs.at[dsts.at[g]], dsem).wait()
            gn = lax.rem(g + 2, G)
            pltpu.async_copy(h_hbm.at[srcs.at[gn]], buf_next, gsem)

        for j in range(2):
            pltpu.async_copy(h_hbm.at[srcs.at[j]], bufs[j], gsem)
        for j in range(4):
            emit(j, bufs[j], bufs[(j + 2) % 4], drain=j >= 2)

        def block4(i, carry):
            base = 4 * i
            for j in range(4):
                emit(base + j, bufs[j], bufs[(j + 2) % 4], drain=True)
            return carry

        lax.fori_loop(1, G // 4, block4, 0)
        for j in range(2):
            pltpu.make_async_copy(bufs[j], aggs.at[dsts.at[0]], ssem).wait()
            if deg_here:
                pltpu.make_async_copy(ones_v, degs.at[dsts.at[0]], dsem).wait()
            pltpu.make_async_copy(h_hbm.at[srcs.at[0]], bufs[j], gsem).wait()
        plsc.subcore_barrier()

        @pl.when(cid == 0)
        def _():
            pltpu.sync_copy(aggs.at[pl.ds(zb, ROWS_PT)], out0.at[pl.ds(zb, ROWS_PT)])
            if half == 0 and with_deg:
                pltpu.sync_copy(degs.at[pl.ds(zb, ROWS_PT)], deg0.at[pl.ds(zb, ROWS_PT)])

        @pl.when(cid == 1)
        def _():
            pltpu.sync_copy(aggs.at[pl.ds(zb, ROWS_PT)], out1.at[pl.ds(zb, ROWS_PT)])
            if half == 0 and with_deg:
                pltpu.sync_copy(degs.at[pl.ds(zb, ROWS_PT)], deg1.at[pl.ds(zb, ROWS_PT)])


def _make_sc_agg(with_deg):
    agg_t = jax.ShapeDtypeStruct((N_PAD, H), jnp.float32)
    deg_t = jax.ShapeDtypeStruct((N_PAD, DEGW), jnp.float32)
    out_type = [agg_t] * 4 + ([deg_t] * 2 if with_deg else [])
    scratch = (
        ([pltpu.VMEM((CH, DEGW), jnp.float32)] if with_deg else [])
        + [
            pltpu.VMEM((G, CH), jnp.int32),
            pltpu.VMEM((G, CH), jnp.int32),
            pltpu.VMEM((G, CH), jnp.int32),
            pltpu.VMEM((CH, H), jnp.float32),
            pltpu.VMEM((CH, H), jnp.float32),
            pltpu.VMEM((CH, H), jnp.float32),
            pltpu.VMEM((CH, H), jnp.float32),
            pltpu.VMEM_SHARED((N_PAD, H), jnp.float32),
        ]
        + ([pltpu.VMEM_SHARED((N_PAD, DEGW), jnp.float32)] if with_deg else [])
        + [pltpu.SemaphoreType.DMA, pltpu.SemaphoreType.DMA,
           pltpu.SemaphoreType.DMA]
    )
    return pl.kernel(
        functools.partial(_sc_agg_body, with_deg),
        out_type=out_type,
        mesh=plsc.VectorSubcoreMesh(core_axis_name="c", subcore_axis_name="s"),
        compiler_params=pltpu.CompilerParams(use_tc_tiling_on_sc=False),
        scratch_types=scratch,
    )


_sc_agg_deg = _make_sc_agg(True)
_sc_agg_nodeg = _make_sc_agg(False)


BM = 632

_hblk = pl.BlockSpec((BM, H), lambda i: (i, 0))
_fblk = pl.BlockSpec((BM, D), lambda i: (i, 0))
_dblk = pl.BlockSpec((BM, DEGW), lambda i: (i, 0))
_wblk = pl.BlockSpec((D, D), lambda i: (0, 0))
_bblk = pl.BlockSpec((1, D), lambda i: (0, 0))
_full_t = jax.ShapeDtypeStruct((N, D), jnp.float32)


def _dense_body(a00, a01, a10, a11, d0, d1, x, wl, wr, b, o, *, relu):
    deg = jnp.maximum(d0[:, 0:1] + d1[:, 0:1], 1.0)
    mean = jnp.concatenate([a00[...] + a10[...], a01[...] + a11[...]], axis=1) / deg
    r = (jnp.dot(mean, wl[...], preferred_element_type=jnp.float32)
         + jnp.dot(x[...], wr[...], preferred_element_type=jnp.float32)
         + b[...])
    if relu:
        r = jnp.maximum(r, 0.0)
    o[...] = r


def _make_dense(relu):
    return pl.pallas_call(
        functools.partial(_dense_body, relu=relu),
        grid=(N_PAD // BM,),
        in_specs=[_hblk, _hblk, _hblk, _hblk, _dblk, _dblk,
                  _fblk, _wblk, _wblk, _bblk],
        out_specs=_fblk,
        out_shape=_full_t,
    )


_dense_relu = _make_dense(True)
_dense_lin = _make_dense(False)


def kernel(x, adj_t, W1_l, b1_l, W1_r, W2_l, b2_l, W2_r):
    src = adj_t[0].astype(jnp.int32)
    dst = adj_t[1].astype(jnp.int32)
    npad = E_PAD - E
    pad_src = jnp.arange(npad, dtype=jnp.int32) % N
    pad_dst = N + jnp.arange(npad, dtype=jnp.int32) % (N_PAD - N)
    srcp = jnp.concatenate([src, pad_src])
    srcA = (srcp * 2).reshape(ER2D, CH)
    srcB = (srcp * 2 + 1).reshape(ER2D, CH)
    dst2 = jnp.concatenate([dst, pad_dst]).reshape(ER2D, CH)
    xv = x.reshape(2 * N, H)

    ones_in = jnp.ones((CH, DEGW), jnp.float32)
    zrow = jnp.zeros((ROWS_PT, H), jnp.float32)
    zrow16 = jnp.zeros((ROWS_PT, DEGW), jnp.float32)

    a00, a01, a10, a11, d0, d1 = _sc_agg_deg(xv, srcA, srcB, dst2,
                                             ones_in, zrow, zrow16)
    h = _dense_relu(a00, a01, a10, a11, d0, d1, x,
                    W1_l.T, W1_r.T, b1_l.reshape(1, D))
    b00, b01, b10, b11 = _sc_agg_nodeg(h.reshape(2 * N, H), srcA, srcB, dst2,
                                       zrow)
    return _dense_lin(b00, b01, b10, b11, d0, d1, h,
                      W2_l.T, W2_r.T, b2_l.reshape(1, D))

# --- scband reference (transcript-rebuilt; emitter-appended) ---
"""Pipeline reference for scband-sage-1288490189413 (READ-ONLY COPY).

The authoritative reference and input builder live on the scoring server;
editing this copy changes nothing except your own understanding.
"""

import jax, jax.numpy as jnp
import numpy as np

N_NODES = 10000
N_EDGES = 320000
D_IN = 128
D_HID = 128
D_OUT = 128


def setup_inputs(seed: int = 0) -> dict:
    key = jax.random.key(seed)
    ks = jax.random.split(key, 8)
    x = jax.random.normal(ks[0], (N_NODES, D_IN), dtype=jnp.float32)
    adj_t = jax.random.randint(ks[1], (2, N_EDGES), 0, N_NODES, dtype=jnp.int64)
    # SAGEConv layer 1 params (PyG: lin_l with bias on aggregated, lin_r no bias on root)
    s1 = 1.0 / np.sqrt(D_IN)
    W1_l = jax.random.uniform(ks[2], (D_HID, D_IN), minval=-s1, maxval=s1, dtype=jnp.float32)
    b1_l = jnp.zeros((D_HID,), dtype=jnp.float32)
    W1_r = jax.random.uniform(ks[3], (D_HID, D_IN), minval=-s1, maxval=s1, dtype=jnp.float32)
    # SAGEConv layer 2 params
    s2 = 1.0 / np.sqrt(D_HID)
    W2_l = jax.random.uniform(ks[4], (D_OUT, D_HID), minval=-s2, maxval=s2, dtype=jnp.float32)
    b2_l = jnp.zeros((D_OUT,), dtype=jnp.float32)
    W2_r = jax.random.uniform(ks[5], (D_OUT, D_HID), minval=-s2, maxval=s2, dtype=jnp.float32)
    return {"x": x, "adj_t": adj_t, "W1_l": W1_l, "b1_l": b1_l, "W1_r": W1_r,
            "W2_l": W2_l, "b2_l": b2_l, "W2_r": W2_r}


def _sage_conv(x, edge_index, W_l, b_l, W_r):
    # messages flow src -> dst; mean aggregation over incoming neighbors
    src = edge_index[0]
    dst = edge_index[1]
    msgs = jnp.take(x, src, axis=0)                                  # gather
    agg = jax.ops.segment_sum(msgs, dst, num_segments=x.shape[0])    # scatter-add
    deg = jax.ops.segment_sum(jnp.ones((edge_index.shape[1],), x.dtype), dst,
                              num_segments=x.shape[0])
    mean = agg / jnp.maximum(deg, 1.0)[:, None]
    return mean @ W_l.T + b_l + x @ W_r.T


def reference(x, adj_t, W1_l, b1_l, W1_r, W2_l, b2_l, W2_r):
    # layer 1 + relu (dropout p=0.0 -> identity)
    h = _sage_conv(x, adj_t, W1_l, b1_l, W1_r)
    h = jax.nn.relu(h)
    # final layer, no activation
    out = _sage_conv(h, adj_t, W2_l, b2_l, W2_r)
    return out

if __name__ == "__main__":
    import jax
    _d = setup_inputs()
    print(jax.jit(kernel)(*tuple(_d.values())))

</pallas_src>

<mosaic_0001>
#map = affine_map<(d0, d1) -> (0, 0)>
module attributes {stable_mosaic.version = 14 : i64} {
  func.func @_sc_agg_body(%arg0: i32, %arg1: i32, %arg2: memref<20000x64xf32, #tpu.memory_space<hbm>>, %arg3: memref<2560x128xi32, #tpu.memory_space<hbm>>, %arg4: memref<2560x128xi32, #tpu.memory_space<hbm>>, %arg5: memref<2560x128xi32, #tpu.memory_space<hbm>>, %arg6: memref<128x16xf32, #tpu.memory_space<hbm>>, %arg7: memref<632x64xf32, #tpu.memory_space<hbm>>, %arg8: memref<632x16xf32, #tpu.memory_space<hbm>>, %arg9: memref<10112x64xf32, #tpu.memory_space<hbm>>, %arg10: memref<10112x64xf32, #tpu.memory_space<hbm>>, %arg11: memref<10112x64xf32, #tpu.memory_space<hbm>>, %arg12: memref<10112x64xf32, #tpu.memory_space<hbm>>, %arg13: memref<10112x16xf32, #tpu.memory_space<hbm>>, %arg14: memref<10112x16xf32, #tpu.memory_space<hbm>>, %arg15: memref<128x16xf32, #tpu.memory_space<vmem>>, %arg16: memref<80x128xi32, #tpu.memory_space<vmem>>, %arg17: memref<80x128xi32, #tpu.memory_space<vmem>>, %arg18: memref<80x128xi32, #tpu.memory_space<vmem>>, %arg19: memref<128x64xf32, #tpu.memory_space<vmem>>, %arg20: memref<128x64xf32, #tpu.memory_space<vmem>>, %arg21: memref<128x64xf32, #tpu.memory_space<vmem>>, %arg22: memref<128x64xf32, #tpu.memory_space<vmem>>, %arg23: memref<10112x64xf32, #tpu.memory_space<vmem_shared>>, %arg24: memref<10112x16xf32, #tpu.memory_space<vmem_shared>>, %arg25: memref<!tpu.dma_semaphore, #tpu.memory_space<semaphore_mem>>, %arg26: memref<!tpu.dma_semaphore, #tpu.memory_space<semaphore_mem>>, %arg27: memref<!tpu.dma_semaphore, #tpu.memory_space<semaphore_mem>>) attributes {dimension_semantics = [#tpu.dimension_semantics<core_parallel>, #tpu.dimension_semantics<subcore_parallel>], iteration_bounds = array<i64: 2, 16>, scalar_prefetch = 0 : i64, scratch_operands = 13 : i64, tpu.core_type = #tpu.core_type<sc_vector_subcore>, window_params = [{transform_indices = #map}, {transform_indices = #map}, {transform_indices = #map}, {transform_indices = #map}, {transform_indices = #map}, {transform_indices = #map}, {transform_indices = #map}, {transform_indices = #map}, {transform_indices = #map}, {transform_indices = #map}, {transform_indices = #map}, {transform_indices = #map}, {transform_indices = #map}]} {
    %mul3A = arith.constant 16 : i32
    %mul3A_0 = arith.muli %arg0, %mul3A : i32
    %add3A = arith.addi %mul3A_0, %arg1 : i32
    %mul3A_1 = arith.constant 632 : i32
    %mul3A_2 = arith.muli %arg1, %mul3A_1 : i32
    "tpu.region"() ({
      %run_scoped3A = tpu.sem_alloc : memref<!tpu.dma_semaphore, #tpu.memory_space<semaphore_mem>>
      tpu.enqueue_dma source(%arg6 : memref<128x16xf32, #tpu.memory_space<hbm>>) target(%arg15 : memref<128x16xf32, #tpu.memory_space<vmem>>) target_semaphore(%run_scoped3A : memref<!tpu.dma_semaphore, #tpu.memory_space<semaphore_mem>>)
      tpu.wait_dma2 semaphore(%run_scoped3A : memref<!tpu.dma_semaphore, #tpu.memory_space<semaphore_mem>>) src(%arg6 : memref<128x16xf32, #tpu.memory_space<hbm>>) dst(%arg15 : memref<128x16xf32, #tpu.memory_space<vmem>>)
      tpu.yield
    }) : () -> ()
    %mul3A_3 = arith.constant 80 : i32
    %mul3A_4 = arith.muli %add3A, %mul3A_3 : i32
    "tpu.region"() ({
      %run_scoped3A = tpu.sem_alloc : memref<!tpu.dma_semaphore, #tpu.memory_space<semaphore_mem>>
      %dma_start3A_385 = arith.constant 0 : i32
      %dma_start3A_386 = tpu.memref_slice %arg3[%mul3A_4, %dma_start3A_385] : memref<2560x128xi32, #tpu.memory_space<hbm>> -> memref<80x128xi32, #tpu.memory_space<hbm>>
      %dma_start3A_387 = arith.constant 0 : i32
      %dma_start3A_388 = tpu.memref_slice %arg3[%mul3A_4, %dma_start3A_387] : memref<2560x128xi32, #tpu.memory_space<hbm>> -> memref<80x128xi32, #tpu.memory_space<hbm>>
      tpu.enqueue_dma source(%dma_start3A_388 : memref<80x128xi32, #tpu.memory_space<hbm>>) target(%arg16 : memref<80x128xi32, #tpu.memory_space<vmem>>) target_semaphore(%run_scoped3A : memref<!tpu.dma_semaphore, #tpu.memory_space<semaphore_mem>>)
      %dma_wait3A_389 = arith.constant 0 : i32
      %dma_wait3A_390 = tpu.memref_slice %arg3[%mul3A_4, %dma_wait3A_389] : memref<2560x128xi32, #tpu.memory_space<hbm>> -> memref<80x128xi32, #tpu.memory_space<hbm>>
      %dma_wait3A_391 = arith.constant 0 : i32
      %dma_wait3A_392 = tpu.memref_slice %arg3[%mul3A_4, %dma_wait3A_391] : memref<2560x128xi32, #tpu.memory_space<hbm>> -> memref<80x128xi32, #tpu.memory_space<hbm>>
      tpu.wait_dma2 semaphore(%run_scoped3A : memref<!tpu.dma_semaphore, #tpu.memory_space<semaphore_mem>>) src(%dma_wait3A_392 : memref<80x128xi32, #tpu.memory_space<hbm>>) dst(%arg16 : memref<80x128xi32, #tpu.memory_space<vmem>>)
      tpu.yield
    }) : () -> ()
    "tpu.region"() ({
      %run_scoped3A = tpu.sem_alloc : memref<!tpu.dma_semaphore, #tpu.memory_space<semaphore_mem>>
      %dma_start3A_385 = arith.constant 0 : i32
      %dma_start3A_386 = tpu.memref_slice %arg4[%mul3A_4, %dma_start3A_385] : memref<2560x128xi32, #tpu.memory_space<hbm>> -> memref<80x128xi32, #tpu.memory_space<hbm>>
      %dma_start3A_387 = arith.constant 0 : i32
      %dma_start3A_388 = tpu.memref_slice %arg4[%mul3A_4, %dma_start3A_387] : memref<2560x128xi32, #tpu.memory_space<hbm>> -> memref<80x128xi32, #tpu.memory_space<hbm>>
      tpu.enqueue_dma source(%dma_start3A_388 : memref<80x128xi32, #tpu.memory_space<hbm>>) target(%arg17 : memref<80x128xi32, #tpu.memory_space<vmem>>) target_semaphore(%run_scoped3A : memref<!tpu.dma_semaphore, #tpu.memory_space<semaphore_mem>>)
      %dma_wait3A_389 = arith.constant 0 : i32
      %dma_wait3A_390 = tpu.memref_slice %arg4[%mul3A_4, %dma_wait3A_389] : memref<2560x128xi32, #tpu.memory_space<hbm>> -> memref<80x128xi32, #tpu.memory_space<hbm>>
      %dma_wait3A_391 = arith.constant 0 : i32
      %dma_wait3A_392 = tpu.memref_slice %arg4[%mul3A_4, %dma_wait3A_391] : memref<2560x128xi32, #tpu.memory_space<hbm>> -> memref<80x128xi32, #tpu.memory_space<hbm>>
      tpu.wait_dma2 semaphore(%run_scoped3A : memref<!tpu.dma_semaphore, #tpu.memory_space<semaphore_mem>>) src(%dma_wait3A_392 : memref<80x128xi32, #tpu.memory_space<hbm>>) dst(%arg17 : memref<80x128xi32, #tpu.memory_space<vmem>>)
      tpu.yield
    }) : () -> ()
    "tpu.region"() ({
      %run_scoped3A = tpu.sem_alloc : memref<!tpu.dma_semaphore, #tpu.memory_space<semaphore_mem>>
      %dma_start3A_385 = arith.constant 0 : i32
      %dma_start3A_386 = tpu.memref_slice %arg5[%mul3A_4, %dma_start3A_385] : memref<2560x128xi32, #tpu.memory_space<hbm>> -> memref<80x128xi32, #tpu.memory_space<hbm>>
      %dma_start3A_387 = arith.constant 0 : i32
      %dma_start3A_388 = tpu.memref_slice %arg5[%mul3A_4, %dma_start3A_387] : memref<2560x128xi32, #tpu.memory_space<hbm>> -> memref<80x128xi32, #tpu.memory_space<hbm>>
      tpu.enqueue_dma source(%dma_start3A_388 : memref<80x128xi32, #tpu.memory_space<hbm>>) target(%arg18 : memref<80x128xi32, #tpu.memory_space<vmem>>) target_semaphore(%run_scoped3A : memref<!tpu.dma_semaphore, #tpu.memory_space<semaphore_mem>>)
      %dma_wait3A_389 = arith.constant 0 : i32
      %dma_wait3A_390 = tpu.memref_slice %arg5[%mul3A_4, %dma_wait3A_389] : memref<2560x128xi32, #tpu.memory_space<hbm>> -> memref<80x128xi32, #tpu.memory_space<hbm>>
      %dma_wait3A_391 = arith.constant 0 : i32
      %dma_wait3A_392 = tpu.memref_slice %arg5[%mul3A_4, %dma_wait3A_391] : memref<2560x128xi32, #tpu.memory_space<hbm>> -> memref<80x128xi32, #tpu.memory_space<hbm>>
      tpu.wait_dma2 semaphore(%run_scoped3A : memref<!tpu.dma_semaphore, #tpu.memory_space<semaphore_mem>>) src(%dma_wait3A_392 : memref<80x128xi32, #tpu.memory_space<hbm>>) dst(%arg18 : memref<80x128xi32, #tpu.memory_space<vmem>>)
      tpu.yield
    }) : () -> ()
    "tpu.region"() ({
      %run_scoped3A = tpu.sem_alloc : memref<!tpu.dma_semaphore, #tpu.memory_space<semaphore_mem>>
      %dma_start3A_385 = arith.constant 0 : i32
      %dma_start3A_386 = tpu.memref_slice %arg23[%mul3A_2, %dma_start3A_385] : memref<10112x64xf32, #tpu.memory_space<vmem_shared>> -> memref<632x64xf32, #tpu.memory_space<vmem_shared>>
      tpu.enqueue_dma source(%arg7 : memref<632x64xf32, #tpu.memory_space<hbm>>) target(%dma_start3A_386 : memref<632x64xf32, #tpu.memory_space<vmem_shared>>) target_semaphore(%run_scoped3A : memref<!tpu.dma_semaphore, #tpu.memory_space<semaphore_mem>>)
      %dma_wait3A_387 = arith.constant 0 : i32
      %dma_wait3A_388 = tpu.memref_slice %arg23[%mul3A_2, %dma_wait3A_387] : memref<10112x64xf32, #tpu.memory_space<vmem_shared>> -> memref<632x64xf32, #tpu.memory_space<vmem_shared>>
      tpu.wait_dma2 semaphore(%run_scoped3A : memref<!tpu.dma_semaphore, #tpu.memory_space<semaphore_mem>>) src(%arg7 : memref<632x64xf32, #tpu.memory_space<hbm>>) dst(%dma_wait3A_388 : memref<632x64xf32, #tpu.memory_space<vmem_shared>>)
      tpu.yield
    }) : () -> ()
    "tpu.region"() ({
      %run_scoped3A = tpu.sem_alloc : memref<!tpu.dma_semaphore, #tpu.memory_space<semaphore_mem>>
      %dma_start3A_385 = arith.constant 0 : i32
      %dma_start3A_386 = tpu.memref_slice %arg24[%mul3A_2, %dma_start3A_385] : memref<10112x16xf32, #tpu.memory_space<vmem_shared>> -> memref<632x16xf32, #tpu.memory_space<vmem_shared>>
      tpu.enqueue_dma source(%arg8 : memref<632x16xf32, #tpu.memory_space<hbm>>) target(%dma_start3A_386 : memref<632x16xf32, #tpu.memory_space<vmem_shared>>) target_semaphore(%run_scoped3A : memref<!tpu.dma_semaphore, #tpu.memory_space<semaphore_mem>>)
      %dma_wait3A_387 = arith.constant 0 : i32
      %dma_wait3A_388 = tpu.memref_slice %arg24[%mul3A_2, %dma_wait3A_387] : memref<10112x16xf32, #tpu.memory_space<vmem_shared>> -> memref<632x16xf32, #tpu.memory_space<vmem_shared>>
      tpu.wait_dma2 semaphore(%run_scoped3A : memref<!tpu.dma_semaphore, #tpu.memory_space<semaphore_mem>>) src(%arg8 : memref<632x16xf32, #tpu.memory_space<hbm>>) dst(%dma_wait3A_388 : memref<632x16xf32, #tpu.memory_space<vmem_shared>>)
      tpu.yield
    }) : () -> ()
    %barrier3A = arith.constant 0 : index
    tpu.barrier barrier_id(%barrier3A)
    %dma_start3A = arith.constant 0 : i32
    %dma_start3A_5 = arith.constant 0 : i32
    %dma_start3A_6 = tpu.memref_slice %arg16[%dma_start3A, %dma_start3A_5] : memref<80x128xi32, #tpu.memory_space<vmem>> -> memref<1x128xi32, #tpu.memory_space<vmem>>
    %dma_start3A_7 = tpu.memref_squeeze %dma_start3A_6 : memref<1x128xi32, #tpu.memory_space<vmem>> -> memref<128xi32, #tpu.memory_space<vmem>>
    %dma_start3A_8 = arith.constant 0 : i32
    %dma_start3A_9 = arith.constant 0 : i32
    %dma_start3A_10 = tpu.memref_slice %arg2[%dma_start3A_8, %dma_start3A_9] : memref<20000x64xf32, #tpu.memory_space<hbm>> -> memref<20000x64xf32, #tpu.memory_space<hbm>>
    tpu.enqueue_indirect_dma source(%dma_start3A_10 : memref<20000x64xf32, #tpu.memory_space<hbm>>) target(%arg19 : memref<128x64xf32, #tpu.memory_space<vmem>>) offsets(%dma_start3A_7 : memref<128xi32, #tpu.memory_space<vmem>>) semaphore(%arg25 : memref<!tpu.dma_semaphore, #tpu.memory_space<semaphore_mem>>)
    %dma_start3A_11 = arith.constant 1 : i32
    %dma_start3A_12 = arith.constant 0 : i32
    %dma_start3A_13 = tpu.memref_slice %arg16[%dma_start3A_11, %dma_start3A_12] : memref<80x128xi32, #tpu.memory_space<vmem>> -> memref<1x128xi32, #tpu.memory_space<vmem>>
    %dma_start3A_14 = tpu.memref_squeeze %dma_start3A_13 : memref<1x128xi32, #tpu.memory_space<vmem>> -> memref<128xi32, #tpu.memory_space<vmem>>
    %dma_start3A_15 = arith.constant 0 : i32
    %dma_start3A_16 = arith.constant 0 : i32
    %dma_start3A_17 = tpu.memref_slice %arg2[%dma_start3A_15, %dma_start3A_16] : memref<20000x64xf32, #tpu.memory_space<hbm>> -> memref<20000x64xf32, #tpu.memory_space<hbm>>
    tpu.enqueue_indirect_dma source(%dma_start3A_17 : memref<20000x64xf32, #tpu.memory_space<hbm>>) target(%arg20 : memref<128x64xf32, #tpu.memory_space<vmem>>) offsets(%dma_start3A_14 : memref<128xi32, #tpu.memory_space<vmem>>) semaphore(%arg25 : memref<!tpu.dma_semaphore, #tpu.memory_space<semaphore_mem>>)
    %dma_wait3A = arith.constant 0 : i32
    %dma_wait3A_18 = arith.constant 0 : i32
    %dma_wait3A_19 = tpu.memref_slice %arg16[%dma_wait3A, %dma_wait3A_18] : memref<80x128xi32, #tpu.memory_space<vmem>> -> memref<1x128xi32, #tpu.memory_space<vmem>>
    %dma_wait3A_20 = tpu.memref_squeeze %dma_wait3A_19 : memref<1x128xi32, #tpu.memory_space<vmem>> -> memref<128xi32, #tpu.memory_space<vmem>>
    %dma_wait3A_21 = arith.constant 0 : i32
    %dma_wait3A_22 = arith.constant 0 : i32
    %dma_wait3A_23 = tpu.memref_slice %arg2[%dma_wait3A_21, %dma_wait3A_22] : memref<20000x64xf32, #tpu.memory_space<hbm>> -> memref<20000x64xf32, #tpu.memory_space<hbm>>
    tpu.wait_indirect_dma semaphore(%arg25 : memref<!tpu.dma_semaphore, #tpu.memory_space<semaphore_mem>>) src(%dma_wait3A_23 : memref<20000x64xf32, #tpu.memory_space<hbm>>) dst(%arg19 : memref<128x64xf32, #tpu.memory_space<vmem>>)
    %dma_start3A_24 = arith.constant 0 : i32
    %dma_start3A_25 = arith.constant 0 : i32
    %dma_start3A_26 = tpu.memref_slice %arg18[%dma_start3A_24, %dma_start3A_25] : memref<80x128xi32, #tpu.memory_space<vmem>> -> memref<1x128xi32, #tpu.memory_space<vmem>>
    %dma_start3A_27 = tpu.memref_squeeze %dma_start3A_26 : memref<1x128xi32, #tpu.memory_space<vmem>> -> memref<128xi32, #tpu.memory_space<vmem>>
    %dma_start3A_28 = arith.constant 0 : i32
    %dma_start3A_29 = arith.constant 0 : i32
    %dma_start3A_30 = tpu.memref_slice %arg23[%dma_start3A_28, %dma_start3A_29] : memref<10112x64xf32, #tpu.memory_space<vmem_shared>> -> memref<10112x64xf32, #tpu.memory_space<vmem_shared>>
    tpu.enqueue_indirect_dma source(%arg19 : memref<128x64xf32, #tpu.memory_space<vmem>>) target(%dma_start3A_30 : memref<10112x64xf32, #tpu.memory_space<vmem_shared>>) offsets(%dma_start3A_27 : memref<128xi32, #tpu.memory_space<vmem>>) semaphore(%arg26 : memref<!tpu.dma_semaphore, #tpu.memory_space<semaphore_mem>>) {add = true}
    %dma_start3A_31 = arith.constant 0 : i32
    %dma_start3A_32 = arith.constant 0 : i32
    %dma_start3A_33 = tpu.memref_slice %arg18[%dma_start3A_31, %dma_start3A_32] : memref<80x128xi32, #tpu.memory_space<vmem>> -> memref<1x128xi32, #tpu.memory_space<vmem>>
    %dma_start3A_34 = tpu.memref_squeeze %dma_start3A_33 : memref<1x128xi32, #tpu.memory_space<vmem>> -> memref<128xi32, #tpu.memory_space<vmem>>
    %dma_start3A_35 = arith.constant 0 : i32
    %dma_start3A_36 = arith.constant 0 : i32
    %dma_start3A_37 = tpu.memref_slice %arg24[%dma_start3A_35, %dma_start3A_36] : memref<10112x16xf32, #tpu.memory_space<vmem_shared>> -> memref<10112x16xf32, #tpu.memory_space<vmem_shared>>
    tpu.enqueue_indirect_dma source(%arg15 : memref<128x16xf32, #tpu.memory_space<vmem>>) target(%dma_start3A_37 : memref<10112x16xf32, #tpu.memory_space<vmem_shared>>) offsets(%dma_start3A_34 : memref<128xi32, #tpu.memory_space<vmem>>) semaphore(%arg27 : memref<!tpu.dma_semaphore, #tpu.memory_space<semaphore_mem>>) {add = true}
    %rem3A = arith.constant 2 : i32
    %rem3A_38 = arith.constant 80 : i32
    %rem3A_39 = arith.remsi %rem3A, %rem3A_38 : i32
    %dma_start3A_40 = arith.constant 0 : i32
    %dma_start3A_41 = tpu.memref_slice %arg16[%rem3A_39, %dma_start3A_40] : memref<80x128xi32, #tpu.memory_space<vmem>> -> memref<1x128xi32, #tpu.memory_space<vmem>>
    %dma_start3A_42 = tpu.memref_squeeze %dma_start3A_41 : memref<1x128xi32, #tpu.memory_space<vmem>> -> memref<128xi32, #tpu.memory_space<vmem>>
    %dma_start3A_43 = arith.constant 0 : i32
    %dma_start3A_44 = arith.constant 0 : i32
    %dma_start3A_45 = tpu.memref_slice %arg2[%dma_start3A_43, %dma_start3A_44] : memref<20000x64xf32, #tpu.memory_space<hbm>> -> memref<20000x64xf32, #tpu.memory_space<hbm>>
    tpu.enqueue_indirect_dma source(%dma_start3A_45 : memref<20000x64xf32, #tpu.memory_space<hbm>>) target(%arg21 : memref<128x64xf32, #tpu.memory_space<vmem>>) offsets(%dma_start3A_42 : memref<128xi32, #tpu.memory_space<vmem>>) semaphore(%arg25 : memref<!tpu.dma_semaphore, #tpu.memory_space<semaphore_mem>>)
    %dma_wait3A_46 = arith.constant 1 : i32
    %dma_wait3A_47 = arith.constant 0 : i32
    %dma_wait3A_48 = tpu.memref_slice %arg16[%dma_wait3A_46, %dma_wait3A_47] : memref<80x128xi32, #tpu.memory_space<vmem>> -> memref<1x128xi32, #tpu.memory_space<vmem>>
    %dma_wait3A_49 = tpu.memref_squeeze %dma_wait3A_48 : memref<1x128xi32, #tpu.memory_space<vmem>> -> memref<128xi32, #tpu.memory_space<vmem>>
    %dma_wait3A_50 = arith.constant 0 : i32
    %dma_wait3A_51 = arith.constant 0 : i32
    %dma_wait3A_52 = tpu.memref_slice %arg2[%dma_wait3A_50, %dma_wait3A_51] : memref<20000x64xf32, #tpu.memory_space<hbm>> -> memref<20000x64xf32, #tpu.memory_space<hbm>>
    tpu.wait_indirect_dma semaphore(%arg25 : memref<!tpu.dma_semaphore, #tpu.memory_space<semaphore_mem>>) src(%dma_wait3A_52 : memref<20000x64xf32, #tpu.memory_space<hbm>>) dst(%arg20 : memref<128x64xf32, #tpu.memory_space<vmem>>)
    %dma_start3A_53 = arith.constant 1 : i32
    %dma_start3A_54 = arith.constant 0 : i32
    %dma_start3A_55 = tpu.memref_slice %arg18[%dma_start3A_53, %dma_start3A_54] : memref<80x128xi32, #tpu.memory_space<vmem>> -> memref<1x128xi32, #tpu.memory_space<vmem>>
    %dma_start3A_56 = tpu.memref_squeeze %dma_start3A_55 : memref<1x128xi32, #tpu.memory_space<vmem>> -> memref<128xi32, #tpu.memory_space<vmem>>
    %dma_start3A_57 = arith.constant 0 : i32
    %dma_start3A_58 = arith.constant 0 : i32
    %dma_start3A_59 = tpu.memref_slice %arg23[%dma_start3A_57, %dma_start3A_58] : memref<10112x64xf32, #tpu.memory_space<vmem_shared>> -> memref<10112x64xf32, #tpu.memory_space<vmem_shared>>
    tpu.enqueue_indirect_dma source(%arg20 : memref<128x64xf32, #tpu.memory_space<vmem>>) target(%dma_start3A_59 : memref<10112x64xf32, #tpu.memory_space<vmem_shared>>) offsets(%dma_start3A_56 : memref<128xi32, #tpu.memory_space<vmem>>) semaphore(%arg26 : memref<!tpu.dma_semaphore, #tpu.memory_space<semaphore_mem>>) {add = true}
    %dma_start3A_60 = arith.constant 1 : i32
    %dma_start3A_61 = arith.constant 0 : i32
    %dma_start3A_62 = tpu.memref_slice %arg18[%dma_start3A_60, %dma_start3A_61] : memref<80x128xi32, #tpu.memory_space<vmem>> -> memref<1x128xi32, #tpu.memory_space<vmem>>
    %dma_start3A_63 = tpu.memref_squeeze %dma_start3A_62 : memref<1x128xi32, #tpu.memory_space<vmem>> -> memref<128xi32, #tpu.memory_space<vmem>>
    %dma_start3A_64 = arith.constant 0 : i32
    %dma_start3A_65 = arith.constant 0 : i32
    %dma_start3A_66 = tpu.memref_slice %arg24[%dma_start3A_64, %dma_start3A_65] : memref<10112x16xf32, #tpu.memory_space<vmem_shared>> -> memref<10112x16xf32, #tpu.memory_space<vmem_shared>>
    tpu.enqueue_indirect_dma source(%arg15 : memref<128x16xf32, #tpu.memory_space<vmem>>) target(%dma_start3A_66 : memref<10112x16xf32, #tpu.memory_space<vmem_shared>>) offsets(%dma_start3A_63 : memref<128xi32, #tpu.memory_space<vmem>>) semaphore(%arg27 : memref<!tpu.dma_semaphore, #tpu.memory_space<semaphore_mem>>) {add = true}
    %rem3A_67 = arith.constant 3 : i32
    %rem3A_68 = arith.constant 80 : i32
    %rem3A_69 = arith.remsi %rem3A_67, %rem3A_68 : i32
    %dma_start3A_70 = arith.constant 0 : i32
    %dma_start3A_71 = tpu.memref_slice %arg16[%rem3A_69, %dma_start3A_70] : memref<80x128xi32, #tpu.memory_space<vmem>> -> memref<1x128xi32, #tpu.memory_space<vmem>>
    %dma_start3A_72 = tpu.memref_squeeze %dma_start3A_71 : memref<1x128xi32, #tpu.memory_space<vmem>> -> memref<128xi32, #tpu.memory_space<vmem>>
    %dma_start3A_73 = arith.constant 0 : i32
    %dma_start3A_74 = arith.constant 0 : i32
    %dma_start3A_75 = tpu.memref_slice %arg2[%dma_start3A_73, %dma_start3A_74] : memref<20000x64xf32, #tpu.memory_space<hbm>> -> memref<20000x64xf32, #tpu.memory_space<hbm>>
    tpu.enqueue_indirect_dma source(%dma_start3A_75 : memref<20000x64xf32, #tpu.memory_space<hbm>>) target(%arg22 : memref<128x64xf32, #tpu.memory_space<vmem>>) offsets(%dma_start3A_72 : memref<128xi32, #tpu.memory_space<vmem>>) semaphore(%arg25 : memref<!tpu.dma_semaphore, #tpu.memory_space<semaphore_mem>>)
    %dma_wait3A_76 = arith.constant 2 : i32
    %dma_wait3A_77 = arith.constant 0 : i32
    %dma_wait3A_78 = tpu.memref_slice %arg16[%dma_wait3A_76, %dma_wait3A_77] : memref<80x128xi32, #tpu.memory_space<vmem>> -> memref<1x128xi32, #tpu.memory_space<vmem>>
    %dma_wait3A_79 = tpu.memref_squeeze %dma_wait3A_78 : memref<1x128xi32, #tpu.memory_space<vmem>> -> memref<128xi32, #tpu.memory_space<vmem>>
    %dma_wait3A_80 = arith.constant 0 : i32
    %dma_wait3A_81 = arith.constant 0 : i32
    %dma_wait3A_82 = tpu.memref_slice %arg2[%dma_wait3A_80, %dma_wait3A_81] : memref<20000x64xf32, #tpu.memory_space<hbm>> -> memref<20000x64xf32, #tpu.memory_space<hbm>>
    tpu.wait_indirect_dma semaphore(%arg25 : memref<!tpu.dma_semaphore, #tpu.memory_space<semaphore_mem>>) src(%dma_wait3A_82 : memref<20000x64xf32, #tpu.memory_space<hbm>>) dst(%arg21 : memref<128x64xf32, #tpu.memory_space<vmem>>)
    %dma_start3A_83 = arith.constant 2 : i32
    %dma_start3A_84 = arith.constant 0 : i32
    %dma_start3A_85 = tpu.memref_slice %arg18[%dma_start3A_83, %dma_start3A_84] : memref<80x128xi32, #tpu.memory_space<vmem>> -> memref<1x128xi32, #tpu.memory_space<vmem>>
    %dma_start3A_86 = tpu.memref_squeeze %dma_start3A_85 : memref<1x128xi32, #tpu.memory_space<vmem>> -> memref<128xi32, #tpu.memory_space<vmem>>
    %dma_start3A_87 = arith.constant 0 : i32
    %dma_start3A_88 = arith.constant 0 : i32
    %dma_start3A_89 = tpu.memref_slice %arg23[%dma_start3A_87, %dma_start3A_88] : memref<10112x64xf32, #tpu.memory_space<vmem_shared>> -> memref<10112x64xf32, #tpu.memory_space<vmem_shared>>
    tpu.enqueue_indirect_dma source(%arg21 : memref<128x64xf32, #tpu.memory_space<vmem>>) target(%dma_start3A_89 : memref<10112x64xf32, #tpu.memory_space<vmem_shared>>) offsets(%dma_start3A_86 : memref<128xi32, #tpu.memory_space<vmem>>) semaphore(%arg26 : memref<!tpu.dma_semaphore, #tpu.memory_space<semaphore_mem>>) {add = true}
    %dma_start3A_90 = arith.constant 2 : i32
    %dma_start3A_91 = arith.constant 0 : i32
    %dma_start3A_92 = tpu.memref_slice %arg18[%dma_start3A_90, %dma_start3A_91] : memref<80x128xi32, #tpu.memory_space<vmem>> -> memref<1x128xi32, #tpu.memory_space<vmem>>
    %dma_start3A_93 = tpu.memref_squeeze %dma_start3A_92 : memref<1x128xi32, #tpu.memory_space<vmem>> -> memref<128xi32, #tpu.memory_space<vmem>>
    %dma_start3A_94 = arith.constant 0 : i32
    %dma_start3A_95 = arith.constant 0 : i32
    %dma_start3A_96 = tpu.memref_slice %arg24[%dma_start3A_94, %dma_start3A_95] : memref<10112x16xf32, #tpu.memory_space<vmem_shared>> -> memref<10112x16xf32, #tpu.memory_space<vmem_shared>>
    tpu.enqueue_indirect_dma source(%arg15 : memref<128x16xf32, #tpu.memory_space<vmem>>) target(%dma_start3A_96 : memref<10112x16xf32, #tpu.memory_space<vmem_shared>>) offsets(%dma_start3A_93 : memref<128xi32, #tpu.memory_space<vmem>>) semaphore(%arg27 : memref<!tpu.dma_semaphore, #tpu.memory_space<semaphore_mem>>) {add = true}
    %dma_wait3A_97 = arith.constant 2 : i32
    %dma_wait3A_98 = arith.constant 0 : i32
    %dma_wait3A_99 = tpu.memref_slice %arg18[%dma_wait3A_97, %dma_wait3A_98] : memref<80x128xi32, #tpu.memory_space<vmem>> -> memref<1x128xi32, #tpu.memory_space<vmem>>
    %dma_wait3A_100 = tpu.memref_squeeze %dma_wait3A_99 : memref<1x128xi32, #tpu.memory_space<vmem>> -> memref<128xi32, #tpu.memory_space<vmem>>
    %dma_wait3A_101 = arith.constant 0 : i32
    %dma_wait3A_102 = arith.constant 0 : i32
    %dma_wait3A_103 = tpu.memref_slice %arg23[%dma_wait3A_101, %dma_wait3A_102] : memref<10112x64xf32, #tpu.memory_space<vmem_shared>> -> memref<10112x64xf32, #tpu.memory_space<vmem_shared>>
    tpu.wait_indirect_dma semaphore(%arg26 : memref<!tpu.dma_semaphore, #tpu.memory_space<semaphore_mem>>) src(%arg21 : memref<128x64xf32, #tpu.memory_space<vmem>>) dst(%dma_wait3A_103 : memref<10112x64xf32, #tpu.memory_space<vmem_shared>>)
    %dma_wait3A_104 = arith.constant 2 : i32
    %dma_wait3A_105 = arith.constant 0 : i32
    %dma_wait3A_106 = tpu.memref_slice %arg18[%dma_wait3A_104, %dma_wait3A_105] : memref<80x128xi32, #tpu.memory_space<vmem>> -> memref<1x128xi32, #tpu.memory_space<vmem>>
    %dma_wait3A_107 = tpu.memref_squeeze %dma_wait3A_106 : memref<1x128xi32, #tpu.memory_space<vmem>> -> memref<128xi32, #tpu.memory_space<vmem>>
    %dma_wait3A_108 = arith.constant 0 : i32
    %dma_wait3A_109 = arith.constant 0 : i32
    %dma_wait3A_110 = tpu.memref_slice %arg24[%dma_wait3A_108, %dma_wait3A_109] : memref<10112x16xf32, #tpu.memory_space<vmem_shared>> -> memref<10112x16xf32, #tpu.memory_space<vmem_shared>>
    tpu.wait_indirect_dma semaphore(%arg27 : memref<!tpu.dma_semaphore, #tpu.memory_space<semaphore_mem>>) src(%arg15 : memref<128x16xf32, #tpu.memory_space<vmem>>) dst(%dma_wait3A_110 : memref<10112x16xf32, #tpu.memory_space<vmem_shared>>)
    %rem3A_111 = arith.constant 4 : i32
    %rem3A_112 = arith.constant 80 : i32
    %rem3A_113 = arith.remsi %rem3A_111, %rem3A_112 : i32
    %dma_start3A_114 = arith.constant 0 : i32
    %dma_start3A_115 = tpu.memref_slice %arg16[%rem3A_113, %dma_start3A_114] : memref<80x128xi32, #tpu.memory_space<vmem>> -> memref<1x128xi32, #tpu.memory_space<vmem>>
    %dma_start3A_116 = tpu.memref_squeeze %dma_start3A_115 : memref<1x128xi32, #tpu.memory_space<vmem>> -> memref<128xi32, #tpu.memory_space<vmem>>
    %dma_start3A_117 = arith.constant 0 : i32
    %dma_start3A_118 = arith.constant 0 : i32
    %dma_start3A_119 = tpu.memref_slice %arg2[%dma_start3A_117, %dma_start3A_118] : memref<20000x64xf32, #tpu.memory_space<hbm>> -> memref<20000x64xf32, #tpu.memory_space<hbm>>
    tpu.enqueue_indirect_dma source(%dma_start3A_119 : memref<20000x64xf32, #tpu.memory_space<hbm>>) target(%arg19 : memref<128x64xf32, #tpu.memory_space<vmem>>) offsets(%dma_start3A_116 : memref<128xi32, #tpu.memory_space<vmem>>) semaphore(%arg25 : memref<!tpu.dma_semaphore, #tpu.memory_space<semaphore_mem>>)
    %dma_wait3A_120 = arith.constant 3 : i32
    %dma_wait3A_121 = arith.constant 0 : i32
    %dma_wait3A_122 = tpu.memref_slice %arg16[%dma_wait3A_120, %dma_wait3A_121] : memref<80x128xi32, #tpu.memory_space<vmem>> -> memref<1x128xi32, #tpu.memory_space<vmem>>
    %dma_wait3A_123 = tpu.memref_squeeze %dma_wait3A_122 : memref<1x128xi32, #tpu.memory_space<vmem>> -> memref<128xi32, #tpu.memory_space<vmem>>
    %dma_wait3A_124 = arith.constant 0 : i32
    %dma_wait3A_125 = arith.constant 0 : i32
    %dma_wait3A_126 = tpu.memref_slice %arg2[%dma_wait3A_124, %dma_wait3A_125] : memref<20000x64xf32, #tpu.memory_space<hbm>> -> memref<20000x64xf32, #tpu.memory_space<hbm>>
    tpu.wait_indirect_dma semaphore(%arg25 : memref<!tpu.dma_semaphore, #tpu.memory_space<semaphore_mem>>) src(%dma_wait3A_126 : memref<20000x64xf32, #tpu.memory_space<hbm>>) dst(%arg22 : memref<128x64xf32, #tpu.memory_space<vmem>>)
    %dma_start3A_127 = arith.constant 3 : i32
    %dma_start3A_128 = arith.constant 0 : i32
    %dma_start3A_129 = tpu.memref_slice %arg18[%dma_start3A_127, %dma_start3A_128] : memref<80x128xi32, #tpu.memory_space<vmem>> -> memref<1x128xi32, #tpu.memory_space<vmem>>
    %dma_start3A_130 = tpu.memref_squeeze %dma_start3A_129 : memref<1x128xi32, #tpu.memory_space<vmem>> -> memref<128xi32, #tpu.memory_space<vmem>>
    %dma_start3A_131 = arith.constant 0 : i32
    %dma_start3A_132 = arith.constant 0 : i32
    %dma_start3A_133 = tpu.memref_slice %arg23[%dma_start3A_131, %dma_start3A_132] : memref<10112x64xf32, #tpu.memory_space<vmem_shared>> -> memref<10112x64xf32, #tpu.memory_space<vmem_shared>>
    tpu.enqueue_indirect_dma source(%arg22 : memref<128x64xf32, #tpu.memory_space<vmem>>) target(%dma_start3A_133 : memref<10112x64xf32, #tpu.memory_space<vmem_shared>>) offsets(%dma_start3A_130 : memref<128xi32, #tpu.memory_space<vmem>>) semaphore(%arg26 : memref<!tpu.dma_semaphore, #tpu.memory_space<semaphore_mem>>) {add = true}
    %dma_start3A_134 = arith.constant 3 : i32
    %dma_start3A_135 = arith.constant 0 : i32
    %dma_start3A_136 = tpu.memref_slice %arg18[%dma_start3A_134, %dma_start3A_135] : memref<80x128xi32, #tpu.memory_space<vmem>> -> memref<1x128xi32, #tpu.memory_space<vmem>>
    %dma_start3A_137 = tpu.memref_squeeze %dma_start3A_136 : memref<1x128xi32, #tpu.memory_space<vmem>> -> memref<128xi32, #tpu.memory_space<vmem>>
    %dma_start3A_138 = arith.constant 0 : i32
    %dma_start3A_139 = arith.constant 0 : i32
    %dma_start3A_140 = tpu.memref_slice %arg24[%dma_start3A_138, %dma_start3A_139] : memref<10112x16xf32, #tpu.memory_space<vmem_shared>> -> memref<10112x16xf32, #tpu.memory_space<vmem_shared>>
    tpu.enqueue_indirect_dma source(%arg15 : memref<128x16xf32, #tpu.memory_space<vmem>>) target(%dma_start3A_140 : memref<10112x16xf32, #tpu.memory_space<vmem_shared>>) offsets(%dma_start3A_137 : memref<128xi32, #tpu.memory_space<vmem>>) semaphore(%arg27 : memref<!tpu.dma_semaphore, #tpu.memory_space<semaphore_mem>>) {add = true}
    %dma_wait3A_141 = arith.constant 3 : i32
    %dma_wait3A_142 = arith.constant 0 : i32
    %dma_wait3A_143 = tpu.memref_slice %arg18[%dma_wait3A_141, %dma_wait3A_142] : memref<80x128xi32, #tpu.memory_space<vmem>> -> memref<1x128xi32, #tpu.memory_space<vmem>>
    %dma_wait3A_144 = tpu.memref_squeeze %dma_wait3A_143 : memref<1x128xi32, #tpu.memory_space<vmem>> -> memref<128xi32, #tpu.memory_space<vmem>>
    %dma_wait3A_145 = arith.constant 0 : i32
    %dma_wait3A_146 = arith.constant 0 : i32
    %dma_wait3A_147 = tpu.memref_slice %arg23[%dma_wait3A_145, %dma_wait3A_146] : memref<10112x64xf32, #tpu.memory_space<vmem_shared>> -> memref<10112x64xf32, #tpu.memory_space<vmem_shared>>
    tpu.wait_indirect_dma semaphore(%arg26 : memref<!tpu.dma_semaphore, #tpu.memory_space<semaphore_mem>>) src(%arg22 : memref<128x64xf32, #tpu.memory_space<vmem>>) dst(%dma_wait3A_147 : memref<10112x64xf32, #tpu.memory_space<vmem_shared>>)
    %dma_wait3A_148 = arith.constant 3 : i32
    %dma_wait3A_149 = arith.constant 0 : i32
    %dma_wait3A_150 = tpu.memref_slice %arg18[%dma_wait3A_148, %dma_wait3A_149] : memref<80x128xi32, #tpu.memory_space<vmem>> -> memref<1x128xi32, #tpu.memory_space<vmem>>
    %dma_wait3A_151 = tpu.memref_squeeze %dma_wait3A_150 : memref<1x128xi32, #tpu.memory_space<vmem>> -> memref<128xi32, #tpu.memory_space<vmem>>
    %dma_wait3A_152 = arith.constant 0 : i32
    %dma_wait3A_153 = arith.constant 0 : i32
    %dma_wait3A_154 = tpu.memref_slice %arg24[%dma_wait3A_152, %dma_wait3A_153] : memref<10112x16xf32, #tpu.memory_space<vmem_shared>> -> memref<10112x16xf32, #tpu.memory_space<vmem_shared>>
    tpu.wait_indirect_dma semaphore(%arg27 : memref<!tpu.dma_semaphore, #tpu.memory_space<semaphore_mem>>) src(%arg15 : memref<128x16xf32, #tpu.memory_space<vmem>>) dst(%dma_wait3A_154 : memref<10112x16xf32, #tpu.memory_space<vmem_shared>>)
    %rem3A_155 = arith.constant 5 : i32
    %rem3A_156 = arith.constant 80 : i32
    %rem3A_157 = arith.remsi %rem3A_155, %rem3A_156 : i32
    %dma_start3A_158 = arith.constant 0 : i32
    %dma_start3A_159 = tpu.memref_slice %arg16[%rem3A_157, %dma_start3A_158] : memref<80x128xi32, #tpu.memory_space<vmem>> -> memref<1x128xi32, #tpu.memory_space<vmem>>
    %dma_start3A_160 = tpu.memref_squeeze %dma_start3A_159 : memref<1x128xi32, #tpu.memory_space<vmem>> -> memref<128xi32, #tpu.memory_space<vmem>>
    %dma_start3A_161 = arith.constant 0 : i32
    %dma_start3A_162 = arith.constant 0 : i32
    %dma_start3A_163 = tpu.memref_slice %arg2[%dma_start3A_161, %dma_start3A_162] : memref<20000x64xf32, #tpu.memory_space<hbm>> -> memref<20000x64xf32, #tpu.memory_space<hbm>>
    tpu.enqueue_indirect_dma source(%dma_start3A_163 : memref<20000x64xf32, #tpu.memory_space<hbm>>) target(%arg20 : memref<128x64xf32, #tpu.memory_space<vmem>>) offsets(%dma_start3A_160 : memref<128xi32, #tpu.memory_space<vmem>>) semaphore(%arg25 : memref<!tpu.dma_semaphore, #tpu.memory_space<semaphore_mem>>)
    %scan3A = arith.constant 0 : i32
    %scan3A_164 = arith.constant 1 : i32
    %scan3A_165 = arith.constant 19 : i32
    %scan3A_166 = arith.addi %scan3A_164, %scan3A_165 : i32
    %scan3A_167 = arith.constant 1 : i32
    scf.for %scan3A_385 = %scan3A_164 to %scan3A_166 step %scan3A_167  : i32 {
      %mul3A_386 = arith.constant 4 : i32
      %mul3A_387 = arith.muli %mul3A_386, %scan3A_385 : i32
      %add3A_388 = arith.constant 0 : i32
      %add3A_389 = arith.addi %mul3A_387, %add3A_388 : i32
      %dma_wait3A_390 = arith.constant 0 : i32
      %dma_wait3A_391 = tpu.memref_slice %arg16[%add3A_389, %dma_wait3A_390] : memref<80x128xi32, #tpu.memory_space<vmem>> -> memref<1x128xi32, #tpu.memory_space<vmem>>
      %dma_wait3A_392 = tpu.memref_squeeze %dma_wait3A_391 : memref<1x128xi32, #tpu.memory_space<vmem>> -> memref<128xi32, #tpu.memory_space<vmem>>
      %dma_wait3A_393 = arith.constant 0 : i32
      %dma_wait3A_394 = arith.constant 0 : i32
      %dma_wait3A_395 = tpu.memref_slice %arg2[%dma_wait3A_393, %dma_wait3A_394] : memref<20000x64xf32, #tpu.memory_space<hbm>> -> memref<20000x64xf32, #tpu.memory_space<hbm>>
      tpu.wait_indirect_dma semaphore(%arg25 : memref<!tpu.dma_semaphore, #tpu.memory_space<semaphore_mem>>) src(%dma_wait3A_395 : memref<20000x64xf32, #tpu.memory_space<hbm>>) dst(%arg19 : memref<128x64xf32, #tpu.memory_space<vmem>>)
      %dma_start3A_396 = arith.constant 0 : i32
      %dma_start3A_397 = tpu.memref_slice %arg18[%add3A_389, %dma_start3A_396] : memref<80x128xi32, #tpu.memory_space<vmem>> -> memref<1x128xi32, #tpu.memory_space<vmem>>
      %dma_start3A_398 = tpu.memref_squeeze %dma_start3A_397 : memref<1x128xi32, #tpu.memory_space<vmem>> -> memref<128xi32, #tpu.memory_space<vmem>>
      %dma_start3A_399 = arith.constant 0 : i32
      %dma_start3A_400 = arith.constant 0 : i32
      %dma_start3A_401 = tpu.memref_slice %arg23[%dma_start3A_399, %dma_start3A_400] : memref<10112x64xf32, #tpu.memory_space<vmem_shared>> -> memref<10112x64xf32, #tpu.memory_space<vmem_shared>>
      tpu.enqueue_indirect_dma source(%arg19 : memref<128x64xf32, #tpu.memory_space<vmem>>) target(%dma_start3A_401 : memref<10112x64xf32, #tpu.memory_space<vmem_shared>>) offsets(%dma_start3A_398 : memref<128xi32, #tpu.memory_space<vmem>>) semaphore(%arg26 : memref<!tpu.dma_semaphore, #tpu.memory_space<semaphore_mem>>) {add = true}
      %dma_start3A_402 = arith.constant 0 : i32
      %dma_start3A_403 = tpu.memref_slice %arg18[%add3A_389, %dma_start3A_402] : memref<80x128xi32, #tpu.memory_space<vmem>> -> memref<1x128xi32, #tpu.memory_space<vmem>>
      %dma_start3A_404 = tpu.memref_squeeze %dma_start3A_403 : memref<1x128xi32, #tpu.memory_space<vmem>> -> memref<128xi32, #tpu.memory_space<vmem>>
      %dma_start3A_405 = arith.constant 0 : i32
      %dma_start3A_406 = arith.constant 0 : i32
      %dma_start3A_407 = tpu.memref_slice %arg24[%dma_start3A_405, %dma_start3A_406] : memref<10112x16xf32, #tpu.memory_space<vmem_shared>> -> memref<10112x16xf32, #tpu.memory_space<vmem_shared>>
      tpu.enqueue_indirect_dma source(%arg15 : memref<128x16xf32, #tpu.memory_space<vmem>>) target(%dma_start3A_407 : memref<10112x16xf32, #tpu.memory_space<vmem_shared>>) offsets(%dma_start3A_404 : memref<128xi32, #tpu.memory_space<vmem>>) semaphore(%arg27 : memref<!tpu.dma_semaphore, #tpu.memory_space<semaphore_mem>>) {add = true}
      %dma_wait3A_408 = arith.constant 0 : i32
      %dma_wait3A_409 = tpu.memref_slice %arg18[%add3A_389, %dma_wait3A_408] : memref<80x128xi32, #tpu.memory_space<vmem>> -> memref<1x128xi32, #tpu.memory_space<vmem>>
      %dma_wait3A_410 = tpu.memref_squeeze %dma_wait3A_409 : memref<1x128xi32, #tpu.memory_space<vmem>> -> memref<128xi32, #tpu.memory_space<vmem>>
      %dma_wait3A_411 = arith.constant 0 : i32
      %dma_wait3A_412 = arith.constant 0 : i32
      %dma_wait3A_413 = tpu.memref_slice %arg23[%dma_wait3A_411, %dma_wait3A_412] : memref<10112x64xf32, #tpu.memory_space<vmem_shared>> -> memref<10112x64xf32, #tpu.memory_space<vmem_shared>>
      tpu.wait_indirect_dma semaphore(%arg26 : memref<!tpu.dma_semaphore, #tpu.memory_space<semaphore_mem>>) src(%arg19 : memref<128x64xf32, #tpu.memory_space<vmem>>) dst(%dma_wait3A_413 : memref<10112x64xf32, #tpu.memory_space<vmem_shared>>)
      %dma_wait3A_414 = arith.constant 0 : i32
      %dma_wait3A_415 = tpu.memref_slice %arg18[%add3A_389, %dma_wait3A_414] : memref<80x128xi32, #tpu.memory_space<vmem>> -> memref<1x128xi32, #tpu.memory_space<vmem>>
      %dma_wait3A_416 = tpu.memref_squeeze %dma_wait3A_415 : memref<1x128xi32, #tpu.memory_space<vmem>> -> memref<128xi32, #tpu.memory_space<vmem>>
      %dma_wait3A_417 = arith.constant 0 : i32
      %dma_wait3A_418 = arith.constant 0 : i32
      %dma_wait3A_419 = tpu.memref_slice %arg24[%dma_wait3A_417, %dma_wait3A_418] : memref<10112x16xf32, #tpu.memory_space<vmem_shared>> -> memref<10112x16xf32, #tpu.memory_space<vmem_shared>>
      tpu.wait_indirect_dma semaphore(%arg27 : memref<!tpu.dma_semaphore, #tpu.memory_space<semaphore_mem>>) src(%arg15 : memref<128x16xf32, #tpu.memory_space<vmem>>) dst(%dma_wait3A_419 : memref<10112x16xf32, #tpu.memory_space<vmem_shared>>)
      %add3A_420 = arith.constant 2 : i32
      %add3A_421 = arith.addi %add3A_389, %add3A_420 : i32
      %rem3A_422 = arith.constant 80 : i32
      %rem3A_423 = arith.remsi %add3A_421, %rem3A_422 : i32
      %dma_start3A_424 = arith.constant 0 : i32
      %dma_start3A_425 = tpu.memref_slice %arg16[%rem3A_423, %dma_start3A_424] : memref<80x128xi32, #tpu.memory_space<vmem>> -> memref<1x128xi32, #tpu.memory_space<vmem>>
      %dma_start3A_426 = tpu.memref_squeeze %dma_start3A_425 : memref<1x128xi32, #tpu.memory_space<vmem>> -> memref<128xi32, #tpu.memory_space<vmem>>
      %dma_start3A_427 = arith.constant 0 : i32
      %dma_start3A_428 = arith.constant 0 : i32
      %dma_start3A_429 = tpu.memref_slice %arg2[%dma_start3A_427, %dma_start3A_428] : memref<20000x64xf32, #tpu.memory_space<hbm>> -> memref<20000x64xf32, #tpu.memory_space<hbm>>
      tpu.enqueue_indirect_dma source(%dma_start3A_429 : memref<20000x64xf32, #tpu.memory_space<hbm>>) target(%arg21 : memref<128x64xf32, #tpu.memory_space<vmem>>) offsets(%dma_start3A_426 : memref<128xi32, #tpu.memory_space<vmem>>) semaphore(%arg25 : memref<!tpu.dma_semaphore, #tpu.memory_space<semaphore_mem>>)
      %add3A_430 = arith.constant 1 : i32
      %add3A_431 = arith.addi %mul3A_387, %add3A_430 : i32
      %dma_wait3A_432 = arith.constant 0 : i32
      %dma_wait3A_433 = tpu.memref_slice %arg16[%add3A_431, %dma_wait3A_432] : memref<80x128xi32, #tpu.memory_space<vmem>> -> memref<1x128xi32, #tpu.memory_space<vmem>>
      %dma_wait3A_434 = tpu.memref_squeeze %dma_wait3A_433 : memref<1x128xi32, #tpu.memory_space<vmem>> -> memref<128xi32, #tpu.memory_space<vmem>>
      %dma_wait3A_435 = arith.constant 0 : i32
      %dma_wait3A_436 = arith.constant 0 : i32
      %dma_wait3A_437 = tpu.memref_slice %arg2[%dma_wait3A_435, %dma_wait3A_436] : memref<20000x64xf32, #tpu.memory_space<hbm>> -> memref<20000x64xf32, #tpu.memory_space<hbm>>
      tpu.wait_indirect_dma semaphore(%arg25 : memref<!tpu.dma_semaphore, #tpu.memory_space<semaphore_mem>>) src(%dma_wait3A_437 : memref<20000x64xf32, #tpu.memory_space<hbm>>) dst(%arg20 : memref<128x64xf32, #tpu.memory_space<vmem>>)
      %dma_start3A_438 = arith.constant 0 : i32
      %dma_start3A_439 = tpu.memref_slice %arg18[%add3A_431, %dma_start3A_438] : memref<80x128xi32, #tpu.memory_space<vmem>> -> memref<1x128xi32, #tpu.memory_space<vmem>>
      %dma_start3A_440 = tpu.memref_squeeze %dma_start3A_439 : memref<1x128xi32, #tpu.memory_space<vmem>> -> memref<128xi32, #tpu.memory_space<vmem>>
      %dma_start3A_441 = arith.constant 0 : i32
      %dma_start3A_442 = arith.constant 0 : i32
      %dma_start3A_443 = tpu.memref_slice %arg23[%dma_start3A_441, %dma_start3A_442] : memref<10112x64xf32, #tpu.memory_space<vmem_shared>> -> memref<10112x64xf32, #tpu.memory_space<vmem_shared>>
      tpu.enqueue_indirect_dma source(%arg20 : memref<128x64xf32, #tpu.memory_space<vmem>>) target(%dma_start3A_443 : memref<10112x64xf32, #tpu.memory_space<vmem_shared>>) offsets(%dma_start3A_440 : memref<128xi32, #tpu.memory_space<vmem>>) semaphore(%arg26 : memref<!tpu.dma_semaphore, #tpu.memory_space<semaphore_mem>>) {add = true}
      %dma_start3A_444 = arith.constant 0 : i32
      %dma_start3A_445 = tpu.memref_slice %arg18[%add3A_431, %dma_start3A_444] : memref<80x128xi32, #tpu.memory_space<vmem>> -> memref<1x128xi32, #tpu.memory_space<vmem>>
      %dma_start3A_446 = tpu.memref_squeeze %dma_start3A_445 : memref<1x128xi32, #tpu.memory_space<vmem>> -> memref<128xi32, #tpu.memory_space<vmem>>
      %dma_start3A_447 = arith.constant 0 : i32
      %dma_start3A_448 = arith.constant 0 : i32
      %dma_start3A_449 = tpu.memref_slice %arg24[%dma_start3A_447, %dma_start3A_448] : memref<10112x16xf32, #tpu.memory_space<vmem_shared>> -> memref<10112x16xf32, #tpu.memory_space<vmem_shared>>
      tpu.enqueue_indirect_dma source(%arg15 : memref<128x16xf32, #tpu.memory_space<vmem>>) target(%dma_start3A_449 : memref<10112x16xf32, #tpu.memory_space<vmem_shared>>) offsets(%dma_start3A_446 : memref<128xi32, #tpu.memory_space<vmem>>) semaphore(%arg27 : memref<!tpu.dma_semaphore, #tpu.memory_space<semaphore_mem>>) {add = true}
      %dma_wait3A_450 = arith.constant 0 : i32
      %dma_wait3A_451 = tpu.memref_slice %arg18[%add3A_431, %dma_wait3A_450] : memref<80x128xi32, #tpu.memory_space<vmem>> -> memref<1x128xi32, #tpu.memory_space<vmem>>
      %dma_wait3A_452 = tpu.memref_squeeze %dma_wait3A_451 : memref<1x128xi32, #tpu.memory_space<vmem>> -> memref<128xi32, #tpu.memory_space<vmem>>
      %dma_wait3A_453 = arith.constant 0 : i32
      %dma_wait3A_454 = arith.constant 0 : i32
      %dma_wait3A_455 = tpu.memref_slice %arg23[%dma_wait3A_453, %dma_wait3A_454] : memref<10112x64xf32, #tpu.memory_space<vmem_shared>> -> memref<10112x64xf32, #tpu.memory_space<vmem_shared>>
      tpu.wait_indirect_dma semaphore(%arg26 : memref<!tpu.dma_semaphore, #tpu.memory_space<semaphore_mem>>) src(%arg20 : memref<128x64xf32, #tpu.memory_space<vmem>>) dst(%dma_wait3A_455 : memref<10112x64xf32, #tpu.memory_space<vmem_shared>>)
      %dma_wait3A_456 = arith.constant 0 : i32
      %dma_wait3A_457 = tpu.memref_slice %arg18[%add3A_431, %dma_wait3A_456] : memref<80x128xi32, #tpu.memory_space<vmem>> -> memref<1x128xi32, #tpu.memory_space<vmem>>
      %dma_wait3A_458 = tpu.memref_squeeze %dma_wait3A_457 : memref<1x128xi32, #tpu.memory_space<vmem>> -> memref<128xi32, #tpu.memory_space<vmem>>
      %dma_wait3A_459 = arith.constant 0 : i32
      %dma_wait3A_460 = arith.constant 0 : i32
      %dma_wait3A_461 = tpu.memref_slice %arg24[%dma_wait3A_459, %dma_wait3A_460] : memref<10112x16xf32, #tpu.memory_space<vmem_shared>> -> memref<10112x16xf32, #tpu.memory_space<vmem_shared>>
      tpu.wait_indirect_dma semaphore(%arg27 : memref<!tpu.dma_semaphore, #tpu.memory_space<semaphore_mem>>) src(%arg15 : memref<128x16xf32, #tpu.memory_space<vmem>>) dst(%dma_wait3A_461 : memref<10112x16xf32, #tpu.memory_space<vmem_shared>>)
      %add3A_462 = arith.constant 2 : i32
      %add3A_463 = arith.addi %add3A_431, %add3A_462 : i32
      %rem3A_464 = arith.constant 80 : i32
      %rem3A_465 = arith.remsi %add3A_463, %rem3A_464 : i32
      %dma_start3A_466 = arith.constant 0 : i32
      %dma_start3A_467 = tpu.memref_slice %arg16[%rem3A_465, %dma_start3A_466] : memref<80x128xi32, #tpu.memory_space<vmem>> -> memref<1x128xi32, #tpu.memory_space<vmem>>
      %dma_start3A_468 = tpu.memref_squeeze %dma_start3A_467 : memref<1x128xi32, #tpu.memory_space<vmem>> -> memref<128xi32, #tpu.memory_space<vmem>>
      %dma_start3A_469 = arith.constant 0 : i32
      %dma_start3A_470 = arith.constant 0 : i32
      %dma_start3A_471 = tpu.memref_slice %arg2[%dma_start3A_469, %dma_start3A_470] : memref<20000x64xf32, #tpu.memory_space<hbm>> -> memref<20000x64xf32, #tpu.memory_space<hbm>>
      tpu.enqueue_indirect_dma source(%dma_start3A_471 : memref<20000x64xf32, #tpu.memory_space<hbm>>) target(%arg22 : memref<128x64xf32, #tpu.memory_space<vmem>>) offsets(%dma_start3A_468 : memref<128xi32, #tpu.memory_space<vmem>>) semaphore(%arg25 : memref<!tpu.dma_semaphore, #tpu.memory_space<semaphore_mem>>)
      %add3A_472 = arith.constant 2 : i32
      %add3A_473 = arith.addi %mul3A_387, %add3A_472 : i32
      %dma_wait3A_474 = arith.constant 0 : i32
      %dma_wait3A_475 = tpu.memref_slice %arg16[%add3A_473, %dma_wait3A_474] : memref<80x128xi32, #tpu.memory_space<vmem>> -> memref<1x128xi32, #tpu.memory_space<vmem>>
      %dma_wait3A_476 = tpu.memref_squeeze %dma_wait3A_475 : memref<1x128xi32, #tpu.memory_space<vmem>> -> memref<128xi32, #tpu.memory_space<vmem>>
      %dma_wait3A_477 = arith.constant 0 : i32
      %dma_wait3A_478 = arith.constant 0 : i32
      %dma_wait3A_479 = tpu.memref_slice %arg2[%dma_wait3A_477, %dma_wait3A_478] : memref<20000x64xf32, #tpu.memory_space<hbm>> -> memref<20000x64xf32, #tpu.memory_space<hbm>>
      tpu.wait_indirect_dma semaphore(%arg25 : memref<!tpu.dma_semaphore, #tpu.memory_space<semaphore_mem>>) src(%dma_wait3A_479 : memref<20000x64xf32, #tpu.memory_space<hbm>>) dst(%arg21 : memref<128x64xf32, #tpu.memory_space<vmem>>)
      %dma_start3A_480 = arith.constant 0 : i32
      %dma_start3A_481 = tpu.memref_slice %arg18[%add3A_473, %dma_start3A_480] : memref<80x128xi32, #tpu.memory_space<vmem>> -> memref<1x128xi32, #tpu.memory_space<vmem>>
      %dma_start3A_482 = tpu.memref_squeeze %dma_start3A_481 : memref<1x128xi32, #tpu.memory_space<vmem>> -> memref<128xi32, #tpu.memory_space<vmem>>
      %dma_start3A_483 = arith.constant 0 : i32
      %dma_start3A_484 = arith.constant 0 : i32
      %dma_start3A_485 = tpu.memref_slice %arg23[%dma_start3A_483, %dma_start3A_484] : memref<10112x64xf32, #tpu.memory_space<vmem_shared>> -> memref<10112x64xf32, #tpu.memory_space<vmem_shared>>
      tpu.enqueue_indirect_dma source(%arg21 : memref<128x64xf32, #tpu.memory_space<vmem>>) target(%dma_start3A_485 : memref<10112x64xf32, #tpu.memory_space<vmem_shared>>) offsets(%dma_start3A_482 : memref<128xi32, #tpu.memory_space<vmem>>) semaphore(%arg26 : memref<!tpu.dma_semaphore, #tpu.memory_space<semaphore_mem>>) {add = true}
      %dma_start3A_486 = arith.constant 0 : i32
      %dma_start3A_487 = tpu.memref_slice %arg18[%add3A_473, %dma_start3A_486] : memref<80x128xi32, #tpu.memory_space<vmem>> -> memref<1x128xi32, #tpu.memory_space<vmem>>
      %dma_start3A_488 = tpu.memref_squeeze %dma_start3A_487 : memref<1x128xi32, #tpu.memory_space<vmem>> -> memref<128xi32, #tpu.memory_space<vmem>>
      %dma_start3A_489 = arith.constant 0 : i32
      %dma_start3A_490 = arith.constant 0 : i32
      %dma_start3A_491 = tpu.memref_slice %arg24[%dma_start3A_489, %dma_start3A_490] : memref<10112x16xf32, #tpu.memory_space<vmem_shared>> -> memref<10112x16xf32, #tpu.memory_space<vmem_shared>>
      tpu.enqueue_indirect_dma source(%arg15 : memref<128x16xf32, #tpu.memory_space<vmem>>) target(%dma_start3A_491 : memref<10112x16xf32, #tpu.memory_space<vmem_shared>>) offsets(%dma_start3A_488 : memref<128xi32, #tpu.memory_space<vmem>>) semaphore(%arg27 : memref<!tpu.dma_semaphore, #tpu.memory_space<semaphore_mem>>) {add = true}
      %dma_wait3A_492 = arith.constant 0 : i32
      %dma_wait3A_493 = tpu.memref_slice %arg18[%add3A_473, %dma_wait3A_492] : memref<80x128xi32, #tpu.memory_space<vmem>> -> memref<1x128xi32, #tpu.memory_space<vmem>>
      %dma_wait3A_494 = tpu.memref_squeeze %dma_wait3A_493 : memref<1x128xi32, #tpu.memory_space<vmem>> -> memref<128xi32, #tpu.memory_space<vmem>>
      %dma_wait3A_495 = arith.constant 0 : i32
      %dma_wait3A_496 = arith.constant 0 : i32
      %dma_wait3A_497 = tpu.memref_slice %arg23[%dma_wait3A_495, %dma_wait3A_496] : memref<10112x64xf32, #tpu.memory_space<vmem_shared>> -> memref<10112x64xf32, #tpu.memory_space<vmem_shared>>
      tpu.wait_indirect_dma semaphore(%arg26 : memref<!tpu.dma_semaphore, #tpu.memory_space<semaphore_mem>>) src(%arg21 : memref<128x64xf32, #tpu.memory_space<vmem>>) dst(%dma_wait3A_497 : memref<10112x64xf32, #tpu.memory_space<vmem_shared>>)
      %dma_wait3A_498 = arith.constant 0 : i32
      %dma_wait3A_499 = tpu.memref_slice %arg18[%add3A_473, %dma_wait3A_498] : memref<80x128xi32, #tpu.memory_space<vmem>> -> memref<1x128xi32, #tpu.memory_space<vmem>>
      %dma_wait3A_500 = tpu.memref_squeeze %dma_wait3A_499 : memref<1x128xi32, #tpu.memory_space<vmem>> -> memref<128xi32, #tpu.memory_space<vmem>>
      %dma_wait3A_501 = arith.constant 0 : i32
      %dma_wait3A_502 = arith.constant 0 : i32
      %dma_wait3A_503 = tpu.memref_slice %arg24[%dma_wait3A_501, %dma_wait3A_502] : memref<10112x16xf32, #tpu.memory_space<vmem_shared>> -> memref<10112x16xf32, #tpu.memory_space<vmem_shared>>
      tpu.wait_indirect_dma semaphore(%arg27 : memref<!tpu.dma_semaphore, #tpu.memory_space<semaphore_mem>>) src(%arg15 : memref<128x16xf32, #tpu.memory_space<vmem>>) dst(%dma_wait3A_503 : memref<10112x16xf32, #tpu.memory_space<vmem_shared>>)
      %add3A_504 = arith.constant 2 : i32
      %add3A_505 = arith.addi %add3A_473, %add3A_504 : i32
      %rem3A_506 = arith.constant 80 : i32
      %rem3A_507 = arith.remsi %add3A_505, %rem3A_506 : i32
      %dma_start3A_508 = arith.constant 0 : i32
      %dma_start3A_509 = tpu.memref_slice %arg16[%rem3A_507, %dma_start3A_508] : memref<80x128xi32, #tpu.memory_space<vmem>> -> memref<1x128xi32, #tpu.memory_space<vmem>>
      %dma_start3A_510 = tpu.memref_squeeze %dma_start3A_509 : memref<1x128xi32, #tpu.memory_space<vmem>> -> memref<128xi32, #tpu.memory_space<vmem>>
      %dma_start3A_511 = arith.constant 0 : i32
      %dma_start3A_512 = arith.constant 0 : i32
      %dma_start3A_513 = tpu.memref_slice %arg2[%dma_start3A_511, %dma_start3A_512] : memref<20000x64xf32, #tpu.memory_space<hbm>> -> memref<20000x64xf32, #tpu.memory_space<hbm>>
      tpu.enqueue_indirect_dma source(%dma_start3A_513 : memref<20000x64xf32, #tpu.memory_space<hbm>>) target(%arg19 : memref<128x64xf32, #tpu.memory_space<vmem>>) offsets(%dma_start3A_510 : memref<128xi32, #tpu.memory_space<vmem>>) semaphore(%arg25 : memref<!tpu.dma_semaphore, #tpu.memory_space<semaphore_mem>>)
      %add3A_514 = arith.constant 3 : i32
      %add3A_515 = arith.addi %mul3A_387, %add3A_514 : i32
      %dma_wait3A_516 = arith.constant 0 : i32
      %dma_wait3A_517 = tpu.memref_slice %arg16[%add3A_515, %dma_wait3A_516] : memref<80x128xi32, #tpu.memory_space<vmem>> -> memref<1x128xi32, #tpu.memory_space<vmem>>
      %dma_wait3A_518 = tpu.memref_squeeze %dma_wait3A_517 : memref<1x128xi32, #tpu.memory_space<vmem>> -> memref<128xi32, #tpu.memory_space<vmem>>
      %dma_wait3A_519 = arith.constant 0 : i32
      %dma_wait3A_520 = arith.constant 0 : i32
      %dma_wait3A_521 = tpu.memref_slice %arg2[%dma_wait3A_519, %dma_wait3A_520] : memref<20000x64xf32, #tpu.memory_space<hbm>> -> memref<20000x64xf32, #tpu.memory_space<hbm>>
      tpu.wait_indirect_dma semaphore(%arg25 : memref<!tpu.dma_semaphore, #tpu.memory_space<semaphore_mem>>) src(%dma_wait3A_521 : memref<20000x64xf32, #tpu.memory_space<hbm>>) dst(%arg22 : memref<128x64xf32, #tpu.memory_space<vmem>>)
      %dma_start3A_522 = arith.constant 0 : i32
      %dma_start3A_523 = tpu.memref_slice %arg18[%add3A_515, %dma_start3A_522] : memref<80x128xi32, #tpu.memory_space<vmem>> -> memref<1x128xi32, #tpu.memory_space<vmem>>
      %dma_start3A_524 = tpu.memref_squeeze %dma_start3A_523 : memref<1x128xi32, #tpu.memory_space<vmem>> -> memref<128xi32, #tpu.memory_space<vmem>>
      %dma_start3A_525 = arith.constant 0 : i32
      %dma_start3A_526 = arith.constant 0 : i32
      %dma_start3A_527 = tpu.memref_slice %arg23[%dma_start3A_525, %dma_start3A_526] : memref<10112x64xf32, #tpu.memory_space<vmem_shared>> -> memref<10112x64xf32, #tpu.memory_space<vmem_shared>>
      tpu.enqueue_indirect_dma source(%arg22 : memref<128x64xf32, #tpu.memory_space<vmem>>) target(%dma_start3A_527 : memref<10112x64xf32, #tpu.memory_space<vmem_shared>>) offsets(%dma_start3A_524 : memref<128xi32, #tpu.memory_space<vmem>>) semaphore(%arg26 : memref<!tpu.dma_semaphore, #tpu.memory_space<semaphore_mem>>) {add = true}
      %dma_start3A_528 = arith.constant 0 : i32
      %dma_start3A_529 = tpu.memref_slice %arg18[%add3A_515, %dma_start3A_528] : memref<80x128xi32, #tpu.memory_space<vmem>> -> memref<1x128xi32, #tpu.memory_space<vmem>>
      %dma_start3A_530 = tpu.memref_squeeze %dma_start3A_529 : memref<1x128xi32, #tpu.memory_space<vmem>> -> memref<128xi32, #tpu.memory_space<vmem>>
      %dma_start3A_531 = arith.constant 0 : i32
      %dma_start3A_532 = arith.constant 0 : i32
      %dma_start3A_533 = tpu.memref_slice %arg24[%dma_start3A_531, %dma_start3A_532] : memref<10112x16xf32, #tpu.memory_space<vmem_shared>> -> memref<10112x16xf32, #tpu.memory_space<vmem_shared>>
      tpu.enqueue_indirect_dma source(%arg15 : memref<128x16xf32, #tpu.memory_space<vmem>>) target(%dma_start3A_533 : memref<10112x16xf32, #tpu.memory_space<vmem_shared>>) offsets(%dma_start3A_530 : memref<128xi32, #tpu.memory_space<vmem>>) semaphore(%arg27 : memref<!tpu.dma_semaphore, #tpu.memory_space<semaphore_mem>>) {add = true}
      %dma_wait3A_534 = arith.constant 0 : i32
      %dma_wait3A_535 = tpu.memref_slice %arg18[%add3A_515, %dma_wait3A_534] : memref<80x128xi32, #tpu.memory_space<vmem>> -> memref<1x128xi32, #tpu.memory_space<vmem>>
      %dma_wait3A_536 = tpu.memref_squeeze %dma_wait3A_535 : memref<1x128xi32, #tpu.memory_space<vmem>> -> memref<128xi32, #tpu.memory_space<vmem>>
      %dma_wait3A_537 = arith.constant 0 : i32
      %dma_wait3A_538 = arith.constant 0 : i32
      %dma_wait3A_539 = tpu.memref_slice %arg23[%dma_wait3A_537, %dma_wait3A_538] : memref<10112x64xf32, #tpu.memory_space<vmem_shared>> -> memref<10112x64xf32, #tpu.memory_space<vmem_shared>>
      tpu.wait_indirect_dma semaphore(%arg26 : memref<!tpu.dma_semaphore, #tpu.memory_space<semaphore_mem>>) src(%arg22 : memref<128x64xf32, #tpu.memory_space<vmem>>) dst(%dma_wait3A_539 : memref<10112x64xf32, #tpu.memory_space<vmem_shared>>)
      %dma_wait3A_540 = arith.constant 0 : i32
      %dma_wait3A_541 = tpu.memref_slice %arg18[%add3A_515, %dma_wait3A_540] : memref<80x128xi32, #tpu.memory_space<vmem>> -> memref<1x128xi32, #tpu.memory_space<vmem>>
      %dma_wait3A_542 = tpu.memref_squeeze %dma_wait3A_541 : memref<1x128xi32, #tpu.memory_space<vmem>> -> memref<128xi32, #tpu.memory_space<vmem>>
      %dma_wait3A_543 = arith.constant 0 : i32
      %dma_wait3A_544 = arith.constant 0 : i32
      %dma_wait3A_545 = tpu.memref_slice %arg24[%dma_wait3A_543, %dma_wait3A_544] : memref<10112x16xf32, #tpu.memory_space<vmem_shared>> -> memref<10112x16xf32, #tpu.memory_space<vmem_shared>>
      tpu.wait_indirect_dma semaphore(%arg27 : memref<!tpu.dma_semaphore, #tpu.memory_space<semaphore_mem>>) src(%arg15 : memref<128x16xf32, #tpu.memory_space<vmem>>) dst(%dma_wait3A_545 : memref<10112x16xf32, #tpu.memory_space<vmem_shared>>)
      %add3A_546 = arith.constant 2 : i32
      %add3A_547 = arith.addi %add3A_515, %add3A_546 : i32
      %rem3A_548 = arith.constant 80 : i32
      %rem3A_549 = arith.remsi %add3A_547, %rem3A_548 : i32
      %dma_start3A_550 = arith.constant 0 : i32
      %dma_start3A_551 = tpu.memref_slice %arg16[%rem3A_549, %dma_start3A_550] : memref<80x128xi32, #tpu.memory_space<vmem>> -> memref<1x128xi32, #tpu.memory_space<vmem>>
      %dma_start3A_552 = tpu.memref_squeeze %dma_start3A_551 : memref<1x128xi32, #tpu.memory_space<vmem>> -> memref<128xi32, #tpu.memory_space<vmem>>
      %dma_start3A_553 = arith.constant 0 : i32
      %dma_start3A_554 = arith.constant 0 : i32
      %dma_start3A_555 = tpu.memref_slice %arg2[%dma_start3A_553, %dma_start3A_554] : memref<20000x64xf32, #tpu.memory_space<hbm>> -> memref<20000x64xf32, #tpu.memory_space<hbm>>
      tpu.enqueue_indirect_dma source(%dma_start3A_555 : memref<20000x64xf32, #tpu.memory_space<hbm>>) target(%arg20 : memref<128x64xf32, #tpu.memory_space<vmem>>) offsets(%dma_start3A_552 : memref<128xi32, #tpu.memory_space<vmem>>) semaphore(%arg25 : memref<!tpu.dma_semaphore, #tpu.memory_space<semaphore_mem>>)
    }
    %scan3A_168 = arith.constant 19 : i32
    %dma_wait3A_169 = arith.constant 0 : i32
    %dma_wait3A_170 = arith.constant 0 : i32
    %dma_wait3A_171 = tpu.memref_slice %arg18[%dma_wait3A_169, %dma_wait3A_170] : memref<80x128xi32, #tpu.memory_space<vmem>> -> memref<1x128xi32, #tpu.memory_space<vmem>>
    %dma_wait3A_172 = tpu.memref_squeeze %dma_wait3A_171 : memref<1x128xi32, #tpu.memory_space<vmem>> -> memref<128xi32, #tpu.memory_space<vmem>>
    %dma_wait3A_173 = arith.constant 0 : i32
    %dma_wait3A_174 = arith.constant 0 : i32
    %dma_wait3A_175 = tpu.memref_slice %arg23[%dma_wait3A_173, %dma_wait3A_174] : memref<10112x64xf32, #tpu.memory_space<vmem_shared>> -> memref<10112x64xf32, #tpu.memory_space<vmem_shared>>
    tpu.wait_indirect_dma semaphore(%arg26 : memref<!tpu.dma_semaphore, #tpu.memory_space<semaphore_mem>>) src(%arg19 : memref<128x64xf32, #tpu.memory_space<vmem>>) dst(%dma_wait3A_175 : memref<10112x64xf32, #tpu.memory_space<vmem_shared>>)
    %dma_wait3A_176 = arith.constant 0 : i32
    %dma_wait3A_177 = arith.constant 0 : i32
    %dma_wait3A_178 = tpu.memref_slice %arg18[%dma_wait3A_176, %dma_wait3A_177] : memref<80x128xi32, #tpu.memory_space<vmem>> -> memref<1x128xi32, #tpu.memory_space<vmem>>
    %dma_wait3A_179 = tpu.memref_squeeze %dma_wait3A_178 : memref<1x128xi32, #tpu.memory_space<vmem>> -> memref<128xi32, #tpu.memory_space<vmem>>
    %dma_wait3A_180 = arith.constant 0 : i32
    %dma_wait3A_181 = arith.constant 0 : i32
    %dma_wait3A_182 = tpu.memref_slice %arg24[%dma_wait3A_180, %dma_wait3A_181] : memref<10112x16xf32, #tpu.memory_space<vmem_shared>> -> memref<10112x16xf32, #tpu.memory_space<vmem_shared>>
    tpu.wait_indirect_dma semaphore(%arg27 : memref<!tpu.dma_semaphore, #tpu.memory_space<semaphore_mem>>) src(%arg15 : memref<128x16xf32, #tpu.memory_space<vmem>>) dst(%dma_wait3A_182 : memref<10112x16xf32, #tpu.memory_space<vmem_shared>>)
    %dma_wait3A_183 = arith.constant 0 : i32
    %dma_wait3A_184 = arith.constant 0 : i32
    %dma_wait3A_185 = tpu.memref_slice %arg16[%dma_wait3A_183, %dma_wait3A_184] : memref<80x128xi32, #tpu.memory_space<vmem>> -> memref<1x128xi32, #tpu.memory_space<vmem>>
    %dma_wait3A_186 = tpu.memref_squeeze %dma_wait3A_185 : memref<1x128xi32, #tpu.memory_space<vmem>> -> memref<128xi32, #tpu.memory_space<vmem>>
    %dma_wait3A_187 = arith.constant 0 : i32
    %dma_wait3A_188 = arith.constant 0 : i32
    %dma_wait3A_189 = tpu.memref_slice %arg2[%dma_wait3A_187, %dma_wait3A_188] : memref<20000x64xf32, #tpu.memory_space<hbm>> -> memref<20000x64xf32, #tpu.memory_space<hbm>>
    tpu.wait_indirect_dma semaphore(%arg25 : memref<!tpu.dma_semaphore, #tpu.memory_space<semaphore_mem>>) src(%dma_wait3A_189 : memref<20000x64xf32, #tpu.memory_space<hbm>>) dst(%arg19 : memref<128x64xf32, #tpu.memory_space<vmem>>)
    %dma_wait3A_190 = arith.constant 0 : i32
    %dma_wait3A_191 = arith.constant 0 : i32
    %dma_wait3A_192 = tpu.memref_slice %arg18[%dma_wait3A_190, %dma_wait3A_191] : memref<80x128xi32, #tpu.memory_space<vmem>> -> memref<1x128xi32, #tpu.memory_space<vmem>>
    %dma_wait3A_193 = tpu.memref_squeeze %dma_wait3A_192 : memref<1x128xi32, #tpu.memory_space<vmem>> -> memref<128xi32, #tpu.memory_space<vmem>>
    %dma_wait3A_194 = arith.constant 0 : i32
    %dma_wait3A_195 = arith.constant 0 : i32
    %dma_wait3A_196 = tpu.memref_slice %arg23[%dma_wait3A_194, %dma_wait3A_195] : memref<10112x64xf32, #tpu.memory_space<vmem_shared>> -> memref<10112x64xf32, #tpu.memory_space<vmem_shared>>
    tpu.wait_indirect_dma semaphore(%arg26 : memref<!tpu.dma_semaphore, #tpu.memory_space<semaphore_mem>>) src(%arg20 : memref<128x64xf32, #tpu.memory_space<vmem>>) dst(%dma_wait3A_196 : memref<10112x64xf32, #tpu.memory_space<vmem_shared>>)
    %dma_wait3A_197 = arith.constant 0 : i32
    %dma_wait3A_198 = arith.constant 0 : i32
    %dma_wait3A_199 = tpu.memref_slice %arg18[%dma_wait3A_197, %dma_wait3A_198] : memref<80x128xi32, #tpu.memory_space<vmem>> -> memref<1x128xi32, #tpu.memory_space<vmem>>
    %dma_wait3A_200 = tpu.memref_squeeze %dma_wait3A_199 : memref<1x128xi32, #tpu.memory_space<vmem>> -> memref<128xi32, #tpu.memory_space<vmem>>
    %dma_wait3A_201 = arith.constant 0 : i32
    %dma_wait3A_202 = arith.constant 0 : i32
    %dma_wait3A_203 = tpu.memref_slice %arg24[%dma_wait3A_201, %dma_wait3A_202] : memref<10112x16xf32, #tpu.memory_space<vmem_shared>> -> memref<10112x16xf32, #tpu.memory_space<vmem_shared>>
    tpu.wait_indirect_dma semaphore(%arg27 : memref<!tpu.dma_semaphore, #tpu.memory_space<semaphore_mem>>) src(%arg15 : memref<128x16xf32, #tpu.memory_space<vmem>>) dst(%dma_wait3A_203 : memref<10112x16xf32, #tpu.memory_space<vmem_shared>>)
    %dma_wait3A_204 = arith.constant 0 : i32
    %dma_wait3A_205 = arith.constant 0 : i32
    %dma_wait3A_206 = tpu.memref_slice %arg16[%dma_wait3A_204, %dma_wait3A_205] : memref<80x128xi32, #tpu.memory_space<vmem>> -> memref<1x128xi32, #tpu.memory_space<vmem>>
    %dma_wait3A_207 = tpu.memref_squeeze %dma_wait3A_206 : memref<1x128xi32, #tpu.memory_space<vmem>> -> memref<128xi32, #tpu.memory_space<vmem>>
    %dma_wait3A_208 = arith.constant 0 : i32
    %dma_wait3A_209 = arith.constant 0 : i32
    %dma_wait3A_210 = tpu.memref_slice %arg2[%dma_wait3A_208, %dma_wait3A_209] : memref<20000x64xf32, #tpu.memory_space<hbm>> -> memref<20000x64xf32, #tpu.memory_space<hbm>>
    tpu.wait_indirect_dma semaphore(%arg25 : memref<!tpu.dma_semaphore, #tpu.memory_space<semaphore_mem>>) src(%dma_wait3A_210 : memref<20000x64xf32, #tpu.memory_space<hbm>>) dst(%arg20 : memref<128x64xf32, #tpu.memory_space<vmem>>)
    %barrier3A_211 = arith.constant 0 : index
    tpu.barrier barrier_id(%barrier3A_211)
    %eq3A = arith.constant 0 : i32
    %eq3A_212 = arith.cmpi eq, %arg0, %eq3A : i32
    %convert_element_type3A = arith.extui %eq3A_212 : i1 to i32
    %cond3A = arith.constant 0 : i32
    %cond3A_213 = arith.cmpi ne, %convert_element_type3A, %cond3A : i32
    scf.if %cond3A_213 {
      "tpu.region"() ({
        %run_scoped3A = tpu.sem_alloc : memref<!tpu.dma_semaphore, #tpu.memory_space<semaphore_mem>>
        %dma_start3A_385 = arith.constant 0 : i32
        %dma_start3A_386 = tpu.memref_slice %arg9[%mul3A_2, %dma_start3A_385] : memref<10112x64xf32, #tpu.memory_space<hbm>> -> memref<632x64xf32, #tpu.memory_space<hbm>>
        %dma_start3A_387 = arith.constant 0 : i32
        %dma_start3A_388 = tpu.memref_slice %arg23[%mul3A_2, %dma_start3A_387] : memref<10112x64xf32, #tpu.memory_space<vmem_shared>> -> memref<632x64xf32, #tpu.memory_space<vmem_shared>>
        tpu.enqueue_dma source(%dma_start3A_388 : memref<632x64xf32, #tpu.memory_space<vmem_shared>>) target(%dma_start3A_386 : memref<632x64xf32, #tpu.memory_space<hbm>>) target_semaphore(%run_scoped3A : memref<!tpu.dma_semaphore, #tpu.memory_space<semaphore_mem>>)
        %dma_wait3A_389 = arith.constant 0 : i32
        %dma_wait3A_390 = tpu.memref_slice %arg9[%mul3A_2, %dma_wait3A_389] : memref<10112x64xf32, #tpu.memory_space<hbm>> -> memref<632x64xf32, #tpu.memory_space<hbm>>
        %dma_wait3A_391 = arith.constant 0 : i32
        %dma_wait3A_392 = tpu.memref_slice %arg23[%mul3A_2, %dma_wait3A_391] : memref<10112x64xf32, #tpu.memory_space<vmem_shared>> -> memref<632x64xf32, #tpu.memory_space<vmem_shared>>
        tpu.wait_dma2 semaphore(%run_scoped3A : memref<!tpu.dma_semaphore, #tpu.memory_space<semaphore_mem>>) src(%dma_wait3A_392 : memref<632x64xf32, #tpu.memory_space<vmem_shared>>) dst(%dma_wait3A_390 : memref<632x64xf32, #tpu.memory_space<hbm>>)
        tpu.yield
      }) : () -> ()
      "tpu.region"() ({
        %run_scoped3A = tpu.sem_alloc : memref<!tpu.dma_semaphore, #tpu.memory_space<semaphore_mem>>
        %dma_start3A_385 = arith.constant 0 : i32
        %dma_start3A_386 = tpu.memref_slice %arg13[%mul3A_2, %dma_start3A_385] : memref<10112x16xf32, #tpu.memory_space<hbm>> -> memref<632x16xf32, #tpu.memory_space<hbm>>
        %dma_start3A_387 = arith.constant 0 : i32
        %dma_start3A_388 = tpu.memref_slice %arg24[%mul3A_2, %dma_start3A_387] : memref<10112x16xf32, #tpu.memory_space<vmem_shared>> -> memref<632x16xf32, #tpu.memory_space<vmem_shared>>
        tpu.enqueue_dma source(%dma_start3A_388 : memref<632x16xf32, #tpu.memory_space<vmem_shared>>) target(%dma_start3A_386 : memref<632x16xf32, #tpu.memory_space<hbm>>) target_semaphore(%run_scoped3A : memref<!tpu.dma_semaphore, #tpu.memory_space<semaphore_mem>>)
        %dma_wait3A_389 = arith.constant 0 : i32
        %dma_wait3A_390 = tpu.memref_slice %arg13[%mul3A_2, %dma_wait3A_389] : memref<10112x16xf32, #tpu.memory_space<hbm>> -> memref<632x16xf32, #tpu.memory_space<hbm>>
        %dma_wait3A_391 = arith.constant 0 : i32
        %dma_wait3A_392 = tpu.memref_slice %arg24[%mul3A_2, %dma_wait3A_391] : memref<10112x16xf32, #tpu.memory_space<vmem_shared>> -> memref<632x16xf32, #tpu.memory_space<vmem_shared>>
        tpu.wait_dma2 semaphore(%run_scoped3A : memref<!tpu.dma_semaphore, #tpu.memory_space<semaphore_mem>>) src(%dma_wait3A_392 : memref<632x16xf32, #tpu.memory_space<vmem_shared>>) dst(%dma_wait3A_390 : memref<632x16xf32, #tpu.memory_space<hbm>>)
        tpu.yield
      }) : () -> ()
    } else {
    }
    %eq3A_214 = arith.constant 1 : i32
    %eq3A_215 = arith.cmpi eq, %arg0, %eq3A_214 : i32
    %convert_element_type3A_216 = arith.extui %eq3A_215 : i1 to i32
    %cond3A_217 = arith.constant 0 : i32
    %cond3A_218 = arith.cmpi ne, %convert_element_type3A_216, %cond3A_217 : i32
    scf.if %cond3A_218 {
      "tpu.region"() ({
        %run_scoped3A = tpu.sem_alloc : memref<!tpu.dma_semaphore, #tpu.memory_space<semaphore_mem>>
        %dma_start3A_385 = arith.constant 0 : i32
        %dma_start3A_386 = tpu.memref_slice %arg11[%mul3A_2, %dma_start3A_385] : memref<10112x64xf32, #tpu.memory_space<hbm>> -> memref<632x64xf32, #tpu.memory_space<hbm>>
        %dma_start3A_387 = arith.constant 0 : i32
        %dma_start3A_388 = tpu.memref_slice %arg23[%mul3A_2, %dma_start3A_387] : memref<10112x64xf32, #tpu.memory_space<vmem_shared>> -> memref<632x64xf32, #tpu.memory_space<vmem_shared>>
        tpu.enqueue_dma source(%dma_start3A_388 : memref<632x64xf32, #tpu.memory_space<vmem_shared>>) target(%dma_start3A_386 : memref<632x64xf32, #tpu.memory_space<hbm>>) target_semaphore(%run_scoped3A : memref<!tpu.dma_semaphore, #tpu.memory_space<semaphore_mem>>)
        %dma_wait3A_389 = arith.constant 0 : i32
        %dma_wait3A_390 = tpu.memref_slice %arg11[%mul3A_2, %dma_wait3A_389] : memref<10112x64xf32, #tpu.memory_space<hbm>> -> memref<632x64xf32, #tpu.memory_space<hbm>>
        %dma_wait3A_391 = arith.constant 0 : i32
        %dma_wait3A_392 = tpu.memref_slice %arg23[%mul3A_2, %dma_wait3A_391] : memref<10112x64xf32, #tpu.memory_space<vmem_shared>> -> memref<632x64xf32, #tpu.memory_space<vmem_shared>>
        tpu.wait_dma2 semaphore(%run_scoped3A : memref<!tpu.dma_semaphore, #tpu.memory_space<semaphore_mem>>) src(%dma_wait3A_392 : memref<632x64xf32, #tpu.memory_space<vmem_shared>>) dst(%dma_wait3A_390 : memref<632x64xf32, #tpu.memory_space<hbm>>)
        tpu.yield
      }) : () -> ()
      "tpu.region"() ({
        %run_scoped3A = tpu.sem_alloc : memref<!tpu.dma_semaphore, #tpu.memory_space<semaphore_mem>>
        %dma_start3A_385 = arith.constant 0 : i32
        %dma_start3A_386 = tpu.memref_slice %arg14[%mul3A_2, %dma_start3A_385] : memref<10112x16xf32, #tpu.memory_space<hbm>> -> memref<632x16xf32, #tpu.memory_space<hbm>>
        %dma_start3A_387 = arith.constant 0 : i32
        %dma_start3A_388 = tpu.memref_slice %arg24[%mul3A_2, %dma_start3A_387] : memref<10112x16xf32, #tpu.memory_space<vmem_shared>> -> memref<632x16xf32, #tpu.memory_space<vmem_shared>>
        tpu.enqueue_dma source(%dma_start3A_388 : memref<632x16xf32, #tpu.memory_space<vmem_shared>>) target(%dma_start3A_386 : memref<632x16xf32, #tpu.memory_space<hbm>>) target_semaphore(%run_scoped3A : memref<!tpu.dma_semaphore, #tpu.memory_space<semaphore_mem>>)
        %dma_wait3A_389 = arith.constant 0 : i32
        %dma_wait3A_390 = tpu.memref_slice %arg14[%mul3A_2, %dma_wait3A_389] : memref<10112x16xf32, #tpu.memory_space<hbm>> -> memref<632x16xf32, #tpu.memory_space<hbm>>
        %dma_wait3A_391 = arith.constant 0 : i32
        %dma_wait3A_392 = tpu.memref_slice %arg24[%mul3A_2, %dma_wait3A_391] : memref<10112x16xf32, #tpu.memory_space<vmem_shared>> -> memref<632x16xf32, #tpu.memory_space<vmem_shared>>
        tpu.wait_dma2 semaphore(%run_scoped3A : memref<!tpu.dma_semaphore, #tpu.memory_space<semaphore_mem>>) src(%dma_wait3A_392 : memref<632x16xf32, #tpu.memory_space<vmem_shared>>) dst(%dma_wait3A_390 : memref<632x16xf32, #tpu.memory_space<hbm>>)
        tpu.yield
      }) : () -> ()
    } else {
    }
    "tpu.region"() ({
      %run_scoped3A = tpu.sem_alloc : memref<!tpu.dma_semaphore, #tpu.memory_space<semaphore_mem>>
      %dma_start3A_385 = arith.constant 0 : i32
      %dma_start3A_386 = tpu.memref_slice %arg23[%mul3A_2, %dma_start3A_385] : memref<10112x64xf32, #tpu.memory_space<vmem_shared>> -> memref<632x64xf32, #tpu.memory_space<vmem_shared>>
      tpu.enqueue_dma source(%arg7 : memref<632x64xf32, #tpu.memory_space<hbm>>) target(%dma_start3A_386 : memref<632x64xf32, #tpu.memory_space<vmem_shared>>) target_semaphore(%run_scoped3A : memref<!tpu.dma_semaphore, #tpu.memory_space<semaphore_mem>>)
      %dma_wait3A_387 = arith.constant 0 : i32
      %dma_wait3A_388 = tpu.memref_slice %arg23[%mul3A_2, %dma_wait3A_387] : memref<10112x64xf32, #tpu.memory_space<vmem_shared>> -> memref<632x64xf32, #tpu.memory_space<vmem_shared>>
      tpu.wait_dma2 semaphore(%run_scoped3A : memref<!tpu.dma_semaphore, #tpu.memory_space<semaphore_mem>>) src(%arg7 : memref<632x64xf32, #tpu.memory_space<hbm>>) dst(%dma_wait3A_388 : memref<632x64xf32, #tpu.memory_space<vmem_shared>>)
      tpu.yield
    }) : () -> ()
    %barrier3A_219 = arith.constant 0 : index
    tpu.barrier barrier_id(%barrier3A_219)
    %dma_start3A_220 = arith.constant 0 : i32
    %dma_start3A_221 = arith.constant 0 : i32
    %dma_start3A_222 = tpu.memref_slice %arg17[%dma_start3A_220, %dma_start3A_221] : memref<80x128xi32, #tpu.memory_space<vmem>> -> memref<1x128xi32, #tpu.memory_space<vmem>>
    %dma_start3A_223 = tpu.memref_squeeze %dma_start3A_222 : memref<1x128xi32, #tpu.memory_space<vmem>> -> memref<128xi32, #tpu.memory_space<vmem>>
    %dma_start3A_224 = arith.constant 0 : i32
    %dma_start3A_225 = arith.constant 0 : i32
    %dma_start3A_226 = tpu.memref_slice %arg2[%dma_start3A_224, %dma_start3A_225] : memref<20000x64xf32, #tpu.memory_space<hbm>> -> memref<20000x64xf32, #tpu.memory_space<hbm>>
    tpu.enqueue_indirect_dma source(%dma_start3A_226 : memref<20000x64xf32, #tpu.memory_space<hbm>>) target(%arg19 : memref<128x64xf32, #tpu.memory_space<vmem>>) offsets(%dma_start3A_223 : memref<128xi32, #tpu.memory_space<vmem>>) semaphore(%arg25 : memref<!tpu.dma_semaphore, #tpu.memory_space<semaphore_mem>>)
    %dma_start3A_227 = arith.constant 1 : i32
    %dma_start3A_228 = arith.constant 0 : i32
    %dma_start3A_229 = tpu.memref_slice %arg17[%dma_start3A_227, %dma_start3A_228] : memref<80x128xi32, #tpu.memory_space<vmem>> -> memref<1x128xi32, #tpu.memory_space<vmem>>
    %dma_start3A_230 = tpu.memref_squeeze %dma_start3A_229 : memref<1x128xi32, #tpu.memory_space<vmem>> -> memref<128xi32, #tpu.memory_space<vmem>>
    %dma_start3A_231 = arith.constant 0 : i32
    %dma_start3A_232 = arith.constant 0 : i32
    %dma_start3A_233 = tpu.memref_slice %arg2[%dma_start3A_231, %dma_start3A_232] : memref<20000x64xf32, #tpu.memory_space<hbm>> -> memref<20000x64xf32, #tpu.memory_space<hbm>>
    tpu.enqueue_indirect_dma source(%dma_start3A_233 : memref<20000x64xf32, #tpu.memory_space<hbm>>) target(%arg20 : memref<128x64xf32, #tpu.memory_space<vmem>>) offsets(%dma_start3A_230 : memref<128xi32, #tpu.memory_space<vmem>>) semaphore(%arg25 : memref<!tpu.dma_semaphore, #tpu.memory_space<semaphore_mem>>)
    %dma_wait3A_234 = arith.constant 0 : i32
    %dma_wait3A_235 = arith.constant 0 : i32
    %dma_wait3A_236 = tpu.memref_slice %arg17[%dma_wait3A_234, %dma_wait3A_235] : memref<80x128xi32, #tpu.memory_space<vmem>> -> memref<1x128xi32, #tpu.memory_space<vmem>>
    %dma_wait3A_237 = tpu.memref_squeeze %dma_wait3A_236 : memref<1x128xi32, #tpu.memory_space<vmem>> -> memref<128xi32, #tpu.memory_space<vmem>>
    %dma_wait3A_238 = arith.constant 0 : i32
    %dma_wait3A_239 = arith.constant 0 : i32
    %dma_wait3A_240 = tpu.memref_slice %arg2[%dma_wait3A_238, %dma_wait3A_239] : memref<20000x64xf32, #tpu.memory_space<hbm>> -> memref<20000x64xf32, #tpu.memory_space<hbm>>
    tpu.wait_indirect_dma semaphore(%arg25 : memref<!tpu.dma_semaphore, #tpu.memory_space<semaphore_mem>>) src(%dma_wait3A_240 : memref<20000x64xf32, #tpu.memory_space<hbm>>) dst(%arg19 : memref<128x64xf32, #tpu.memory_space<vmem>>)
    %dma_start3A_241 = arith.constant 0 : i32
    %dma_start3A_242 = arith.constant 0 : i32
    %dma_start3A_243 = tpu.memref_slice %arg18[%dma_start3A_241, %dma_start3A_242] : memref<80x128xi32, #tpu.memory_space<vmem>> -> memref<1x128xi32, #tpu.memory_space<vmem>>
    %dma_start3A_244 = tpu.memref_squeeze %dma_start3A_243 : memref<1x128xi32, #tpu.memory_space<vmem>> -> memref<128xi32, #tpu.memory_space<vmem>>
    %dma_start3A_245 = arith.constant 0 : i32
    %dma_start3A_246 = arith.constant 0 : i32
    %dma_start3A_247 = tpu.memref_slice %arg23[%dma_start3A_245, %dma_start3A_246] : memref<10112x64xf32, #tpu.memory_space<vmem_shared>> -> memref<10112x64xf32, #tpu.memory_space<vmem_shared>>
    tpu.enqueue_indirect_dma source(%arg19 : memref<128x64xf32, #tpu.memory_space<vmem>>) target(%dma_start3A_247 : memref<10112x64xf32, #tpu.memory_space<vmem_shared>>) offsets(%dma_start3A_244 : memref<128xi32, #tpu.memory_space<vmem>>) semaphore(%arg26 : memref<!tpu.dma_semaphore, #tpu.memory_space<semaphore_mem>>) {add = true}
    %rem3A_248 = arith.constant 2 : i32
    %rem3A_249 = arith.constant 80 : i32
    %rem3A_250 = arith.remsi %rem3A_248, %rem3A_249 : i32
    %dma_start3A_251 = arith.constant 0 : i32
    %dma_start3A_252 = tpu.memref_slice %arg17[%rem3A_250, %dma_start3A_251] : memref<80x128xi32, #tpu.memory_space<vmem>> -> memref<1x128xi32, #tpu.memory_space<vmem>>
    %dma_start3A_253 = tpu.memref_squeeze %dma_start3A_252 : memref<1x128xi32, #tpu.memory_space<vmem>> -> memref<128xi32, #tpu.memory_space<vmem>>
    %dma_start3A_254 = arith.constant 0 : i32
    %dma_start3A_255 = arith.constant 0 : i32
    %dma_start3A_256 = tpu.memref_slice %arg2[%dma_start3A_254, %dma_start3A_255] : memref<20000x64xf32, #tpu.memory_space<hbm>> -> memref<20000x64xf32, #tpu.memory_space<hbm>>
    tpu.enqueue_indirect_dma source(%dma_start3A_256 : memref<20000x64xf32, #tpu.memory_space<hbm>>) target(%arg21 : memref<128x64xf32, #tpu.memory_space<vmem>>) offsets(%dma_start3A_253 : memref<128xi32, #tpu.memory_space<vmem>>) semaphore(%arg25 : memref<!tpu.dma_semaphore, #tpu.memory_space<semaphore_mem>>)
    %dma_wait3A_257 = arith.constant 1 : i32
    %dma_wait3A_258 = arith.constant 0 : i32
    %dma_wait3A_259 = tpu.memref_slice %arg17[%dma_wait3A_257, %dma_wait3A_258] : memref<80x128xi32, #tpu.memory_space<vmem>> -> memref<1x128xi32, #tpu.memory_space<vmem>>
    %dma_wait3A_260 = tpu.memref_squeeze %dma_wait3A_259 : memref<1x128xi32, #tpu.memory_space<vmem>> -> memref<128xi32, #tpu.memory_space<vmem>>
    %dma_wait3A_261 = arith.constant 0 : i32
    %dma_wait3A_262 = arith.constant 0 : i32
    %dma_wait3A_263 = tpu.memref_slice %arg2[%dma_wait3A_261, %dma_wait3A_262] : memref<20000x64xf32, #tpu.memory_space<hbm>> -> memref<20000x64xf32, #tpu.memory_space<hbm>>
    tpu.wait_indirect_dma semaphore(%arg25 : memref<!tpu.dma_semaphore, #tpu.memory_space<semaphore_mem>>) src(%dma_wait3A_263 : memref<20000x64xf32, #tpu.memory_space<hbm>>) dst(%arg20 : memref<128x64xf32, #tpu.memory_space<vmem>>)
    %dma_start3A_264 = arith.constant 1 : i32
    %dma_start3A_265 = arith.constant 0 : i32
    %dma_start3A_266 = tpu.memref_slice %arg18[%dma_start3A_264, %dma_start3A_265] : memref<80x128xi32, #tpu.memory_space<vmem>> -> memref<1x128xi32, #tpu.memory_space<vmem>>
    %dma_start3A_267 = tpu.memref_squeeze %dma_start3A_266 : memref<1x128xi32, #tpu.memory_space<vmem>> -> memref<128xi32, #tpu.memory_space<vmem>>
    %dma_start3A_268 = arith.constant 0 : i32
    %dma_start3A_269 = arith.constant 0 : i32
    %dma_start3A_270 = tpu.memref_slice %arg23[%dma_start3A_268, %dma_start3A_269] : memref<10112x64xf32, #tpu.memory_space<vmem_shared>> -> memref<10112x64xf32, #tpu.memory_space<vmem_shared>>
    tpu.enqueue_indirect_dma source(%arg20 : memref<128x64xf32, #tpu.memory_space<vmem>>) target(%dma_start3A_270 : memref<10112x64xf32, #tpu.memory_space<vmem_shared>>) offsets(%dma_start3A_267 : memref<128xi32, #tpu.memory_space<vmem>>) semaphore(%arg26 : memref<!tpu.dma_semaphore, #tpu.memory_space<semaphore_mem>>) {add = true}
    %rem3A_271 = arith.constant 3 : i32
    %rem3A_272 = arith.constant 80 : i32
    %rem3A_273 = arith.remsi %rem3A_271, %rem3A_272 : i32
    %dma_start3A_274 = arith.constant 0 : i32
    %dma_start3A_275 = tpu.memref_slice %arg17[%rem3A_273, %dma_start3A_274] : memref<80x128xi32, #tpu.memory_space<vmem>> -> memref<1x128xi32, #tpu.memory_space<vmem>>
    %dma_start3A_276 = tpu.memref_squeeze %dma_start3A_275 : memref<1x128xi32, #tpu.memory_space<vmem>> -> memref<128xi32, #tpu.memory_space<vmem>>
    %dma_start3A_277 = arith.constant 0 : i32
    %dma_start3A_278 = arith.constant 0 : i32
    %dma_start3A_279 = tpu.memref_slice %arg2[%dma_start3A_277, %dma_start3A_278] : memref<20000x64xf32, #tpu.memory_space<hbm>> -> memref<20000x64xf32, #tpu.memory_space<hbm>>
    tpu.enqueue_indirect_dma source(%dma_start3A_279 : memref<20000x64xf32, #tpu.memory_space<hbm>>) target(%arg22 : memref<128x64xf32, #tpu.memory_space<vmem>>) offsets(%dma_start3A_276 : memref<128xi32, #tpu.memory_space<vmem>>) semaphore(%arg25 : memref<!tpu.dma_semaphore, #tpu.memory_space<semaphore_mem>>)
    %dma_wait3A_280 = arith.constant 2 : i32
    %dma_wait3A_281 = arith.constant 0 : i32
    %dma_wait3A_282 = tpu.memref_slice %arg17[%dma_wait3A_280, %dma_wait3A_281] : memref<80x128xi32, #tpu.memory_space<vmem>> -> memref<1x128xi32, #tpu.memory_space<vmem>>
    %dma_wait3A_283 = tpu.memref_squeeze %dma_wait3A_282 : memref<1x128xi32, #tpu.memory_space<vmem>> -> memref<128xi32, #tpu.memory_space<vmem>>
    %dma_wait3A_284 = arith.constant 0 : i32
    %dma_wait3A_285 = arith.constant 0 : i32
    %dma_wait3A_286 = tpu.memref_slice %arg2[%dma_wait3A_284, %dma_wait3A_285] : memref<20000x64xf32, #tpu.memory_space<hbm>> -> memref<20000x64xf32, #tpu.memory_space<hbm>>
    tpu.wait_indirect_dma semaphore(%arg25 : memref<!tpu.dma_semaphore, #tpu.memory_space<semaphore_mem>>) src(%dma_wait3A_286 : memref<20000x64xf32, #tpu.memory_space<hbm>>) dst(%arg21 : memref<128x64xf32, #tpu.memory_space<vmem>>)
    %dma_start3A_287 = arith.constant 2 : i32
    %dma_start3A_288 = arith.constant 0 : i32
    %dma_start3A_289 = tpu.memref_slice %arg18[%dma_start3A_287, %dma_start3A_288] : memref<80x128xi32, #tpu.memory_space<vmem>> -> memref<1x128xi32, #tpu.memory_space<vmem>>
    %dma_start3A_290 = tpu.memref_squeeze %dma_start3A_289 : memref<1x128xi32, #tpu.memory_space<vmem>> -> memref<128xi32, #tpu.memory_space<vmem>>
    %dma_start3A_291 = arith.constant 0 : i32
    %dma_start3A_292 = arith.constant 0 : i32
    %dma_start3A_293 = tpu.memref_slice %arg23[%dma_start3A_291, %dma_start3A_292] : memref<10112x64xf32, #tpu.memory_space<vmem_shared>> -> memref<10112x64xf32, #tpu.memory_space<vmem_shared>>
    tpu.enqueue_indirect_dma source(%arg21 : memref<128x64xf32, #tpu.memory_space<vmem>>) target(%dma_start3A_293 : memref<10112x64xf32, #tpu.memory_space<vmem_shared>>) offsets(%dma_start3A_290 : memref<128xi32, #tpu.memory_space<vmem>>) semaphore(%arg26 : memref<!tpu.dma_semaphore, #tpu.memory_space<semaphore_mem>>) {add = true}
    %dma_wait3A_294 = arith.constant 2 : i32
    %dma_wait3A_295 = arith.constant 0 : i32
    %dma_wait3A_296 = tpu.memref_slice %arg18[%dma_wait3A_294, %dma_wait3A_295] : memref<80x128xi32, #tpu.memory_space<vmem>> -> memref<1x128xi32, #tpu.memory_space<vmem>>
    %dma_wait3A_297 = tpu.memref_squeeze %dma_wait3A_296 : memref<1x128xi32, #tpu.memory_space<vmem>> -> memref<128xi32, #tpu.memory_space<vmem>>
    %dma_wait3A_298 = arith.constant 0 : i32
    %dma_wait3A_299 = arith.constant 0 : i32
    %dma_wait3A_300 = tpu.memref_slice %arg23[%dma_wait3A_298, %dma_wait3A_299] : memref<10112x64xf32, #tpu.memory_space<vmem_shared>> -> memref<10112x64xf32, #tpu.memory_space<vmem_shared>>
    tpu.wait_indirect_dma semaphore(%arg26 : memref<!tpu.dma_semaphore, #tpu.memory_space<semaphore_mem>>) src(%arg21 : memref<128x64xf32, #tpu.memory_space<vmem>>) dst(%dma_wait3A_300 : memref<10112x64xf32, #tpu.memory_space<vmem_shared>>)
    %rem3A_301 = arith.constant 4 : i32
    %rem3A_302 = arith.constant 80 : i32
    %rem3A_303 = arith.remsi %rem3A_301, %rem3A_302 : i32
    %dma_start3A_304 = arith.constant 0 : i32
    %dma_start3A_305 = tpu.memref_slice %arg17[%rem3A_303, %dma_start3A_304] : memref<80x128xi32, #tpu.memory_space<vmem>> -> memref<1x128xi32, #tpu.memory_space<vmem>>
    %dma_start3A_306 = tpu.memref_squeeze %dma_start3A_305 : memref<1x128xi32, #tpu.memory_space<vmem>> -> memref<128xi32, #tpu.memory_space<vmem>>
    %dma_start3A_307 = arith.constant 0 : i32
    %dma_start3A_308 = arith.constant 0 : i32
    %dma_start3A_309 = tpu.memref_slice %arg2[%dma_start3A_307, %dma_start3A_308] : memref<20000x64xf32, #tpu.memory_space<hbm>> -> memref<20000x64xf32, #tpu.memory_space<hbm>>
    tpu.enqueue_indirect_dma source(%dma_start3A_309 : memref<20000x64xf32, #tpu.memory_space<hbm>>) target(%arg19 : memref<128x64xf32, #tpu.memory_space<vmem>>) offsets(%dma_start3A_306 : memref<128xi32, #tpu.memory_space<vmem>>) semaphore(%arg25 : memref<!tpu.dma_semaphore, #tpu.memory_space<semaphore_mem>>)
    %dma_wait3A_310 = arith.constant 3 : i32
    %dma_wait3A_311 = arith.constant 0 : i32
    %dma_wait3A_312 = tpu.memref_slice %arg17[%dma_wait3A_310, %dma_wait3A_311] : memref<80x128xi32, #tpu.memory_space<vmem>> -> memref<1x128xi32, #tpu.memory_space<vmem>>
    %dma_wait3A_313 = tpu.memref_squeeze %dma_wait3A_312 : memref<1x128xi32, #tpu.memory_space<vmem>> -> memref<128xi32, #tpu.memory_space<vmem>>
    %dma_wait3A_314 = arith.constant 0 : i32
    %dma_wait3A_315 = arith.constant 0 : i32
    %dma_wait3A_316 = tpu.memref_slice %arg2[%dma_wait3A_314, %dma_wait3A_315] : memref<20000x64xf32, #tpu.memory_space<hbm>> -> memref<20000x64xf32, #tpu.memory_space<hbm>>
    tpu.wait_indirect_dma semaphore(%arg25 : memref<!tpu.dma_semaphore, #tpu.memory_space<semaphore_mem>>) src(%dma_wait3A_316 : memref<20000x64xf32, #tpu.memory_space<hbm>>) dst(%arg22 : memref<128x64xf32, #tpu.memory_space<vmem>>)
    %dma_start3A_317 = arith.constant 3 : i32
    %dma_start3A_318 = arith.constant 0 : i32
    %dma_start3A_319 = tpu.memref_slice %arg18[%dma_start3A_317, %dma_start3A_318] : memref<80x128xi32, #tpu.memory_space<vmem>> -> memref<1x128xi32, #tpu.memory_space<vmem>>
    %dma_start3A_320 = tpu.memref_squeeze %dma_start3A_319 : memref<1x128xi32, #tpu.memory_space<vmem>> -> memref<128xi32, #tpu.memory_space<vmem>>
    %dma_start3A_321 = arith.constant 0 : i32
    %dma_start3A_322 = arith.constant 0 : i32
    %dma_start3A_323 = tpu.memref_slice %arg23[%dma_start3A_321, %dma_start3A_322] : memref<10112x64xf32, #tpu.memory_space<vmem_shared>> -> memref<10112x64xf32, #tpu.memory_space<vmem_shared>>
    tpu.enqueue_indirect_dma source(%arg22 : memref<128x64xf32, #tpu.memory_space<vmem>>) target(%dma_start3A_323 : memref<10112x64xf32, #tpu.memory_space<vmem_shared>>) offsets(%dma_start3A_320 : memref<128xi32, #tpu.memory_space<vmem>>) semaphore(%arg26 : memref<!tpu.dma_semaphore, #tpu.memory_space<semaphore_mem>>) {add = true}
    %dma_wait3A_324 = arith.constant 3 : i32
    %dma_wait3A_325 = arith.constant 0 : i32
    %dma_wait3A_326 = tpu.memref_slice %arg18[%dma_wait3A_324, %dma_wait3A_325] : memref<80x128xi32, #tpu.memory_space<vmem>> -> memref<1x128xi32, #tpu.memory_space<vmem>>
    %dma_wait3A_327 = tpu.memref_squeeze %dma_wait3A_326 : memref<1x128xi32, #tpu.memory_space<vmem>> -> memref<128xi32, #tpu.memory_space<vmem>>
    %dma_wait3A_328 = arith.constant 0 : i32
    %dma_wait3A_329 = arith.constant 0 : i32
    %dma_wait3A_330 = tpu.memref_slice %arg23[%dma_wait3A_328, %dma_wait3A_329] : memref<10112x64xf32, #tpu.memory_space<vmem_shared>> -> memref<10112x64xf32, #tpu.memory_space<vmem_shared>>
    tpu.wait_indirect_dma semaphore(%arg26 : memref<!tpu.dma_semaphore, #tpu.memory_space<semaphore_mem>>) src(%arg22 : memref<128x64xf32, #tpu.memory_space<vmem>>) dst(%dma_wait3A_330 : memref<10112x64xf32, #tpu.memory_space<vmem_shared>>)
    %rem3A_331 = arith.constant 5 : i32
    %rem3A_332 = arith.constant 80 : i32
    %rem3A_333 = arith.remsi %rem3A_331, %rem3A_332 : i32
    %dma_start3A_334 = arith.constant 0 : i32
    %dma_start3A_335 = tpu.memref_slice %arg17[%rem3A_333, %dma_start3A_334] : memref<80x128xi32, #tpu.memory_space<vmem>> -> memref<1x128xi32, #tpu.memory_space<vmem>>
    %dma_start3A_336 = tpu.memref_squeeze %dma_start3A_335 : memref<1x128xi32, #tpu.memory_space<vmem>> -> memref<128xi32, #tpu.memory_space<vmem>>
    %dma_start3A_337 = arith.constant 0 : i32
    %dma_start3A_338 = arith.constant 0 : i32
    %dma_start3A_339 = tpu.memref_slice %arg2[%dma_start3A_337, %dma_start3A_338] : memref<20000x64xf32, #tpu.memory_space<hbm>> -> memref<20000x64xf32, #tpu.memory_space<hbm>>
    tpu.enqueue_indirect_dma source(%dma_start3A_339 : memref<20000x64xf32, #tpu.memory_space<hbm>>) target(%arg20 : memref<128x64xf32, #tpu.memory_space<vmem>>) offsets(%dma_start3A_336 : memref<128xi32, #tpu.memory_space<vmem>>) semaphore(%arg25 : memref<!tpu.dma_semaphore, #tpu.memory_space<semaphore_mem>>)
    %scan3A_340 = arith.constant 0 : i32
    %scan3A_341 = arith.constant 1 : i32
    %scan3A_342 = arith.constant 19 : i32
    %scan3A_343 = arith.addi %scan3A_341, %scan3A_342 : i32
    %scan3A_344 = arith.constant 1 : i32
    scf.for %scan3A_385 = %scan3A_341 to %scan3A_343 step %scan3A_344  : i32 {
      %mul3A_386 = arith.constant 4 : i32
      %mul3A_387 = arith.muli %mul3A_386, %scan3A_385 : i32
      %add3A_388 = arith.constant 0 : i32
      %add3A_389 = arith.addi %mul3A_387, %add3A_388 : i32
      %dma_wait3A_390 = arith.constant 0 : i32
      %dma_wait3A_391 = tpu.memref_slice %arg17[%add3A_389, %dma_wait3A_390] : memref<80x128xi32, #tpu.memory_space<vmem>> -> memref<1x128xi32, #tpu.memory_space<vmem>>
      %dma_wait3A_392 = tpu.memref_squeeze %dma_wait3A_391 : memref<1x128xi32, #tpu.memory_space<vmem>> -> memref<128xi32, #tpu.memory_space<vmem>>
      %dma_wait3A_393 = arith.constant 0 : i32
      %dma_wait3A_394 = arith.constant 0 : i32
      %dma_wait3A_395 = tpu.memref_slice %arg2[%dma_wait3A_393, %dma_wait3A_394] : memref<20000x64xf32, #tpu.memory_space<hbm>> -> memref<20000x64xf32, #tpu.memory_space<hbm>>
      tpu.wait_indirect_dma semaphore(%arg25 : memref<!tpu.dma_semaphore, #tpu.memory_space<semaphore_mem>>) src(%dma_wait3A_395 : memref<20000x64xf32, #tpu.memory_space<hbm>>) dst(%arg19 : memref<128x64xf32, #tpu.memory_space<vmem>>)
      %dma_start3A_396 = arith.constant 0 : i32
      %dma_start3A_397 = tpu.memref_slice %arg18[%add3A_389, %dma_start3A_396] : memref<80x128xi32, #tpu.memory_space<vmem>> -> memref<1x128xi32, #tpu.memory_space<vmem>>
      %dma_start3A_398 = tpu.memref_squeeze %dma_start3A_397 : memref<1x128xi32, #tpu.memory_space<vmem>> -> memref<128xi32, #tpu.memory_space<vmem>>
      %dma_start3A_399 = arith.constant 0 : i32
      %dma_start3A_400 = arith.constant 0 : i32
      %dma_start3A_401 = tpu.memref_slice %arg23[%dma_start3A_399, %dma_start3A_400] : memref<10112x64xf32, #tpu.memory_space<vmem_shared>> -> memref<10112x64xf32, #tpu.memory_space<vmem_shared>>
      tpu.enqueue_indirect_dma source(%arg19 : memref<128x64xf32, #tpu.memory_space<vmem>>) target(%dma_start3A_401 : memref<10112x64xf32, #tpu.memory_space<vmem_shared>>) offsets(%dma_start3A_398 : memref<128xi32, #tpu.memory_space<vmem>>) semaphore(%arg26 : memref<!tpu.dma_semaphore, #tpu.memory_space<semaphore_mem>>) {add = true}
      %dma_wait3A_402 = arith.constant 0 : i32
      %dma_wait3A_403 = tpu.memref_slice %arg18[%add3A_389, %dma_wait3A_402] : memref<80x128xi32, #tpu.memory_space<vmem>> -> memref<1x128xi32, #tpu.memory_space<vmem>>
      %dma_wait3A_404 = tpu.memref_squeeze %dma_wait3A_403 : memref<1x128xi32, #tpu.memory_space<vmem>> -> memref<128xi32, #tpu.memory_space<vmem>>
      %dma_wait3A_405 = arith.constant 0 : i32
      %dma_wait3A_406 = arith.constant 0 : i32
      %dma_wait3A_407 = tpu.memref_slice %arg23[%dma_wait3A_405, %dma_wait3A_406] : memref<10112x64xf32, #tpu.memory_space<vmem_shared>> -> memref<10112x64xf32, #tpu.memory_space<vmem_shared>>
      tpu.wait_indirect_dma semaphore(%arg26 : memref<!tpu.dma_semaphore, #tpu.memory_space<semaphore_mem>>) src(%arg19 : memref<128x64xf32, #tpu.memory_space<vmem>>) dst(%dma_wait3A_407 : memref<10112x64xf32, #tpu.memory_space<vmem_shared>>)
      %add3A_408 = arith.constant 2 : i32
      %add3A_409 = arith.addi %add3A_389, %add3A_408 : i32
      %rem3A_410 = arith.constant 80 : i32
      %rem3A_411 = arith.remsi %add3A_409, %rem3A_410 : i32
      %dma_start3A_412 = arith.constant 0 : i32
      %dma_start3A_413 = tpu.memref_slice %arg17[%rem3A_411, %dma_start3A_412] : memref<80x128xi32, #tpu.memory_space<vmem>> -> memref<1x128xi32, #tpu.memory_space<vmem>>
      %dma_start3A_414 = tpu.memref_squeeze %dma_start3A_413 : memref<1x128xi32, #tpu.memory_space<vmem>> -> memref<128xi32, #tpu.memory_space<vmem>>
      %dma_start3A_415 = arith.constant 0 : i32
      %dma_start3A_416 = arith.constant 0 : i32
      %dma_start3A_417 = tpu.memref_slice %arg2[%dma_start3A_415, %dma_start3A_416] : memref<20000x64xf32, #tpu.memory_space<hbm>> -> memref<20000x64xf32, #tpu.memory_space<hbm>>
      tpu.enqueue_indirect_dma source(%dma_start3A_417 : memref<20000x64xf32, #tpu.memory_space<hbm>>) target(%arg21 : memref<128x64xf32, #tpu.memory_space<vmem>>) offsets(%dma_start3A_414 : memref<128xi32, #tpu.memory_space<vmem>>) semaphore(%arg25 : memref<!tpu.dma_semaphore, #tpu.memory_space<semaphore_mem>>)
      %add3A_418 = arith.constant 1 : i32
      %add3A_419 = arith.addi %mul3A_387, %add3A_418 : i32
      %dma_wait3A_420 = arith.constant 0 : i32
      %dma_wait3A_421 = tpu.memref_slice %arg17[%add3A_419, %dma_wait3A_420] : memref<80x128xi32, #tpu.memory_space<vmem>> -> memref<1x128xi32, #tpu.memory_space<vmem>>
      %dma_wait3A_422 = tpu.memref_squeeze %dma_wait3A_421 : memref<1x128xi32, #tpu.memory_space<vmem>> -> memref<128xi32, #tpu.memory_space<vmem>>
      %dma_wait3A_423 = arith.constant 0 : i32
      %dma_wait3A_424 = arith.constant 0 : i32
      %dma_wait3A_425 = tpu.memref_slice %arg2[%dma_wait3A_423, %dma_wait3A_424] : memref<20000x64xf32, #tpu.memory_space<hbm>> -> memref<20000x64xf32, #tpu.memory_space<hbm>>
      tpu.wait_indirect_dma semaphore(%arg25 : memref<!tpu.dma_semaphore, #tpu.memory_space<semaphore_mem>>) src(%dma_wait3A_425 : memref<20000x64xf32, #tpu.memory_space<hbm>>) dst(%arg20 : memref<128x64xf32, #tpu.memory_space<vmem>>)
      %dma_start3A_426 = arith.constant 0 : i32
      %dma_start3A_427 = tpu.memref_slice %arg18[%add3A_419, %dma_start3A_426] : memref<80x128xi32, #tpu.memory_space<vmem>> -> memref<1x128xi32, #tpu.memory_space<vmem>>
      %dma_start3A_428 = tpu.memref_squeeze %dma_start3A_427 : memref<1x128xi32, #tpu.memory_space<vmem>> -> memref<128xi32, #tpu.memory_space<vmem>>
      %dma_start3A_429 = arith.constant 0 : i32
      %dma_start3A_430 = arith.constant 0 : i32
      %dma_start3A_431 = tpu.memref_slice %arg23[%dma_start3A_429, %dma_start3A_430] : memref<10112x64xf32, #tpu.memory_space<vmem_shared>> -> memref<10112x64xf32, #tpu.memory_space<vmem_shared>>
      tpu.enqueue_indirect_dma source(%arg20 : memref<128x64xf32, #tpu.memory_space<vmem>>) target(%dma_start3A_431 : memref<10112x64xf32, #tpu.memory_space<vmem_shared>>) offsets(%dma_start3A_428 : memref<128xi32, #tpu.memory_space<vmem>>) semaphore(%arg26 : memref<!tpu.dma_semaphore, #tpu.memory_space<semaphore_mem>>) {add = true}
      %dma_wait3A_432 = arith.constant 0 : i32
      %dma_wait3A_433 = tpu.memref_slice %arg18[%add3A_419, %dma_wait3A_432] : memref<80x128xi32, #tpu.memory_space<vmem>> -> memref<1x128xi32, #tpu.memory_space<vmem>>
      %dma_wait3A_434 = tpu.memref_squeeze %dma_wait3A_433 : memref<1x128xi32, #tpu.memory_space<vmem>> -> memref<128xi32, #tpu.memory_space<vmem>>
      %dma_wait3A_435 = arith.constant 0 : i32
      %dma_wait3A_436 = arith.constant 0 : i32
      %dma_wait3A_437 = tpu.memref_slice %arg23[%dma_wait3A_435, %dma_wait3A_436] : memref<10112x64xf32, #tpu.memory_space<vmem_shared>> -> memref<10112x64xf32, #tpu.memory_space<vmem_shared>>
      tpu.wait_indirect_dma semaphore(%arg26 : memref<!tpu.dma_semaphore, #tpu.memory_space<semaphore_mem>>) src(%arg20 : memref<128x64xf32, #tpu.memory_space<vmem>>) dst(%dma_wait3A_437 : memref<10112x64xf32, #tpu.memory_space<vmem_shared>>)
      %add3A_438 = arith.constant 2 : i32
      %add3A_439 = arith.addi %add3A_419, %add3A_438 : i32
      %rem3A_440 = arith.constant 80 : i32
      %rem3A_441 = arith.remsi %add3A_439, %rem3A_440 : i32
      %dma_start3A_442 = arith.constant 0 : i32
      %dma_start3A_443 = tpu.memref_slice %arg17[%rem3A_441, %dma_start3A_442] : memref<80x128xi32, #tpu.memory_space<vmem>> -> memref<1x128xi32, #tpu.memory_space<vmem>>
      %dma_start3A_444 = tpu.memref_squeeze %dma_start3A_443 : memref<1x128xi32, #tpu.memory_space<vmem>> -> memref<128xi32, #tpu.memory_space<vmem>>
      %dma_start3A_445 = arith.constant 0 : i32
      %dma_start3A_446 = arith.constant 0 : i32
      %dma_start3A_447 = tpu.memref_slice %arg2[%dma_start3A_445, %dma_start3A_446] : memref<20000x64xf32, #tpu.memory_space<hbm>> -> memref<20000x64xf32, #tpu.memory_space<hbm>>
      tpu.enqueue_indirect_dma source(%dma_start3A_447 : memref<20000x64xf32, #tpu.memory_space<hbm>>) target(%arg22 : memref<128x64xf32, #tpu.memory_space<vmem>>) offsets(%dma_start3A_444 : memref<128xi32, #tpu.memory_space<vmem>>) semaphore(%arg25 : memref<!tpu.dma_semaphore, #tpu.memory_space<semaphore_mem>>)
      %add3A_448 = arith.constant 2 : i32
      %add3A_449 = arith.addi %mul3A_387, %add3A_448 : i32
      %dma_wait3A_450 = arith.constant 0 : i32
      %dma_wait3A_451 = tpu.memref_slice %arg17[%add3A_449, %dma_wait3A_450] : memref<80x128xi32, #tpu.memory_space<vmem>> -> memref<1x128xi32, #tpu.memory_space<vmem>>
      %dma_wait3A_452 = tpu.memref_squeeze %dma_wait3A_451 : memref<1x128xi32, #tpu.memory_space<vmem>> -> memref<128xi32, #tpu.memory_space<vmem>>
      %dma_wait3A_453 = arith.constant 0 : i32
      %dma_wait3A_454 = arith.constant 0 : i32
      %dma_wait3A_455 = tpu.memref_slice %arg2[%dma_wait3A_453, %dma_wait3A_454] : memref<20000x64xf32, #tpu.memory_space<hbm>> -> memref<20000x64xf32, #tpu.memory_space<hbm>>
      tpu.wait_indirect_dma semaphore(%arg25 : memref<!tpu.dma_semaphore, #tpu.memory_space<semaphore_mem>>) src(%dma_wait3A_455 : memref<20000x64xf32, #tpu.memory_space<hbm>>) dst(%arg21 : memref<128x64xf32, #tpu.memory_space<vmem>>)
      %dma_start3A_456 = arith.constant 0 : i32
      %dma_start3A_457 = tpu.memref_slice %arg18[%add3A_449, %dma_start3A_456] : memref<80x128xi32, #tpu.memory_space<vmem>> -> memref<1x128xi32, #tpu.memory_space<vmem>>
      %dma_start3A_458 = tpu.memref_squeeze %dma_start3A_457 : memref<1x128xi32, #tpu.memory_space<vmem>> -> memref<128xi32, #tpu.memory_space<vmem>>
      %dma_start3A_459 = arith.constant 0 : i32
      %dma_start3A_460 = arith.constant 0 : i32
      %dma_start3A_461 = tpu.memref_slice %arg23[%dma_start3A_459, %dma_start3A_460] : memref<10112x64xf32, #tpu.memory_space<vmem_shared>> -> memref<10112x64xf32, #tpu.memory_space<vmem_shared>>
      tpu.enqueue_indirect_dma source(%arg21 : memref<128x64xf32, #tpu.memory_space<vmem>>) target(%dma_start3A_461 : memref<10112x64xf32, #tpu.memory_space<vmem_shared>>) offsets(%dma_start3A_458 : memref<128xi32, #tpu.memory_space<vmem>>) semaphore(%arg26 : memref<!tpu.dma_semaphore, #tpu.memory_space<semaphore_mem>>) {add = true}
      %dma_wait3A_462 = arith.constant 0 : i32
      %dma_wait3A_463 = tpu.memref_slice %arg18[%add3A_449, %dma_wait3A_462] : memref<80x128xi32, #tpu.memory_space<vmem>> -> memref<1x128xi32, #tpu.memory_space<vmem>>
      %dma_wait3A_464 = tpu.memref_squeeze %dma_wait3A_463 : memref<1x128xi32, #tpu.memory_space<vmem>> -> memref<128xi32, #tpu.memory_space<vmem>>
      %dma_wait3A_465 = arith.constant 0 : i32
      %dma_wait3A_466 = arith.constant 0 : i32
      %dma_wait3A_467 = tpu.memref_slice %arg23[%dma_wait3A_465, %dma_wait3A_466] : memref<10112x64xf32, #tpu.memory_space<vmem_shared>> -> memref<10112x64xf32, #tpu.memory_space<vmem_shared>>
      tpu.wait_indirect_dma semaphore(%arg26 : memref<!tpu.dma_semaphore, #tpu.memory_space<semaphore_mem>>) src(%arg21 : memref<128x64xf32, #tpu.memory_space<vmem>>) dst(%dma_wait3A_467 : memref<10112x64xf32, #tpu.memory_space<vmem_shared>>)
      %add3A_468 = arith.constant 2 : i32
      %add3A_469 = arith.addi %add3A_449, %add3A_468 : i32
      %rem3A_470 = arith.constant 80 : i32
      %rem3A_471 = arith.remsi %add3A_469, %rem3A_470 : i32
      %dma_start3A_472 = arith.constant 0 : i32
      %dma_start3A_473 = tpu.memref_slice %arg17[%rem3A_471, %dma_start3A_472] : memref<80x128xi32, #tpu.memory_space<vmem>> -> memref<1x128xi32, #tpu.memory_space<vmem>>
      %dma_start3A_474 = tpu.memref_squeeze %dma_start3A_473 : memref<1x128xi32, #tpu.memory_space<vmem>> -> memref<128xi32, #tpu.memory_space<vmem>>
      %dma_start3A_475 = arith.constant 0 : i32
      %dma_start3A_476 = arith.constant 0 : i32
      %dma_start3A_477 = tpu.memref_slice %arg2[%dma_start3A_475, %dma_start3A_476] : memref<20000x64xf32, #tpu.memory_space<hbm>> -> memref<20000x64xf32, #tpu.memory_space<hbm>>
      tpu.enqueue_indirect_dma source(%dma_start3A_477 : memref<20000x64xf32, #tpu.memory_space<hbm>>) target(%arg19 : memref<128x64xf32, #tpu.memory_space<vmem>>) offsets(%dma_start3A_474 : memref<128xi32, #tpu.memory_space<vmem>>) semaphore(%arg25 : memref<!tpu.dma_semaphore, #tpu.memory_space<semaphore_mem>>)
      %add3A_478 = arith.constant 3 : i32
      %add3A_479 = arith.addi %mul3A_387, %add3A_478 : i32
      %dma_wait3A_480 = arith.constant 0 : i32
      %dma_wait3A_481 = tpu.memref_slice %arg17[%add3A_479, %dma_wait3A_480] : memref<80x128xi32, #tpu.memory_space<vmem>> -> memref<1x128xi32, #tpu.memory_space<vmem>>
      %dma_wait3A_482 = tpu.memref_squeeze %dma_wait3A_481 : memref<1x128xi32, #tpu.memory_space<vmem>> -> memref<128xi32, #tpu.memory_space<vmem>>
      %dma_wait3A_483 = arith.constant 0 : i32
      %dma_wait3A_484 = arith.constant 0 : i32
      %dma_wait3A_485 = tpu.memref_slice %arg2[%dma_wait3A_483, %dma_wait3A_484] : memref<20000x64xf32, #tpu.memory_space<hbm>> -> memref<20000x64xf32, #tpu.memory_space<hbm>>
      tpu.wait_indirect_dma semaphore(%arg25 : memref<!tpu.dma_semaphore, #tpu.memory_space<semaphore_mem>>) src(%dma_wait3A_485 : memref<20000x64xf32, #tpu.memory_space<hbm>>) dst(%arg22 : memref<128x64xf32, #tpu.memory_space<vmem>>)
      %dma_start3A_486 = arith.constant 0 : i32
      %dma_start3A_487 = tpu.memref_slice %arg18[%add3A_479, %dma_start3A_486] : memref<80x128xi32, #tpu.memory_space<vmem>> -> memref<1x128xi32, #tpu.memory_space<vmem>>
      %dma_start3A_488 = tpu.memref_squeeze %dma_start3A_487 : memref<1x128xi32, #tpu.memory_space<vmem>> -> memref<128xi32, #tpu.memory_space<vmem>>
      %dma_start3A_489 = arith.constant 0 : i32
      %dma_start3A_490 = arith.constant 0 : i32
      %dma_start3A_491 = tpu.memref_slice %arg23[%dma_start3A_489, %dma_start3A_490] : memref<10112x64xf32, #tpu.memory_space<vmem_shared>> -> memref<10112x64xf32, #tpu.memory_space<vmem_shared>>
      tpu.enqueue_indirect_dma source(%arg22 : memref<128x64xf32, #tpu.memory_space<vmem>>) target(%dma_start3A_491 : memref<10112x64xf32, #tpu.memory_space<vmem_shared>>) offsets(%dma_start3A_488 : memref<128xi32, #tpu.memory_space<vmem>>) semaphore(%arg26 : memref<!tpu.dma_semaphore, #tpu.memory_space<semaphore_mem>>) {add = true}
      %dma_wait3A_492 = arith.constant 0 : i32
      %dma_wait3A_493 = tpu.memref_slice %arg18[%add3A_479, %dma_wait3A_492] : memref<80x128xi32, #tpu.memory_space<vmem>> -> memref<1x128xi32, #tpu.memory_space<vmem>>
      %dma_wait3A_494 = tpu.memref_squeeze %dma_wait3A_493 : memref<1x128xi32, #tpu.memory_space<vmem>> -> memref<128xi32, #tpu.memory_space<vmem>>
      %dma_wait3A_495 = arith.constant 0 : i32
      %dma_wait3A_496 = arith.constant 0 : i32
      %dma_wait3A_497 = tpu.memref_slice %arg23[%dma_wait3A_495, %dma_wait3A_496] : memref<10112x64xf32, #tpu.memory_space<vmem_shared>> -> memref<10112x64xf32, #tpu.memory_space<vmem_shared>>
      tpu.wait_indirect_dma semaphore(%arg26 : memref<!tpu.dma_semaphore, #tpu.memory_space<semaphore_mem>>) src(%arg22 : memref<128x64xf32, #tpu.memory_space<vmem>>) dst(%dma_wait3A_497 : memref<10112x64xf32, #tpu.memory_space<vmem_shared>>)
      %add3A_498 = arith.constant 2 : i32
      %add3A_499 = arith.addi %add3A_479, %add3A_498 : i32
      %rem3A_500 = arith.constant 80 : i32
      %rem3A_501 = arith.remsi %add3A_499, %rem3A_500 : i32
      %dma_start3A_502 = arith.constant 0 : i32
      %dma_start3A_503 = tpu.memref_slice %arg17[%rem3A_501, %dma_start3A_502] : memref<80x128xi32, #tpu.memory_space<vmem>> -> memref<1x128xi32, #tpu.memory_space<vmem>>
      %dma_start3A_504 = tpu.memref_squeeze %dma_start3A_503 : memref<1x128xi32, #tpu.memory_space<vmem>> -> memref<128xi32, #tpu.memory_space<vmem>>
      %dma_start3A_505 = arith.constant 0 : i32
      %dma_start3A_506 = arith.constant 0 : i32
      %dma_start3A_507 = tpu.memref_slice %arg2[%dma_start3A_505, %dma_start3A_506] : memref<20000x64xf32, #tpu.memory_space<hbm>> -> memref<20000x64xf32, #tpu.memory_space<hbm>>
      tpu.enqueue_indirect_dma source(%dma_start3A_507 : memref<20000x64xf32, #tpu.memory_space<hbm>>) target(%arg20 : memref<128x64xf32, #tpu.memory_space<vmem>>) offsets(%dma_start3A_504 : memref<128xi32, #tpu.memory_space<vmem>>) semaphore(%arg25 : memref<!tpu.dma_semaphore, #tpu.memory_space<semaphore_mem>>)
    }
    %scan3A_345 = arith.constant 19 : i32
    %dma_wait3A_346 = arith.constant 0 : i32
    %dma_wait3A_347 = arith.constant 0 : i32
    %dma_wait3A_348 = tpu.memref_slice %arg18[%dma_wait3A_346, %dma_wait3A_347] : memref<80x128xi32, #tpu.memory_space<vmem>> -> memref<1x128xi32, #tpu.memory_space<vmem>>
    %dma_wait3A_349 = tpu.memref_squeeze %dma_wait3A_348 : memref<1x128xi32, #tpu.memory_space<vmem>> -> memref<128xi32, #tpu.memory_space<vmem>>
    %dma_wait3A_350 = arith.constant 0 : i32
    %dma_wait3A_351 = arith.constant 0 : i32
    %dma_wait3A_352 = tpu.memref_slice %arg23[%dma_wait3A_350, %dma_wait3A_351] : memref<10112x64xf32, #tpu.memory_space<vmem_shared>> -> memref<10112x64xf32, #tpu.memory_space<vmem_shared>>
    tpu.wait_indirect_dma semaphore(%arg26 : memref<!tpu.dma_semaphore, #tpu.memory_space<semaphore_mem>>) src(%arg19 : memref<128x64xf32, #tpu.memory_space<vmem>>) dst(%dma_wait3A_352 : memref<10112x64xf32, #tpu.memory_space<vmem_shared>>)
    %dma_wait3A_353 = arith.constant 0 : i32
    %dma_wait3A_354 = arith.constant 0 : i32
    %dma_wait3A_355 = tpu.memref_slice %arg17[%dma_wait3A_353, %dma_wait3A_354] : memref<80x128xi32, #tpu.memory_space<vmem>> -> memref<1x128xi32, #tpu.memory_space<vmem>>
    %dma_wait3A_356 = tpu.memref_squeeze %dma_wait3A_355 : memref<1x128xi32, #tpu.memory_space<vmem>> -> memref<128xi32, #tpu.memory_space<vmem>>
    %dma_wait3A_357 = arith.constant 0 : i32
    %dma_wait3A_358 = arith.constant 0 : i32
    %dma_wait3A_359 = tpu.memref_slice %arg2[%dma_wait3A_357, %dma_wait3A_358] : memref<20000x64xf32, #tpu.memory_space<hbm>> -> memref<20000x64xf32, #tpu.memory_space<hbm>>
    tpu.wait_indirect_dma semaphore(%arg25 : memref<!tpu.dma_semaphore, #tpu.memory_space<semaphore_mem>>) src(%dma_wait3A_359 : memref<20000x64xf32, #tpu.memory_space<hbm>>) dst(%arg19 : memref<128x64xf32, #tpu.memory_space<vmem>>)
    %dma_wait3A_360 = arith.constant 0 : i32
    %dma_wait3A_361 = arith.constant 0 : i32
    %dma_wait3A_362 = tpu.memref_slice %arg18[%dma_wait3A_360, %dma_wait3A_361] : memref<80x128xi32, #tpu.memory_space<vmem>> -> memref<1x128xi32, #tpu.memory_space<vmem>>
    %dma_wait3A_363 = tpu.memref_squeeze %dma_wait3A_362 : memref<1x128xi32, #tpu.memory_space<vmem>> -> memref<128xi32, #tpu.memory_space<vmem>>
    %dma_wait3A_364 = arith.constant 0 : i32
    %dma_wait3A_365 = arith.constant 0 : i32
    %dma_wait3A_366 = tpu.memref_slice %arg23[%dma_wait3A_364, %dma_wait3A_365] : memref<10112x64xf32, #tpu.memory_space<vmem_shared>> -> memref<10112x64xf32, #tpu.memory_space<vmem_shared>>
    tpu.wait_indirect_dma semaphore(%arg26 : memref<!tpu.dma_semaphore, #tpu.memory_space<semaphore_mem>>) src(%arg20 : memref<128x64xf32, #tpu.memory_space<vmem>>) dst(%dma_wait3A_366 : memref<10112x64xf32, #tpu.memory_space<vmem_shared>>)
    %dma_wait3A_367 = arith.constant 0 : i32
    %dma_wait3A_368 = arith.constant 0 : i32
    %dma_wait3A_369 = tpu.memref_slice %arg17[%dma_wait3A_367, %dma_wait3A_368] : memref<80x128xi32, #tpu.memory_space<vmem>> -> memref<1x128xi32, #tpu.memory_space<vmem>>
    %dma_wait3A_370 = tpu.memref_squeeze %dma_wait3A_369 : memref<1x128xi32, #tpu.memory_space<vmem>> -> memref<128xi32, #tpu.memory_space<vmem>>
    %dma_wait3A_371 = arith.constant 0 : i32
    %dma_wait3A_372 = arith.constant 0 : i32
    %dma_wait3A_373 = tpu.memref_slice %arg2[%dma_wait3A_371, %dma_wait3A_372] : memref<20000x64xf32, #tpu.memory_space<hbm>> -> memref<20000x64xf32, #tpu.memory_space<hbm>>
    tpu.wait_indirect_dma semaphore(%arg25 : memref<!tpu.dma_semaphore, #tpu.memory_space<semaphore_mem>>) src(%dma_wait3A_373 : memref<20000x64xf32, #tpu.memory_space<hbm>>) dst(%arg20 : memref<128x64xf32, #tpu.memory_space<vmem>>)
    %barrier3A_374 = arith.constant 0 : index
    tpu.barrier barrier_id(%barrier3A_374)
    %eq3A_375 = arith.constant 0 : i32
    %eq3A_376 = arith.cmpi eq, %arg0, %eq3A_375 : i32
    %convert_element_type3A_377 = arith.extui %eq3A_376 : i1 to i32
    %cond3A_378 = arith.constant 0 : i32
    %cond3A_379 = arith.cmpi ne, %convert_element_type3A_377, %cond3A_378 : i32
    scf.if %cond3A_379 {
      "tpu.region"() ({
        %run_scoped3A = tpu.sem_alloc : memref<!tpu.dma_semaphore, #tpu.memory_space<semaphore_mem>>
        %dma_start3A_385 = arith.constant 0 : i32
        %dma_start3A_386 = tpu.memref_slice %arg10[%mul3A_2, %dma_start3A_385] : memref<10112x64xf32, #tpu.memory_space<hbm>> -> memref<632x64xf32, #tpu.memory_space<hbm>>
        %dma_start3A_387 = arith.constant 0 : i32
        %dma_start3A_388 = tpu.memref_slice %arg23[%mul3A_2, %dma_start3A_387] : memref<10112x64xf32, #tpu.memory_space<vmem_shared>> -> memref<632x64xf32, #tpu.memory_space<vmem_shared>>
        tpu.enqueue_dma source(%dma_start3A_388 : memref<632x64xf32, #tpu.memory_space<vmem_shared>>) target(%dma_start3A_386 : memref<632x64xf32, #tpu.memory_space<hbm>>) target_semaphore(%run_scoped3A : memref<!tpu.dma_semaphore, #tpu.memory_space<semaphore_mem>>)
        %dma_wait3A_389 = arith.constant 0 : i32
        %dma_wait3A_390 = tpu.memref_slice %arg10[%mul3A_2, %dma_wait3A_389] : memref<10112x64xf32, #tpu.memory_space<hbm>> -> memref<632x64xf32, #tpu.memory_space<hbm>>
        %dma_wait3A_391 = arith.constant 0 : i32
        %dma_wait3A_392 = tpu.memref_slice %arg23[%mul3A_2, %dma_wait3A_391] : memref<10112x64xf32, #tpu.memory_space<vmem_shared>> -> memref<632x64xf32, #tpu.memory_space<vmem_shared>>
        tpu.wait_dma2 semaphore(%run_scoped3A : memref<!tpu.dma_semaphore, #tpu.memory_space<semaphore_mem>>) src(%dma_wait3A_392 : memref<632x64xf32, #tpu.memory_space<vmem_shared>>) dst(%dma_wait3A_390 : memref<632x64xf32, #tpu.memory_space<hbm>>)
        tpu.yield
      }) : () -> ()
    } else {
    }
    %eq3A_380 = arith.constant 1 : i32
    %eq3A_381 = arith.cmpi eq, %arg0, %eq3A_380 : i32
    %convert_element_type3A_382 = arith.extui %eq3A_381 : i1 to i32
    %cond3A_383 = arith.constant 0 : i32
    %cond3A_384 = arith.cmpi ne, %convert_element_type3A_382, %cond3A_383 : i32
    scf.if %cond3A_384 {
      "tpu.region"() ({
        %run_scoped3A = tpu.sem_alloc : memref<!tpu.dma_semaphore, #tpu.memory_space<semaphore_mem>>
        %dma_start3A_385 = arith.constant 0 : i32
        %dma_start3A_386 = tpu.memref_slice %arg12[%mul3A_2, %dma_start3A_385] : memref<10112x64xf32, #tpu.memory_space<hbm>> -> memref<632x64xf32, #tpu.memory_space<hbm>>
        %dma_start3A_387 = arith.constant 0 : i32
        %dma_start3A_388 = tpu.memref_slice %arg23[%mul3A_2, %dma_start3A_387] : memref<10112x64xf32, #tpu.memory_space<vmem_shared>> -> memref<632x64xf32, #tpu.memory_space<vmem_shared>>
        tpu.enqueue_dma source(%dma_start3A_388 : memref<632x64xf32, #tpu.memory_space<vmem_shared>>) target(%dma_start3A_386 : memref<632x64xf32, #tpu.memory_space<hbm>>) target_semaphore(%run_scoped3A : memref<!tpu.dma_semaphore, #tpu.memory_space<semaphore_mem>>)
        %dma_wait3A_389 = arith.constant 0 : i32
        %dma_wait3A_390 = tpu.memref_slice %arg12[%mul3A_2, %dma_wait3A_389] : memref<10112x64xf32, #tpu.memory_space<hbm>> -> memref<632x64xf32, #tpu.memory_space<hbm>>
        %dma_wait3A_391 = arith.constant 0 : i32
        %dma_wait3A_392 = tpu.memref_slice %arg23[%mul3A_2, %dma_wait3A_391] : memref<10112x64xf32, #tpu.memory_space<vmem_shared>> -> memref<632x64xf32, #tpu.memory_space<vmem_shared>>
        tpu.wait_dma2 semaphore(%run_scoped3A : memref<!tpu.dma_semaphore, #tpu.memory_space<semaphore_mem>>) src(%dma_wait3A_392 : memref<632x64xf32, #tpu.memory_space<vmem_shared>>) dst(%dma_wait3A_390 : memref<632x64xf32, #tpu.memory_space<hbm>>)
        tpu.yield
      }) : () -> ()
    } else {
    }
    return
  }
}

#map = affine_map<(d0, d1) -> (0, 0)>
module attributes {stable_mosaic.version = 14 : i64} {
  func.func @_sc_agg_body(%arg0: i32, %arg1: i32, %arg2: memref<20000x64xf32, #tpu.memory_space<hbm>>, %arg3: memref<2560x128xi32, #tpu.memory_space<hbm>>, %arg4: memref<2560x128xi32, #tpu.memory_space<hbm>>, %arg5: memref<2560x128xi32, #tpu.memory_space<hbm>>, %arg6: memref<632x64xf32, #tpu.memory_space<hbm>>, %arg7: memref<10112x64xf32, #tpu.memory_space<hbm>>, %arg8: memref<10112x64xf32, #tpu.memory_space<hbm>>, %arg9: memref<10112x64xf32, #tpu.memory_space<hbm>>, %arg10: memref<10112x64xf32, #tpu.memory_space<hbm>>, %arg11: memref<80x128xi32, #tpu.memory_space<vmem>>, %arg12: memref<80x128xi32, #tpu.memory_space<vmem>>, %arg13: memref<80x128xi32, #tpu.memory_space<vmem>>, %arg14: memref<128x64xf32, #tpu.memory_space<vmem>>, %arg15: memref<128x64xf32, #tpu.memory_space<vmem>>, %arg16: memref<128x64xf32, #tpu.memory_space<vmem>>, %arg17: memref<128x64xf32, #tpu.memory_space<vmem>>, %arg18: memref<10112x64xf32, #tpu.memory_space<vmem_shared>>, %arg19: memref<!tpu.dma_semaphore, #tpu.memory_space<semaphore_mem>>, %arg20: memref<!tpu.dma_semaphore, #tpu.memory_space<semaphore_mem>>, %arg21: memref<!tpu.dma_semaphore, #tpu.memory_space<semaphore_mem>>) attributes {dimension_semantics = [#tpu.dimension_semantics<core_parallel>, #tpu.dimension_semantics<subcore_parallel>], iteration_bounds = array<i64: 2, 16>, scalar_prefetch = 0 : i64, scratch_operands = 11 : i64, tpu.core_type = #tpu.core_type<sc_vector_subcore>, window_params = [{transform_indices = #map}, {transform_indices = #map}, {transform_indices = #map}, {transform_indices = #map}, {transform_indices = #map}, {transform_indices = #map}, {transform_indices = #map}, {transform_indices = #map}, {transform_indices = #map}]} {
    %mul3A = arith.constant 16 : i32
    %mul3A_0 = arith.muli %arg0, %mul3A : i32
    %add3A = arith.addi %mul3A_0, %arg1 : i32
    %mul3A_1 = arith.constant 632 : i32
    %mul3A_2 = arith.muli %arg1, %mul3A_1 : i32
    %mul3A_3 = arith.constant 80 : i32
    %mul3A_4 = arith.muli %add3A, %mul3A_3 : i32
    "tpu.region"() ({
      %run_scoped3A = tpu.sem_alloc : memref<!tpu.dma_semaphore, #tpu.memory_space<semaphore_mem>>
      %dma_start3A_329 = arith.constant 0 : i32
      %dma_start3A_330 = tpu.memref_slice %arg3[%mul3A_4, %dma_start3A_329] : memref<2560x128xi32, #tpu.memory_space<hbm>> -> memref<80x128xi32, #tpu.memory_space<hbm>>
      %dma_start3A_331 = arith.constant 0 : i32
      %dma_start3A_332 = tpu.memref_slice %arg3[%mul3A_4, %dma_start3A_331] : memref<2560x128xi32, #tpu.memory_space<hbm>> -> memref<80x128xi32, #tpu.memory_space<hbm>>
      tpu.enqueue_dma source(%dma_start3A_332 : memref<80x128xi32, #tpu.memory_space<hbm>>) target(%arg11 : memref<80x128xi32, #tpu.memory_space<vmem>>) target_semaphore(%run_scoped3A : memref<!tpu.dma_semaphore, #tpu.memory_space<semaphore_mem>>)
      %dma_wait3A_333 = arith.constant 0 : i32
      %dma_wait3A_334 = tpu.memref_slice %arg3[%mul3A_4, %dma_wait3A_333] : memref<2560x128xi32, #tpu.memory_space<hbm>> -> memref<80x128xi32, #tpu.memory_space<hbm>>
      %dma_wait3A_335 = arith.constant 0 : i32
      %dma_wait3A_336 = tpu.memref_slice %arg3[%mul3A_4, %dma_wait3A_335] : memref<2560x128xi32, #tpu.memory_space<hbm>> -> memref<80x128xi32, #tpu.memory_space<hbm>>
      tpu.wait_dma2 semaphore(%run_scoped3A : memref<!tpu.dma_semaphore, #tpu.memory_space<semaphore_mem>>) src(%dma_wait3A_336 : memref<80x128xi32, #tpu.memory_space<hbm>>) dst(%arg11 : memref<80x128xi32, #tpu.memory_space<vmem>>)
      tpu.yield
    }) : () -> ()
    "tpu.region"() ({
      %run_scoped3A = tpu.sem_alloc : memref<!tpu.dma_semaphore, #tpu.memory_space<semaphore_mem>>
      %dma_start3A_329 = arith.constant 0 : i32
      %dma_start3A_330 = tpu.memref_slice %arg4[%mul3A_4, %dma_start3A_329] : memref<2560x128xi32, #tpu.memory_space<hbm>> -> memref<80x128xi32, #tpu.memory_space<hbm>>
      %dma_start3A_331 = arith.constant 0 : i32
      %dma_start3A_332 = tpu.memref_slice %arg4[%mul3A_4, %dma_start3A_331] : memref<2560x128xi32, #tpu.memory_space<hbm>> -> memref<80x128xi32, #tpu.memory_space<hbm>>
      tpu.enqueue_dma source(%dma_start3A_332 : memref<80x128xi32, #tpu.memory_space<hbm>>) target(%arg12 : memref<80x128xi32, #tpu.memory_space<vmem>>) target_semaphore(%run_scoped3A : memref<!tpu.dma_semaphore, #tpu.memory_space<semaphore_mem>>)
      %dma_wait3A_333 = arith.constant 0 : i32
      %dma_wait3A_334 = tpu.memref_slice %arg4[%mul3A_4, %dma_wait3A_333] : memref<2560x128xi32, #tpu.memory_space<hbm>> -> memref<80x128xi32, #tpu.memory_space<hbm>>
      %dma_wait3A_335 = arith.constant 0 : i32
      %dma_wait3A_336 = tpu.memref_slice %arg4[%mul3A_4, %dma_wait3A_335] : memref<2560x128xi32, #tpu.memory_space<hbm>> -> memref<80x128xi32, #tpu.memory_space<hbm>>
      tpu.wait_dma2 semaphore(%run_scoped3A : memref<!tpu.dma_semaphore, #tpu.memory_space<semaphore_mem>>) src(%dma_wait3A_336 : memref<80x128xi32, #tpu.memory_space<hbm>>) dst(%arg12 : memref<80x128xi32, #tpu.memory_space<vmem>>)
      tpu.yield
    }) : () -> ()
    "tpu.region"() ({
      %run_scoped3A = tpu.sem_alloc : memref<!tpu.dma_semaphore, #tpu.memory_space<semaphore_mem>>
      %dma_start3A_329 = arith.constant 0 : i32
      %dma_start3A_330 = tpu.memref_slice %arg5[%mul3A_4, %dma_start3A_329] : memref<2560x128xi32, #tpu.memory_space<hbm>> -> memref<80x128xi32, #tpu.memory_space<hbm>>
      %dma_start3A_331 = arith.constant 0 : i32
      %dma_start3A_332 = tpu.memref_slice %arg5[%mul3A_4, %dma_start3A_331] : memref<2560x128xi32, #tpu.memory_space<hbm>> -> memref<80x128xi32, #tpu.memory_space<hbm>>
      tpu.enqueue_dma source(%dma_start3A_332 : memref<80x128xi32, #tpu.memory_space<hbm>>) target(%arg13 : memref<80x128xi32, #tpu.memory_space<vmem>>) target_semaphore(%run_scoped3A : memref<!tpu.dma_semaphore, #tpu.memory_space<semaphore_mem>>)
      %dma_wait3A_333 = arith.constant 0 : i32
      %dma_wait3A_334 = tpu.memref_slice %arg5[%mul3A_4, %dma_wait3A_333] : memref<2560x128xi32, #tpu.memory_space<hbm>> -> memref<80x128xi32, #tpu.memory_space<hbm>>
      %dma_wait3A_335 = arith.constant 0 : i32
      %dma_wait3A_336 = tpu.memref_slice %arg5[%mul3A_4, %dma_wait3A_335] : memref<2560x128xi32, #tpu.memory_space<hbm>> -> memref<80x128xi32, #tpu.memory_space<hbm>>
      tpu.wait_dma2 semaphore(%run_scoped3A : memref<!tpu.dma_semaphore, #tpu.memory_space<semaphore_mem>>) src(%dma_wait3A_336 : memref<80x128xi32, #tpu.memory_space<hbm>>) dst(%arg13 : memref<80x128xi32, #tpu.memory_space<vmem>>)
      tpu.yield
    }) : () -> ()
    "tpu.region"() ({
      %run_scoped3A = tpu.sem_alloc : memref<!tpu.dma_semaphore, #tpu.memory_space<semaphore_mem>>
      %dma_start3A_329 = arith.constant 0 : i32
      %dma_start3A_330 = tpu.memref_slice %arg18[%mul3A_2, %dma_start3A_329] : memref<10112x64xf32, #tpu.memory_space<vmem_shared>> -> memref<632x64xf32, #tpu.memory_space<vmem_shared>>
      tpu.enqueue_dma source(%arg6 : memref<632x64xf32, #tpu.memory_space<hbm>>) target(%dma_start3A_330 : memref<632x64xf32, #tpu.memory_space<vmem_shared>>) target_semaphore(%run_scoped3A : memref<!tpu.dma_semaphore, #tpu.memory_space<semaphore_mem>>)
      %dma_wait3A_331 = arith.constant 0 : i32
      %dma_wait3A_332 = tpu.memref_slice %arg18[%mul3A_2, %dma_wait3A_331] : memref<10112x64xf32, #tpu.memory_space<vmem_shared>> -> memref<632x64xf32, #tpu.memory_space<vmem_shared>>
      tpu.wait_dma2 semaphore(%run_scoped3A : memref<!tpu.dma_semaphore, #tpu.memory_space<semaphore_mem>>) src(%arg6 : memref<632x64xf32, #tpu.memory_space<hbm>>) dst(%dma_wait3A_332 : memref<632x64xf32, #tpu.memory_space<vmem_shared>>)
      tpu.yield
    }) : () -> ()
    %barrier3A = arith.constant 0 : index
    tpu.barrier barrier_id(%barrier3A)
    %dma_start3A = arith.constant 0 : i32
    %dma_start3A_5 = arith.constant 0 : i32
    %dma_start3A_6 = tpu.memref_slice %arg11[%dma_start3A, %dma_start3A_5] : memref<80x128xi32, #tpu.memory_space<vmem>> -> memref<1x128xi32, #tpu.memory_space<vmem>>
    %dma_start3A_7 = tpu.memref_squeeze %dma_start3A_6 : memref<1x128xi32, #tpu.memory_space<vmem>> -> memref<128xi32, #tpu.memory_space<vmem>>
    %dma_start3A_8 = arith.constant 0 : i32
    %dma_start3A_9 = arith.constant 0 : i32
    %dma_start3A_10 = tpu.memref_slice %arg2[%dma_start3A_8, %dma_start3A_9] : memref<20000x64xf32, #tpu.memory_space<hbm>> -> memref<20000x64xf32, #tpu.memory_space<hbm>>
    tpu.enqueue_indirect_dma source(%dma_start3A_10 : memref<20000x64xf32, #tpu.memory_space<hbm>>) target(%arg14 : memref<128x64xf32, #tpu.memory_space<vmem>>) offsets(%dma_start3A_7 : memref<128xi32, #tpu.memory_space<vmem>>) semaphore(%arg19 : memref<!tpu.dma_semaphore, #tpu.memory_space<semaphore_mem>>)
    %dma_start3A_11 = arith.constant 1 : i32
    %dma_start3A_12 = arith.constant 0 : i32
    %dma_start3A_13 = tpu.memref_slice %arg11[%dma_start3A_11, %dma_start3A_12] : memref<80x128xi32, #tpu.memory_space<vmem>> -> memref<1x128xi32, #tpu.memory_space<vmem>>
    %dma_start3A_14 = tpu.memref_squeeze %dma_start3A_13 : memref<1x128xi32, #tpu.memory_space<vmem>> -> memref<128xi32, #tpu.memory_space<vmem>>
    %dma_start3A_15 = arith.constant 0 : i32
    %dma_start3A_16 = arith.constant 0 : i32
    %dma_start3A_17 = tpu.memref_slice %arg2[%dma_start3A_15, %dma_start3A_16] : memref<20000x64xf32, #tpu.memory_space<hbm>> -> memref<20000x64xf32, #tpu.memory_space<hbm>>
    tpu.enqueue_indirect_dma source(%dma_start3A_17 : memref<20000x64xf32, #tpu.memory_space<hbm>>) target(%arg15 : memref<128x64xf32, #tpu.memory_space<vmem>>) offsets(%dma_start3A_14 : memref<128xi32, #tpu.memory_space<vmem>>) semaphore(%arg19 : memref<!tpu.dma_semaphore, #tpu.memory_space<semaphore_mem>>)
    %dma_wait3A = arith.constant 0 : i32
    %dma_wait3A_18 = arith.constant 0 : i32
    %dma_wait3A_19 = tpu.memref_slice %arg11[%dma_wait3A, %dma_wait3A_18] : memref<80x128xi32, #tpu.memory_space<vmem>> -> memref<1x128xi32, #tpu.memory_space<vmem>>
    %dma_wait3A_20 = tpu.memref_squeeze %dma_wait3A_19 : memref<1x128xi32, #tpu.memory_space<vmem>> -> memref<128xi32, #tpu.memory_space<vmem>>
    %dma_wait3A_21 = arith.constant 0 : i32
    %dma_wait3A_22 = arith.constant 0 : i32
    %dma_wait3A_23 = tpu.memref_slice %arg2[%dma_wait3A_21, %dma_wait3A_22] : memref<20000x64xf32, #tpu.memory_space<hbm>> -> memref<20000x64xf32, #tpu.memory_space<hbm>>
    tpu.wait_indirect_dma semaphore(%arg19 : memref<!tpu.dma_semaphore, #tpu.memory_space<semaphore_mem>>) src(%dma_wait3A_23 : memref<20000x64xf32, #tpu.memory_space<hbm>>) dst(%arg14 : memref<128x64xf32, #tpu.memory_space<vmem>>)
    %dma_start3A_24 = arith.constant 0 : i32
    %dma_start3A_25 = arith.constant 0 : i32
    %dma_start3A_26 = tpu.memref_slice %arg13[%dma_start3A_24, %dma_start3A_25] : memref<80x128xi32, #tpu.memory_space<vmem>> -> memref<1x128xi32, #tpu.memory_space<vmem>>
    %dma_start3A_27 = tpu.memref_squeeze %dma_start3A_26 : memref<1x128xi32, #tpu.memory_space<vmem>> -> memref<128xi32, #tpu.memory_space<vmem>>
    %dma_start3A_28 = arith.constant 0 : i32
    %dma_start3A_29 = arith.constant 0 : i32
    %dma_start3A_30 = tpu.memref_slice %arg18[%dma_start3A_28, %dma_start3A_29] : memref<10112x64xf32, #tpu.memory_space<vmem_shared>> -> memref<10112x64xf32, #tpu.memory_space<vmem_shared>>
    tpu.enqueue_indirect_dma source(%arg14 : memref<128x64xf32, #tpu.memory_space<vmem>>) target(%dma_start3A_30 : memref<10112x64xf32, #tpu.memory_space<vmem_shared>>) offsets(%dma_start3A_27 : memref<128xi32, #tpu.memory_space<vmem>>) semaphore(%arg20 : memref<!tpu.dma_semaphore, #tpu.memory_space<semaphore_mem>>) {add = true}
    %rem3A = arith.constant 2 : i32
    %rem3A_31 = arith.constant 80 : i32
    %rem3A_32 = arith.remsi %rem3A, %rem3A_31 : i32
    %dma_start3A_33 = arith.constant 0 : i32
    %dma_start3A_34 = tpu.memref_slice %arg11[%rem3A_32, %dma_start3A_33] : memref<80x128xi32, #tpu.memory_space<vmem>> -> memref<1x128xi32, #tpu.memory_space<vmem>>
    %dma_start3A_35 = tpu.memref_squeeze %dma_start3A_34 : memref<1x128xi32, #tpu.memory_space<vmem>> -> memref<128xi32, #tpu.memory_space<vmem>>
    %dma_start3A_36 = arith.constant 0 : i32
    %dma_start3A_37 = arith.constant 0 : i32
    %dma_start3A_38 = tpu.memref_slice %arg2[%dma_start3A_36, %dma_start3A_37] : memref<20000x64xf32, #tpu.memory_space<hbm>> -> memref<20000x64xf32, #tpu.memory_space<hbm>>
    tpu.enqueue_indirect_dma source(%dma_start3A_38 : memref<20000x64xf32, #tpu.memory_space<hbm>>) target(%arg16 : memref<128x64xf32, #tpu.memory_space<vmem>>) offsets(%dma_start3A_35 : memref<128xi32, #tpu.memory_space<vmem>>) semaphore(%arg19 : memref<!tpu.dma_semaphore, #tpu.memory_space<semaphore_mem>>)
    %dma_wait3A_39 = arith.constant 1 : i32
    %dma_wait3A_40 = arith.constant 0 : i32
    %dma_wait3A_41 = tpu.memref_slice %arg11[%dma_wait3A_39, %dma_wait3A_40] : memref<80x128xi32, #tpu.memory_space<vmem>> -> memref<1x128xi32, #tpu.memory_space<vmem>>
    %dma_wait3A_42 = tpu.memref_squeeze %dma_wait3A_41 : memref<1x128xi32, #tpu.memory_space<vmem>> -> memref<128xi32, #tpu.memory_space<vmem>>
    %dma_wait3A_43 = arith.constant 0 : i32
    %dma_wait3A_44 = arith.constant 0 : i32
    %dma_wait3A_45 = tpu.memref_slice %arg2[%dma_wait3A_43, %dma_wait3A_44] : memref<20000x64xf32, #tpu.memory_space<hbm>> -> memref<20000x64xf32, #tpu.memory_space<hbm>>
    tpu.wait_indirect_dma semaphore(%arg19 : memref<!tpu.dma_semaphore, #tpu.memory_space<semaphore_mem>>) src(%dma_wait3A_45 : memref<20000x64xf32, #tpu.memory_space<hbm>>) dst(%arg15 : memref<128x64xf32, #tpu.memory_space<vmem>>)
    %dma_start3A_46 = arith.constant 1 : i32
    %dma_start3A_47 = arith.constant 0 : i32
    %dma_start3A_48 = tpu.memref_slice %arg13[%dma_start3A_46, %dma_start3A_47] : memref<80x128xi32, #tpu.memory_space<vmem>> -> memref<1x128xi32, #tpu.memory_space<vmem>>
    %dma_start3A_49 = tpu.memref_squeeze %dma_start3A_48 : memref<1x128xi32, #tpu.memory_space<vmem>> -> memref<128xi32, #tpu.memory_space<vmem>>
    %dma_start3A_50 = arith.constant 0 : i32
    %dma_start3A_51 = arith.constant 0 : i32
    %dma_start3A_52 = tpu.memref_slice %arg18[%dma_start3A_50, %dma_start3A_51] : memref<10112x64xf32, #tpu.memory_space<vmem_shared>> -> memref<10112x64xf32, #tpu.memory_space<vmem_shared>>
    tpu.enqueue_indirect_dma source(%arg15 : memref<128x64xf32, #tpu.memory_space<vmem>>) target(%dma_start3A_52 : memref<10112x64xf32, #tpu.memory_space<vmem_shared>>) offsets(%dma_start3A_49 : memref<128xi32, #tpu.memory_space<vmem>>) semaphore(%arg20 : memref<!tpu.dma_semaphore, #tpu.memory_space<semaphore_mem>>) {add = true}
    %rem3A_53 = arith.constant 3 : i32
    %rem3A_54 = arith.constant 80 : i32
    %rem3A_55 = arith.remsi %rem3A_53, %rem3A_54 : i32
    %dma_start3A_56 = arith.constant 0 : i32
    %dma_start3A_57 = tpu.memref_slice %arg11[%rem3A_55, %dma_start3A_56] : memref<80x128xi32, #tpu.memory_space<vmem>> -> memref<1x128xi32, #tpu.memory_space<vmem>>
    %dma_start3A_58 = tpu.memref_squeeze %dma_start3A_57 : memref<1x128xi32, #tpu.memory_space<vmem>> -> memref<128xi32, #tpu.memory_space<vmem>>
    %dma_start3A_59 = arith.constant 0 : i32
    %dma_start3A_60 = arith.constant 0 : i32
    %dma_start3A_61 = tpu.memref_slice %arg2[%dma_start3A_59, %dma_start3A_60] : memref<20000x64xf32, #tpu.memory_space<hbm>> -> memref<20000x64xf32, #tpu.memory_space<hbm>>
    tpu.enqueue_indirect_dma source(%dma_start3A_61 : memref<20000x64xf32, #tpu.memory_space<hbm>>) target(%arg17 : memref<128x64xf32, #tpu.memory_space<vmem>>) offsets(%dma_start3A_58 : memref<128xi32, #tpu.memory_space<vmem>>) semaphore(%arg19 : memref<!tpu.dma_semaphore, #tpu.memory_space<semaphore_mem>>)
    %dma_wait3A_62 = arith.constant 2 : i32
    %dma_wait3A_63 = arith.constant 0 : i32
    %dma_wait3A_64 = tpu.memref_slice %arg11[%dma_wait3A_62, %dma_wait3A_63] : memref<80x128xi32, #tpu.memory_space<vmem>> -> memref<1x128xi32, #tpu.memory_space<vmem>>
    %dma_wait3A_65 = tpu.memref_squeeze %dma_wait3A_64 : memref<1x128xi32, #tpu.memory_space<vmem>> -> memref<128xi32, #tpu.memory_space<vmem>>
    %dma_wait3A_66 = arith.constant 0 : i32
    %dma_wait3A_67 = arith.constant 0 : i32
    %dma_wait3A_68 = tpu.memref_slice %arg2[%dma_wait3A_66, %dma_wait3A_67] : memref<20000x64xf32, #tpu.memory_space<hbm>> -> memref<20000x64xf32, #tpu.memory_space<hbm>>
    tpu.wait_indirect_dma semaphore(%arg19 : memref<!tpu.dma_semaphore, #tpu.memory_space<semaphore_mem>>) src(%dma_wait3A_68 : memref<20000x64xf32, #tpu.memory_space<hbm>>) dst(%arg16 : memref<128x64xf32, #tpu.memory_space<vmem>>)
    %dma_start3A_69 = arith.constant 2 : i32
    %dma_start3A_70 = arith.constant 0 : i32
    %dma_start3A_71 = tpu.memref_slice %arg13[%dma_start3A_69, %dma_start3A_70] : memref<80x128xi32, #tpu.memory_space<vmem>> -> memref<1x128xi32, #tpu.memory_space<vmem>>
    %dma_start3A_72 = tpu.memref_squeeze %dma_start3A_71 : memref<1x128xi32, #tpu.memory_space<vmem>> -> memref<128xi32, #tpu.memory_space<vmem>>
    %dma_start3A_73 = arith.constant 0 : i32
    %dma_start3A_74 = arith.constant 0 : i32
    %dma_start3A_75 = tpu.memref_slice %arg18[%dma_start3A_73, %dma_start3A_74] : memref<10112x64xf32, #tpu.memory_space<vmem_shared>> -> memref<10112x64xf32, #tpu.memory_space<vmem_shared>>
    tpu.enqueue_indirect_dma source(%arg16 : memref<128x64xf32, #tpu.memory_space<vmem>>) target(%dma_start3A_75 : memref<10112x64xf32, #tpu.memory_space<vmem_shared>>) offsets(%dma_start3A_72 : memref<128xi32, #tpu.memory_space<vmem>>) semaphore(%arg20 : memref<!tpu.dma_semaphore, #tpu.memory_space<semaphore_mem>>) {add = true}
    %dma_wait3A_76 = arith.constant 2 : i32
    %dma_wait3A_77 = arith.constant 0 : i32
    %dma_wait3A_78 = tpu.memref_slice %arg13[%dma_wait3A_76, %dma_wait3A_77] : memref<80x128xi32, #tpu.memory_space<vmem>> -> memref<1x128xi32, #tpu.memory_space<vmem>>
    %dma_wait3A_79 = tpu.memref_squeeze %dma_wait3A_78 : memref<1x128xi32, #tpu.memory_space<vmem>> -> memref<128xi32, #tpu.memory_space<vmem>>
    %dma_wait3A_80 = arith.constant 0 : i32
    %dma_wait3A_81 = arith.constant 0 : i32
    %dma_wait3A_82 = tpu.memref_slice %arg18[%dma_wait3A_80, %dma_wait3A_81] : memref<10112x64xf32, #tpu.memory_space<vmem_shared>> -> memref<10112x64xf32, #tpu.memory_space<vmem_shared>>
    tpu.wait_indirect_dma semaphore(%arg20 : memref<!tpu.dma_semaphore, #tpu.memory_space<semaphore_mem>>) src(%arg16 : memref<128x64xf32, #tpu.memory_space<vmem>>) dst(%dma_wait3A_82 : memref<10112x64xf32, #tpu.memory_space<vmem_shared>>)
    %rem3A_83 = arith.constant 4 : i32
    %rem3A_84 = arith.constant 80 : i32
    %rem3A_85 = arith.remsi %rem3A_83, %rem3A_84 : i32
    %dma_start3A_86 = arith.constant 0 : i32
    %dma_start3A_87 = tpu.memref_slice %arg11[%rem3A_85, %dma_start3A_86] : memref<80x128xi32, #tpu.memory_space<vmem>> -> memref<1x128xi32, #tpu.memory_space<vmem>>
    %dma_start3A_88 = tpu.memref_squeeze %dma_start3A_87 : memref<1x128xi32, #tpu.memory_space<vmem>> -> memref<128xi32, #tpu.memory_space<vmem>>
    %dma_start3A_89 = arith.constant 0 : i32
    %dma_start3A_90 = arith.constant 0 : i32
    %dma_start3A_91 = tpu.memref_slice %arg2[%dma_start3A_89, %dma_start3A_90] : memref<20000x64xf32, #tpu.memory_space<hbm>> -> memref<20000x64xf32, #tpu.memory_space<hbm>>
    tpu.enqueue_indirect_dma source(%dma_start3A_91 : memref<20000x64xf32, #tpu.memory_space<hbm>>) target(%arg14 : memref<128x64xf32, #tpu.memory_space<vmem>>) offsets(%dma_start3A_88 : memref<128xi32, #tpu.memory_space<vmem>>) semaphore(%arg19 : memref<!tpu.dma_semaphore, #tpu.memory_space<semaphore_mem>>)
    %dma_wait3A_92 = arith.constant 3 : i32
    %dma_wait3A_93 = arith.constant 0 : i32
    %dma_wait3A_94 = tpu.memref_slice %arg11[%dma_wait3A_92, %dma_wait3A_93] : memref<80x128xi32, #tpu.memory_space<vmem>> -> memref<1x128xi32, #tpu.memory_space<vmem>>
    %dma_wait3A_95 = tpu.memref_squeeze %dma_wait3A_94 : memref<1x128xi32, #tpu.memory_space<vmem>> -> memref<128xi32, #tpu.memory_space<vmem>>
    %dma_wait3A_96 = arith.constant 0 : i32
    %dma_wait3A_97 = arith.constant 0 : i32
    %dma_wait3A_98 = tpu.memref_slice %arg2[%dma_wait3A_96, %dma_wait3A_97] : memref<20000x64xf32, #tpu.memory_space<hbm>> -> memref<20000x64xf32, #tpu.memory_space<hbm>>
    tpu.wait_indirect_dma semaphore(%arg19 : memref<!tpu.dma_semaphore, #tpu.memory_space<semaphore_mem>>) src(%dma_wait3A_98 : memref<20000x64xf32, #tpu.memory_space<hbm>>) dst(%arg17 : memref<128x64xf32, #tpu.memory_space<vmem>>)
    %dma_start3A_99 = arith.constant 3 : i32
    %dma_start3A_100 = arith.constant 0 : i32
    %dma_start3A_101 = tpu.memref_slice %arg13[%dma_start3A_99, %dma_start3A_100] : memref<80x128xi32, #tpu.memory_space<vmem>> -> memref<1x128xi32, #tpu.memory_space<vmem>>
    %dma_start3A_102 = tpu.memref_squeeze %dma_start3A_101 : memref<1x128xi32, #tpu.memory_space<vmem>> -> memref<128xi32, #tpu.memory_space<vmem>>
    %dma_start3A_103 = arith.constant 0 : i32
    %dma_start3A_104 = arith.constant 0 : i32
    %dma_start3A_105 = tpu.memref_slice %arg18[%dma_start3A_103, %dma_start3A_104] : memref<10112x64xf32, #tpu.memory_space<vmem_shared>> -> memref<10112x64xf32, #tpu.memory_space<vmem_shared>>
    tpu.enqueue_indirect_dma source(%arg17 : memref<128x64xf32, #tpu.memory_space<vmem>>) target(%dma_start3A_105 : memref<10112x64xf32, #tpu.memory_space<vmem_shared>>) offsets(%dma_start3A_102 : memref<128xi32, #tpu.memory_space<vmem>>) semaphore(%arg20 : memref<!tpu.dma_semaphore, #tpu.memory_space<semaphore_mem>>) {add = true}
    %dma_wait3A_106 = arith.constant 3 : i32
    %dma_wait3A_107 = arith.constant 0 : i32
    %dma_wait3A_108 = tpu.memref_slice %arg13[%dma_wait3A_106, %dma_wait3A_107] : memref<80x128xi32, #tpu.memory_space<vmem>> -> memref<1x128xi32, #tpu.memory_space<vmem>>
    %dma_wait3A_109 = tpu.memref_squeeze %dma_wait3A_108 : memref<1x128xi32, #tpu.memory_space<vmem>> -> memref<128xi32, #tpu.memory_space<vmem>>
    %dma_wait3A_110 = arith.constant 0 : i32
    %dma_wait3A_111 = arith.constant 0 : i32
    %dma_wait3A_112 = tpu.memref_slice %arg18[%dma_wait3A_110, %dma_wait3A_111] : memref<10112x64xf32, #tpu.memory_space<vmem_shared>> -> memref<10112x64xf32, #tpu.memory_space<vmem_shared>>
    tpu.wait_indirect_dma semaphore(%arg20 : memref<!tpu.dma_semaphore, #tpu.memory_space<semaphore_mem>>) src(%arg17 : memref<128x64xf32, #tpu.memory_space<vmem>>) dst(%dma_wait3A_112 : memref<10112x64xf32, #tpu.memory_space<vmem_shared>>)
    %rem3A_113 = arith.constant 5 : i32
    %rem3A_114 = arith.constant 80 : i32
    %rem3A_115 = arith.remsi %rem3A_113, %rem3A_114 : i32
    %dma_start3A_116 = arith.constant 0 : i32
    %dma_start3A_117 = tpu.memref_slice %arg11[%rem3A_115, %dma_start3A_116] : memref<80x128xi32, #tpu.memory_space<vmem>> -> memref<1x128xi32, #tpu.memory_space<vmem>>
    %dma_start3A_118 = tpu.memref_squeeze %dma_start3A_117 : memref<1x128xi32, #tpu.memory_space<vmem>> -> memref<128xi32, #tpu.memory_space<vmem>>
    %dma_start3A_119 = arith.constant 0 : i32
    %dma_start3A_120 = arith.constant 0 : i32
    %dma_start3A_121 = tpu.memref_slice %arg2[%dma_start3A_119, %dma_start3A_120] : memref<20000x64xf32, #tpu.memory_space<hbm>> -> memref<20000x64xf32, #tpu.memory_space<hbm>>
    tpu.enqueue_indirect_dma source(%dma_start3A_121 : memref<20000x64xf32, #tpu.memory_space<hbm>>) target(%arg15 : memref<128x64xf32, #tpu.memory_space<vmem>>) offsets(%dma_start3A_118 : memref<128xi32, #tpu.memory_space<vmem>>) semaphore(%arg19 : memref<!tpu.dma_semaphore, #tpu.memory_space<semaphore_mem>>)
    %scan3A = arith.constant 0 : i32
    %scan3A_122 = arith.constant 1 : i32
    %scan3A_123 = arith.constant 19 : i32
    %scan3A_124 = arith.addi %scan3A_122, %scan3A_123 : i32
    %scan3A_125 = arith.constant 1 : i32
    scf.for %scan3A_329 = %scan3A_122 to %scan3A_124 step %scan3A_125  : i32 {
      %mul3A_330 = arith.constant 4 : i32
      %mul3A_331 = arith.muli %mul3A_330, %scan3A_329 : i32
      %add3A_332 = arith.constant 0 : i32
      %add3A_333 = arith.addi %mul3A_331, %add3A_332 : i32
      %dma_wait3A_334 = arith.constant 0 : i32
      %dma_wait3A_335 = tpu.memref_slice %arg11[%add3A_333, %dma_wait3A_334] : memref<80x128xi32, #tpu.memory_space<vmem>> -> memref<1x128xi32, #tpu.memory_space<vmem>>
      %dma_wait3A_336 = tpu.memref_squeeze %dma_wait3A_335 : memref<1x128xi32, #tpu.memory_space<vmem>> -> memref<128xi32, #tpu.memory_space<vmem>>
      %dma_wait3A_337 = arith.constant 0 : i32
      %dma_wait3A_338 = arith.constant 0 : i32
      %dma_wait3A_339 = tpu.memref_slice %arg2[%dma_wait3A_337, %dma_wait3A_338] : memref<20000x64xf32, #tpu.memory_space<hbm>> -> memref<20000x64xf32, #tpu.memory_space<hbm>>
      tpu.wait_indirect_dma semaphore(%arg19 : memref<!tpu.dma_semaphore, #tpu.memory_space<semaphore_mem>>) src(%dma_wait3A_339 : memref<20000x64xf32, #tpu.memory_space<hbm>>) dst(%arg14 : memref<128x64xf32, #tpu.memory_space<vmem>>)
      %dma_start3A_340 = arith.constant 0 : i32
      %dma_start3A_341 = tpu.memref_slice %arg13[%add3A_333, %dma_start3A_340] : memref<80x128xi32, #tpu.memory_space<vmem>> -> memref<1x128xi32, #tpu.memory_space<vmem>>
      %dma_start3A_342 = tpu.memref_squeeze %dma_start3A_341 : memref<1x128xi32, #tpu.memory_space<vmem>> -> memref<128xi32, #tpu.memory_space<vmem>>
      %dma_start3A_343 = arith.constant 0 : i32
      %dma_start3A_344 = arith.constant 0 : i32
      %dma_start3A_345 = tpu.memref_slice %arg18[%dma_start3A_343, %dma_start3A_344] : memref<10112x64xf32, #tpu.memory_space<vmem_shared>> -> memref<10112x64xf32, #tpu.memory_space<vmem_shared>>
      tpu.enqueue_indirect_dma source(%arg14 : memref<128x64xf32, #tpu.memory_space<vmem>>) target(%dma_start3A_345 : memref<10112x64xf32, #tpu.memory_space<vmem_shared>>) offsets(%dma_start3A_342 : memref<128xi32, #tpu.memory_space<vmem>>) semaphore(%arg20 : memref<!tpu.dma_semaphore, #tpu.memory_space<semaphore_mem>>) {add = true}
      %dma_wait3A_346 = arith.constant 0 : i32
      %dma_wait3A_347 = tpu.memref_slice %arg13[%add3A_333, %dma_wait3A_346] : memref<80x128xi32, #tpu.memory_space<vmem>> -> memref<1x128xi32, #tpu.memory_space<vmem>>
      %dma_wait3A_348 = tpu.memref_squeeze %dma_wait3A_347 : memref<1x128xi32, #tpu.memory_space<vmem>> -> memref<128xi32, #tpu.memory_space<vmem>>
      %dma_wait3A_349 = arith.constant 0 : i32
      %dma_wait3A_350 = arith.constant 0 : i32
      %dma_wait3A_351 = tpu.memref_slice %arg18[%dma_wait3A_349, %dma_wait3A_350] : memref<10112x64xf32, #tpu.memory_space<vmem_shared>> -> memref<10112x64xf32, #tpu.memory_space<vmem_shared>>
      tpu.wait_indirect_dma semaphore(%arg20 : memref<!tpu.dma_semaphore, #tpu.memory_space<semaphore_mem>>) src(%arg14 : memref<128x64xf32, #tpu.memory_space<vmem>>) dst(%dma_wait3A_351 : memref<10112x64xf32, #tpu.memory_space<vmem_shared>>)
      %add3A_352 = arith.constant 2 : i32
      %add3A_353 = arith.addi %add3A_333, %add3A_352 : i32
      %rem3A_354 = arith.constant 80 : i32
      %rem3A_355 = arith.remsi %add3A_353, %rem3A_354 : i32
      %dma_start3A_356 = arith.constant 0 : i32
      %dma_start3A_357 = tpu.memref_slice %arg11[%rem3A_355, %dma_start3A_356] : memref<80x128xi32, #tpu.memory_space<vmem>> -> memref<1x128xi32, #tpu.memory_space<vmem>>
      %dma_start3A_358 = tpu.memref_squeeze %dma_start3A_357 : memref<1x128xi32, #tpu.memory_space<vmem>> -> memref<128xi32, #tpu.memory_space<vmem>>
      %dma_start3A_359 = arith.constant 0 : i32
      %dma_start3A_360 = arith.constant 0 : i32
      %dma_start3A_361 = tpu.memref_slice %arg2[%dma_start3A_359, %dma_start3A_360] : memref<20000x64xf32, #tpu.memory_space<hbm>> -> memref<20000x64xf32, #tpu.memory_space<hbm>>
      tpu.enqueue_indirect_dma source(%dma_start3A_361 : memref<20000x64xf32, #tpu.memory_space<hbm>>) target(%arg16 : memref<128x64xf32, #tpu.memory_space<vmem>>) offsets(%dma_start3A_358 : memref<128xi32, #tpu.memory_space<vmem>>) semaphore(%arg19 : memref<!tpu.dma_semaphore, #tpu.memory_space<semaphore_mem>>)
      %add3A_362 = arith.constant 1 : i32
      %add3A_363 = arith.addi %mul3A_331, %add3A_362 : i32
      %dma_wait3A_364 = arith.constant 0 : i32
      %dma_wait3A_365 = tpu.memref_slice %arg11[%add3A_363, %dma_wait3A_364] : memref<80x128xi32, #tpu.memory_space<vmem>> -> memref<1x128xi32, #tpu.memory_space<vmem>>
      %dma_wait3A_366 = tpu.memref_squeeze %dma_wait3A_365 : memref<1x128xi32, #tpu.memory_space<vmem>> -> memref<128xi32, #tpu.memory_space<vmem>>
      %dma_wait3A_367 = arith.constant 0 : i32
      %dma_wait3A_368 = arith.constant 0 : i32
      %dma_wait3A_369 = tpu.memref_slice %arg2[%dma_wait3A_367, %dma_wait3A_368] : memref<20000x64xf32, #tpu.memory_space<hbm>> -> memref<20000x64xf32, #tpu.memory_space<hbm>>
      tpu.wait_indirect_dma semaphore(%arg19 : memref<!tpu.dma_semaphore, #tpu.memory_space<semaphore_mem>>) src(%dma_wait3A_369 : memref<20000x64xf32, #tpu.memory_space<hbm>>) dst(%arg15 : memref<128x64xf32, #tpu.memory_space<vmem>>)
      %dma_start3A_370 = arith.constant 0 : i32
      %dma_start3A_371 = tpu.memref_slice %arg13[%add3A_363, %dma_start3A_370] : memref<80x128xi32, #tpu.memory_space<vmem>> -> memref<1x128xi32, #tpu.memory_space<vmem>>
      %dma_start3A_372 = tpu.memref_squeeze %dma_start3A_371 : memref<1x128xi32, #tpu.memory_space<vmem>> -> memref<128xi32, #tpu.memory_space<vmem>>
      %dma_start3A_373 = arith.constant 0 : i32
      %dma_start3A_374 = arith.constant 0 : i32
      %dma_start3A_375 = tpu.memref_slice %arg18[%dma_start3A_373, %dma_start3A_374] : memref<10112x64xf32, #tpu.memory_space<vmem_shared>> -> memref<10112x64xf32, #tpu.memory_space<vmem_shared>>
      tpu.enqueue_indirect_dma source(%arg15 : memref<128x64xf32, #tpu.memory_space<vmem>>) target(%dma_start3A_375 : memref<10112x64xf32, #tpu.memory_space<vmem_shared>>) offsets(%dma_start3A_372 : memref<128xi32, #tpu.memory_space<vmem>>) semaphore(%arg20 : memref<!tpu.dma_semaphore, #tpu.memory_space<semaphore_mem>>) {add = true}
      %dma_wait3A_376 = arith.constant 0 : i32
      %dma_wait3A_377 = tpu.memref_slice %arg13[%add3A_363, %dma_wait3A_376] : memref<80x128xi32, #tpu.memory_space<vmem>> -> memref<1x128xi32, #tpu.memory_space<vmem>>
      %dma_wait3A_378 = tpu.memref_squeeze %dma_wait3A_377 : memref<1x128xi32, #tpu.memory_space<vmem>> -> memref<128xi32, #tpu.memory_space<vmem>>
      %dma_wait3A_379 = arith.constant 0 : i32
      %dma_wait3A_380 = arith.constant 0 : i32
      %dma_wait3A_381 = tpu.memref_slice %arg18[%dma_wait3A_379, %dma_wait3A_380] : memref<10112x64xf32, #tpu.memory_space<vmem_shared>> -> memref<10112x64xf32, #tpu.memory_space<vmem_shared>>
      tpu.wait_indirect_dma semaphore(%arg20 : memref<!tpu.dma_semaphore, #tpu.memory_space<semaphore_mem>>) src(%arg15 : memref<128x64xf32, #tpu.memory_space<vmem>>) dst(%dma_wait3A_381 : memref<10112x64xf32, #tpu.memory_space<vmem_shared>>)
      %add3A_382 = arith.constant 2 : i32
      %add3A_383 = arith.addi %add3A_363, %add3A_382 : i32
      %rem3A_384 = arith.constant 80 : i32
      %rem3A_385 = arith.remsi %add3A_383, %rem3A_384 : i32
      %dma_start3A_386 = arith.constant 0 : i32
      %dma_start3A_387 = tpu.memref_slice %arg11[%rem3A_385, %dma_start3A_386] : memref<80x128xi32, #tpu.memory_space<vmem>> -> memref<1x128xi32, #tpu.memory_space<vmem>>
      %dma_start3A_388 = tpu.memref_squeeze %dma_start3A_387 : memref<1x128xi32, #tpu.memory_space<vmem>> -> memref<128xi32, #tpu.memory_space<vmem>>
      %dma_start3A_389 = arith.constant 0 : i32
      %dma_start3A_390 = arith.constant 0 : i32
      %dma_start3A_391 = tpu.memref_slice %arg2[%dma_start3A_389, %dma_start3A_390] : memref<20000x64xf32, #tpu.memory_space<hbm>> -> memref<20000x64xf32, #tpu.memory_space<hbm>>
      tpu.enqueue_indirect_dma source(%dma_start3A_391 : memref<20000x64xf32, #tpu.memory_space<hbm>>) target(%arg17 : memref<128x64xf32, #tpu.memory_space<vmem>>) offsets(%dma_start3A_388 : memref<128xi32, #tpu.memory_space<vmem>>) semaphore(%arg19 : memref<!tpu.dma_semaphore, #tpu.memory_space<semaphore_mem>>)
      %add3A_392 = arith.constant 2 : i32
      %add3A_393 = arith.addi %mul3A_331, %add3A_392 : i32
      %dma_wait3A_394 = arith.constant 0 : i32
      %dma_wait3A_395 = tpu.memref_slice %arg11[%add3A_393, %dma_wait3A_394] : memref<80x128xi32, #tpu.memory_space<vmem>> -> memref<1x128xi32, #tpu.memory_space<vmem>>
      %dma_wait3A_396 = tpu.memref_squeeze %dma_wait3A_395 : memref<1x128xi32, #tpu.memory_space<vmem>> -> memref<128xi32, #tpu.memory_space<vmem>>
      %dma_wait3A_397 = arith.constant 0 : i32
      %dma_wait3A_398 = arith.constant 0 : i32
      %dma_wait3A_399 = tpu.memref_slice %arg2[%dma_wait3A_397, %dma_wait3A_398] : memref<20000x64xf32, #tpu.memory_space<hbm>> -> memref<20000x64xf32, #tpu.memory_space<hbm>>
      tpu.wait_indirect_dma semaphore(%arg19 : memref<!tpu.dma_semaphore, #tpu.memory_space<semaphore_mem>>) src(%dma_wait3A_399 : memref<20000x64xf32, #tpu.memory_space<hbm>>) dst(%arg16 : memref<128x64xf32, #tpu.memory_space<vmem>>)
      %dma_start3A_400 = arith.constant 0 : i32
      %dma_start3A_401 = tpu.memref_slice %arg13[%add3A_393, %dma_start3A_400] : memref<80x128xi32, #tpu.memory_space<vmem>> -> memref<1x128xi32, #tpu.memory_space<vmem>>
      %dma_start3A_402 = tpu.memref_squeeze %dma_start3A_401 : memref<1x128xi32, #tpu.memory_space<vmem>> -> memref<128xi32, #tpu.memory_space<vmem>>
      %dma_start3A_403 = arith.constant 0 : i32
      %dma_start3A_404 = arith.constant 0 : i32
      %dma_start3A_405 = tpu.memref_slice %arg18[%dma_start3A_403, %dma_start3A_404] : memref<10112x64xf32, #tpu.memory_space<vmem_shared>> -> memref<10112x64xf32, #tpu.memory_space<vmem_shared>>
      tpu.enqueue_indirect_dma source(%arg16 : memref<128x64xf32, #tpu.memory_space<vmem>>) target(%dma_start3A_405 : memref<10112x64xf32, #tpu.memory_space<vmem_shared>>) offsets(%dma_start3A_402 : memref<128xi32, #tpu.memory_space<vmem>>) semaphore(%arg20 : memref<!tpu.dma_semaphore, #tpu.memory_space<semaphore_mem>>) {add = true}
      %dma_wait3A_406 = arith.constant 0 : i32
      %dma_wait3A_407 = tpu.memref_slice %arg13[%add3A_393, %dma_wait3A_406] : memref<80x128xi32, #tpu.memory_space<vmem>> -> memref<1x128xi32, #tpu.memory_space<vmem>>
      %dma_wait3A_408 = tpu.memref_squeeze %dma_wait3A_407 : memref<1x128xi32, #tpu.memory_space<vmem>> -> memref<128xi32, #tpu.memory_space<vmem>>
      %dma_wait3A_409 = arith.constant 0 : i32
      %dma_wait3A_410 = arith.constant 0 : i32
      %dma_wait3A_411 = tpu.memref_slice %arg18[%dma_wait3A_409, %dma_wait3A_410] : memref<10112x64xf32, #tpu.memory_space<vmem_shared>> -> memref<10112x64xf32, #tpu.memory_space<vmem_shared>>
      tpu.wait_indirect_dma semaphore(%arg20 : memref<!tpu.dma_semaphore, #tpu.memory_space<semaphore_mem>>) src(%arg16 : memref<128x64xf32, #tpu.memory_space<vmem>>) dst(%dma_wait3A_411 : memref<10112x64xf32, #tpu.memory_space<vmem_shared>>)
      %add3A_412 = arith.constant 2 : i32
      %add3A_413 = arith.addi %add3A_393, %add3A_412 : i32
      %rem3A_414 = arith.constant 80 : i32
      %rem3A_415 = arith.remsi %add3A_413, %rem3A_414 : i32
      %dma_start3A_416 = arith.constant 0 : i32
      %dma_start3A_417 = tpu.memref_slice %arg11[%rem3A_415, %dma_start3A_416] : memref<80x128xi32, #tpu.memory_space<vmem>> -> memref<1x128xi32, #tpu.memory_space<vmem>>
      %dma_start3A_418 = tpu.memref_squeeze %dma_start3A_417 : memref<1x128xi32, #tpu.memory_space<vmem>> -> memref<128xi32, #tpu.memory_space<vmem>>
      %dma_start3A_419 = arith.constant 0 : i32
      %dma_start3A_420 = arith.constant 0 : i32
      %dma_start3A_421 = tpu.memref_slice %arg2[%dma_start3A_419, %dma_start3A_420] : memref<20000x64xf32, #tpu.memory_space<hbm>> -> memref<20000x64xf32, #tpu.memory_space<hbm>>
      tpu.enqueue_indirect_dma source(%dma_start3A_421 : memref<20000x64xf32, #tpu.memory_space<hbm>>) target(%arg14 : memref<128x64xf32, #tpu.memory_space<vmem>>) offsets(%dma_start3A_418 : memref<128xi32, #tpu.memory_space<vmem>>) semaphore(%arg19 : memref<!tpu.dma_semaphore, #tpu.memory_space<semaphore_mem>>)
      %add3A_422 = arith.constant 3 : i32
      %add3A_423 = arith.addi %mul3A_331, %add3A_422 : i32
      %dma_wait3A_424 = arith.constant 0 : i32
      %dma_wait3A_425 = tpu.memref_slice %arg11[%add3A_423, %dma_wait3A_424] : memref<80x128xi32, #tpu.memory_space<vmem>> -> memref<1x128xi32, #tpu.memory_space<vmem>>
      %dma_wait3A_426 = tpu.memref_squeeze %dma_wait3A_425 : memref<1x128xi32, #tpu.memory_space<vmem>> -> memref<128xi32, #tpu.memory_space<vmem>>
      %dma_wait3A_427 = arith.constant 0 : i32
      %dma_wait3A_428 = arith.constant 0 : i32
      %dma_wait3A_429 = tpu.memref_slice %arg2[%dma_wait3A_427, %dma_wait3A_428] : memref<20000x64xf32, #tpu.memory_space<hbm>> -> memref<20000x64xf32, #tpu.memory_space<hbm>>
      tpu.wait_indirect_dma semaphore(%arg19 : memref<!tpu.dma_semaphore, #tpu.memory_space<semaphore_mem>>) src(%dma_wait3A_429 : memref<20000x64xf32, #tpu.memory_space<hbm>>) dst(%arg17 : memref<128x64xf32, #tpu.memory_space<vmem>>)
      %dma_start3A_430 = arith.constant 0 : i32
      %dma_start3A_431 = tpu.memref_slice %arg13[%add3A_423, %dma_start3A_430] : memref<80x128xi32, #tpu.memory_space<vmem>> -> memref<1x128xi32, #tpu.memory_space<vmem>>
      %dma_start3A_432 = tpu.memref_squeeze %dma_start3A_431 : memref<1x128xi32, #tpu.memory_space<vmem>> -> memref<128xi32, #tpu.memory_space<vmem>>
      %dma_start3A_433 = arith.constant 0 : i32
      %dma_start3A_434 = arith.constant 0 : i32
      %dma_start3A_435 = tpu.memref_slice %arg18[%dma_start3A_433, %dma_start3A_434] : memref<10112x64xf32, #tpu.memory_space<vmem_shared>> -> memref<10112x64xf32, #tpu.memory_space<vmem_shared>>
      tpu.enqueue_indirect_dma source(%arg17 : memref<128x64xf32, #tpu.memory_space<vmem>>) target(%dma_start3A_435 : memref<10112x64xf32, #tpu.memory_space<vmem_shared>>) offsets(%dma_start3A_432 : memref<128xi32, #tpu.memory_space<vmem>>) semaphore(%arg20 : memref<!tpu.dma_semaphore, #tpu.memory_space<semaphore_mem>>) {add = true}
      %dma_wait3A_436 = arith.constant 0 : i32
      %dma_wait3A_437 = tpu.memref_slice %arg13[%add3A_423, %dma_wait3A_436] : memref<80x128xi32, #tpu.memory_space<vmem>> -> memref<1x128xi32, #tpu.memory_space<vmem>>
      %dma_wait3A_438 = tpu.memref_squeeze %dma_wait3A_437 : memref<1x128xi32, #tpu.memory_space<vmem>> -> memref<128xi32, #tpu.memory_space<vmem>>
      %dma_wait3A_439 = arith.constant 0 : i32
      %dma_wait3A_440 = arith.constant 0 : i32
      %dma_wait3A_441 = tpu.memref_slice %arg18[%dma_wait3A_439, %dma_wait3A_440] : memref<10112x64xf32, #tpu.memory_space<vmem_shared>> -> memref<10112x64xf32, #tpu.memory_space<vmem_shared>>
      tpu.wait_indirect_dma semaphore(%arg20 : memref<!tpu.dma_semaphore, #tpu.memory_space<semaphore_mem>>) src(%arg17 : memref<128x64xf32, #tpu.memory_space<vmem>>) dst(%dma_wait3A_441 : memref<10112x64xf32, #tpu.memory_space<vmem_shared>>)
      %add3A_442 = arith.constant 2 : i32
      %add3A_443 = arith.addi %add3A_423, %add3A_442 : i32
      %rem3A_444 = arith.constant 80 : i32
      %rem3A_445 = arith.remsi %add3A_443, %rem3A_444 : i32
      %dma_start3A_446 = arith.constant 0 : i32
      %dma_start3A_447 = tpu.memref_slice %arg11[%rem3A_445, %dma_start3A_446] : memref<80x128xi32, #tpu.memory_space<vmem>> -> memref<1x128xi32, #tpu.memory_space<vmem>>
      %dma_start3A_448 = tpu.memref_squeeze %dma_start3A_447 : memref<1x128xi32, #tpu.memory_space<vmem>> -> memref<128xi32, #tpu.memory_space<vmem>>
      %dma_start3A_449 = arith.constant 0 : i32
      %dma_start3A_450 = arith.constant 0 : i32
      %dma_start3A_451 = tpu.memref_slice %arg2[%dma_start3A_449, %dma_start3A_450] : memref<20000x64xf32, #tpu.memory_space<hbm>> -> memref<20000x64xf32, #tpu.memory_space<hbm>>
      tpu.enqueue_indirect_dma source(%dma_start3A_451 : memref<20000x64xf32, #tpu.memory_space<hbm>>) target(%arg15 : memref<128x64xf32, #tpu.memory_space<vmem>>) offsets(%dma_start3A_448 : memref<128xi32, #tpu.memory_space<vmem>>) semaphore(%arg19 : memref<!tpu.dma_semaphore, #tpu.memory_space<semaphore_mem>>)
    }
    %scan3A_126 = arith.constant 19 : i32
    %dma_wait3A_127 = arith.constant 0 : i32
    %dma_wait3A_128 = arith.constant 0 : i32
    %dma_wait3A_129 = tpu.memref_slice %arg13[%dma_wait3A_127, %dma_wait3A_128] : memref<80x128xi32, #tpu.memory_space<vmem>> -> memref<1x128xi32, #tpu.memory_space<vmem>>
    %dma_wait3A_130 = tpu.memref_squeeze %dma_wait3A_129 : memref<1x128xi32, #tpu.memory_space<vmem>> -> memref<128xi32, #tpu.memory_space<vmem>>
    %dma_wait3A_131 = arith.constant 0 : i32
    %dma_wait3A_132 = arith.constant 0 : i32
    %dma_wait3A_133 = tpu.memref_slice %arg18[%dma_wait3A_131, %dma_wait3A_132] : memref<10112x64xf32, #tpu.memory_space<vmem_shared>> -> memref<10112x64xf32, #tpu.memory_space<vmem_shared>>
    tpu.wait_indirect_dma semaphore(%arg20 : memref<!tpu.dma_semaphore, #tpu.memory_space<semaphore_mem>>) src(%arg14 : memref<128x64xf32, #tpu.memory_space<vmem>>) dst(%dma_wait3A_133 : memref<10112x64xf32, #tpu.memory_space<vmem_shared>>)
    %dma_wait3A_134 = arith.constant 0 : i32
    %dma_wait3A_135 = arith.constant 0 : i32
    %dma_wait3A_136 = tpu.memref_slice %arg11[%dma_wait3A_134, %dma_wait3A_135] : memref<80x128xi32, #tpu.memory_space<vmem>> -> memref<1x128xi32, #tpu.memory_space<vmem>>
    %dma_wait3A_137 = tpu.memref_squeeze %dma_wait3A_136 : memref<1x128xi32, #tpu.memory_space<vmem>> -> memref<128xi32, #tpu.memory_space<vmem>>
    %dma_wait3A_138 = arith.constant 0 : i32
    %dma_wait3A_139 = arith.constant 0 : i32
    %dma_wait3A_140 = tpu.memref_slice %arg2[%dma_wait3A_138, %dma_wait3A_139] : memref<20000x64xf32, #tpu.memory_space<hbm>> -> memref<20000x64xf32, #tpu.memory_space<hbm>>
    tpu.wait_indirect_dma semaphore(%arg19 : memref<!tpu.dma_semaphore, #tpu.memory_space<semaphore_mem>>) src(%dma_wait3A_140 : memref<20000x64xf32, #tpu.memory_space<hbm>>) dst(%arg14 : memref<128x64xf32, #tpu.memory_space<vmem>>)
    %dma_wait3A_141 = arith.constant 0 : i32
    %dma_wait3A_142 = arith.constant 0 : i32
    %dma_wait3A_143 = tpu.memref_slice %arg13[%dma_wait3A_141, %dma_wait3A_142] : memref<80x128xi32, #tpu.memory_space<vmem>> -> memref<1x128xi32, #tpu.memory_space<vmem>>
    %dma_wait3A_144 = tpu.memref_squeeze %dma_wait3A_143 : memref<1x128xi32, #tpu.memory_space<vmem>> -> memref<128xi32, #tpu.memory_space<vmem>>
    %dma_wait3A_145 = arith.constant 0 : i32
    %dma_wait3A_146 = arith.constant 0 : i32
    %dma_wait3A_147 = tpu.memref_slice %arg18[%dma_wait3A_145, %dma_wait3A_146] : memref<10112x64xf32, #tpu.memory_space<vmem_shared>> -> memref<10112x64xf32, #tpu.memory_space<vmem_shared>>
    tpu.wait_indirect_dma semaphore(%arg20 : memref<!tpu.dma_semaphore, #tpu.memory_space<semaphore_mem>>) src(%arg15 : memref<128x64xf32, #tpu.memory_space<vmem>>) dst(%dma_wait3A_147 : memref<10112x64xf32, #tpu.memory_space<vmem_shared>>)
    %dma_wait3A_148 = arith.constant 0 : i32
    %dma_wait3A_149 = arith.constant 0 : i32
    %dma_wait3A_150 = tpu.memref_slice %arg11[%dma_wait3A_148, %dma_wait3A_149] : memref<80x128xi32, #tpu.memory_space<vmem>> -> memref<1x128xi32, #tpu.memory_space<vmem>>
    %dma_wait3A_151 = tpu.memref_squeeze %dma_wait3A_150 : memref<1x128xi32, #tpu.memory_space<vmem>> -> memref<128xi32, #tpu.memory_space<vmem>>
    %dma_wait3A_152 = arith.constant 0 : i32
    %dma_wait3A_153 = arith.constant 0 : i32
    %dma_wait3A_154 = tpu.memref_slice %arg2[%dma_wait3A_152, %dma_wait3A_153] : memref<20000x64xf32, #tpu.memory_space<hbm>> -> memref<20000x64xf32, #tpu.memory_space<hbm>>
    tpu.wait_indirect_dma semaphore(%arg19 : memref<!tpu.dma_semaphore, #tpu.memory_space<semaphore_mem>>) src(%dma_wait3A_154 : memref<20000x64xf32, #tpu.memory_space<hbm>>) dst(%arg15 : memref<128x64xf32, #tpu.memory_space<vmem>>)
    %barrier3A_155 = arith.constant 0 : index
    tpu.barrier barrier_id(%barrier3A_155)
    %eq3A = arith.constant 0 : i32
    %eq3A_156 = arith.cmpi eq, %arg0, %eq3A : i32
    %convert_element_type3A = arith.extui %eq3A_156 : i1 to i32
    %cond3A = arith.constant 0 : i32
    %cond3A_157 = arith.cmpi ne, %convert_element_type3A, %cond3A : i32
    scf.if %cond3A_157 {
      "tpu.region"() ({
        %run_scoped3A = tpu.sem_alloc : memref<!tpu.dma_semaphore, #tpu.memory_space<semaphore_mem>>
        %dma_start3A_329 = arith.constant 0 : i32
        %dma_start3A_330 = tpu.memref_slice %arg7[%mul3A_2, %dma_start3A_329] : memref<10112x64xf32, #tpu.memory_space<hbm>> -> memref<632x64xf32, #tpu.memory_space<hbm>>
        %dma_start3A_331 = arith.constant 0 : i32
        %dma_start3A_332 = tpu.memref_slice %arg18[%mul3A_2, %dma_start3A_331] : memref<10112x64xf32, #tpu.memory_space<vmem_shared>> -> memref<632x64xf32, #tpu.memory_space<vmem_shared>>
        tpu.enqueue_dma source(%dma_start3A_332 : memref<632x64xf32, #tpu.memory_space<vmem_shared>>) target(%dma_start3A_330 : memref<632x64xf32, #tpu.memory_space<hbm>>) target_semaphore(%run_scoped3A : memref<!tpu.dma_semaphore, #tpu.memory_space<semaphore_mem>>)
        %dma_wait3A_333 = arith.constant 0 : i32
        %dma_wait3A_334 = tpu.memref_slice %arg7[%mul3A_2, %dma_wait3A_333] : memref<10112x64xf32, #tpu.memory_space<hbm>> -> memref<632x64xf32, #tpu.memory_space<hbm>>
        %dma_wait3A_335 = arith.constant 0 : i32
        %dma_wait3A_336 = tpu.memref_slice %arg18[%mul3A_2, %dma_wait3A_335] : memref<10112x64xf32, #tpu.memory_space<vmem_shared>> -> memref<632x64xf32, #tpu.memory_space<vmem_shared>>
        tpu.wait_dma2 semaphore(%run_scoped3A : memref<!tpu.dma_semaphore, #tpu.memory_space<semaphore_mem>>) src(%dma_wait3A_336 : memref<632x64xf32, #tpu.memory_space<vmem_shared>>) dst(%dma_wait3A_334 : memref<632x64xf32, #tpu.memory_space<hbm>>)
        tpu.yield
      }) : () -> ()
    } else {
    }
    %eq3A_158 = arith.constant 1 : i32
    %eq3A_159 = arith.cmpi eq, %arg0, %eq3A_158 : i32
    %convert_element_type3A_160 = arith.extui %eq3A_159 : i1 to i32
    %cond3A_161 = arith.constant 0 : i32
    %cond3A_162 = arith.cmpi ne, %convert_element_type3A_160, %cond3A_161 : i32
    scf.if %cond3A_162 {
      "tpu.region"() ({
        %run_scoped3A = tpu.sem_alloc : memref<!tpu.dma_semaphore, #tpu.memory_space<semaphore_mem>>
        %dma_start3A_329 = arith.constant 0 : i32
        %dma_start3A_330 = tpu.memref_slice %arg9[%mul3A_2, %dma_start3A_329] : memref<10112x64xf32, #tpu.memory_space<hbm>> -> memref<632x64xf32, #tpu.memory_space<hbm>>
        %dma_start3A_331 = arith.constant 0 : i32
        %dma_start3A_332 = tpu.memref_slice %arg18[%mul3A_2, %dma_start3A_331] : memref<10112x64xf32, #tpu.memory_space<vmem_shared>> -> memref<632x64xf32, #tpu.memory_space<vmem_shared>>
        tpu.enqueue_dma source(%dma_start3A_332 : memref<632x64xf32, #tpu.memory_space<vmem_shared>>) target(%dma_start3A_330 : memref<632x64xf32, #tpu.memory_space<hbm>>) target_semaphore(%run_scoped3A : memref<!tpu.dma_semaphore, #tpu.memory_space<semaphore_mem>>)
        %dma_wait3A_333 = arith.constant 0 : i32
        %dma_wait3A_334 = tpu.memref_slice %arg9[%mul3A_2, %dma_wait3A_333] : memref<10112x64xf32, #tpu.memory_space<hbm>> -> memref<632x64xf32, #tpu.memory_space<hbm>>
        %dma_wait3A_335 = arith.constant 0 : i32
        %dma_wait3A_336 = tpu.memref_slice %arg18[%mul3A_2, %dma_wait3A_335] : memref<10112x64xf32, #tpu.memory_space<vmem_shared>> -> memref<632x64xf32, #tpu.memory_space<vmem_shared>>
        tpu.wait_dma2 semaphore(%run_scoped3A : memref<!tpu.dma_semaphore, #tpu.memory_space<semaphore_mem>>) src(%dma_wait3A_336 : memref<632x64xf32, #tpu.memory_space<vmem_shared>>) dst(%dma_wait3A_334 : memref<632x64xf32, #tpu.memory_space<hbm>>)
        tpu.yield
      }) : () -> ()
    } else {
    }
    "tpu.region"() ({
      %run_scoped3A = tpu.sem_alloc : memref<!tpu.dma_semaphore, #tpu.memory_space<semaphore_mem>>
      %dma_start3A_329 = arith.constant 0 : i32
      %dma_start3A_330 = tpu.memref_slice %arg18[%mul3A_2, %dma_start3A_329] : memref<10112x64xf32, #tpu.memory_space<vmem_shared>> -> memref<632x64xf32, #tpu.memory_space<vmem_shared>>
      tpu.enqueue_dma source(%arg6 : memref<632x64xf32, #tpu.memory_space<hbm>>) target(%dma_start3A_330 : memref<632x64xf32, #tpu.memory_space<vmem_shared>>) target_semaphore(%run_scoped3A : memref<!tpu.dma_semaphore, #tpu.memory_space<semaphore_mem>>)
      %dma_wait3A_331 = arith.constant 0 : i32
      %dma_wait3A_332 = tpu.memref_slice %arg18[%mul3A_2, %dma_wait3A_331] : memref<10112x64xf32, #tpu.memory_space<vmem_shared>> -> memref<632x64xf32, #tpu.memory_space<vmem_shared>>
      tpu.wait_dma2 semaphore(%run_scoped3A : memref<!tpu.dma_semaphore, #tpu.memory_space<semaphore_mem>>) src(%arg6 : memref<632x64xf32, #tpu.memory_space<hbm>>) dst(%dma_wait3A_332 : memref<632x64xf32, #tpu.memory_space<vmem_shared>>)
      tpu.yield
    }) : () -> ()
    %barrier3A_163 = arith.constant 0 : index
    tpu.barrier barrier_id(%barrier3A_163)
    %dma_start3A_164 = arith.constant 0 : i32
    %dma_start3A_165 = arith.constant 0 : i32
    %dma_start3A_166 = tpu.memref_slice %arg12[%dma_start3A_164, %dma_start3A_165] : memref<80x128xi32, #tpu.memory_space<vmem>> -> memref<1x128xi32, #tpu.memory_space<vmem>>
    %dma_start3A_167 = tpu.memref_squeeze %dma_start3A_166 : memref<1x128xi32, #tpu.memory_space<vmem>> -> memref<128xi32, #tpu.memory_space<vmem>>
    %dma_start3A_168 = arith.constant 0 : i32
    %dma_start3A_169 = arith.constant 0 : i32
    %dma_start3A_170 = tpu.memref_slice %arg2[%dma_start3A_168, %dma_start3A_169] : memref<20000x64xf32, #tpu.memory_space<hbm>> -> memref<20000x64xf32, #tpu.memory_space<hbm>>
    tpu.enqueue_indirect_dma source(%dma_start3A_170 : memref<20000x64xf32, #tpu.memory_space<hbm>>) target(%arg14 : memref<128x64xf32, #tpu.memory_space<vmem>>) offsets(%dma_start3A_167 : memref<128xi32, #tpu.memory_space<vmem>>) semaphore(%arg19 : memref<!tpu.dma_semaphore, #tpu.memory_space<semaphore_mem>>)
    %dma_start3A_171 = arith.constant 1 : i32
    %dma_start3A_172 = arith.constant 0 : i32
    %dma_start3A_173 = tpu.memref_slice %arg12[%dma_start3A_171, %dma_start3A_172] : memref<80x128xi32, #tpu.memory_space<vmem>> -> memref<1x128xi32, #tpu.memory_space<vmem>>
    %dma_start3A_174 = tpu.memref_squeeze %dma_start3A_173 : memref<1x128xi32, #tpu.memory_space<vmem>> -> memref<128xi32, #tpu.memory_space<vmem>>
    %dma_start3A_175 = arith.constant 0 : i32
    %dma_start3A_176 = arith.constant 0 : i32
    %dma_start3A_177 = tpu.memref_slice %arg2[%dma_start3A_175, %dma_start3A_176] : memref<20000x64xf32, #tpu.memory_space<hbm>> -> memref<20000x64xf32, #tpu.memory_space<hbm>>
    tpu.enqueue_indirect_dma source(%dma_start3A_177 : memref<20000x64xf32, #tpu.memory_space<hbm>>) target(%arg15 : memref<128x64xf32, #tpu.memory_space<vmem>>) offsets(%dma_start3A_174 : memref<128xi32, #tpu.memory_space<vmem>>) semaphore(%arg19 : memref<!tpu.dma_semaphore, #tpu.memory_space<semaphore_mem>>)
    %dma_wait3A_178 = arith.constant 0 : i32
    %dma_wait3A_179 = arith.constant 0 : i32
    %dma_wait3A_180 = tpu.memref_slice %arg12[%dma_wait3A_178, %dma_wait3A_179] : memref<80x128xi32, #tpu.memory_space<vmem>> -> memref<1x128xi32, #tpu.memory_space<vmem>>
    %dma_wait3A_181 = tpu.memref_squeeze %dma_wait3A_180 : memref<1x128xi32, #tpu.memory_space<vmem>> -> memref<128xi32, #tpu.memory_space<vmem>>
    %dma_wait3A_182 = arith.constant 0 : i32
    %dma_wait3A_183 = arith.constant 0 : i32
    %dma_wait3A_184 = tpu.memref_slice %arg2[%dma_wait3A_182, %dma_wait3A_183] : memref<20000x64xf32, #tpu.memory_space<hbm>> -> memref<20000x64xf32, #tpu.memory_space<hbm>>
    tpu.wait_indirect_dma semaphore(%arg19 : memref<!tpu.dma_semaphore, #tpu.memory_space<semaphore_mem>>) src(%dma_wait3A_184 : memref<20000x64xf32, #tpu.memory_space<hbm>>) dst(%arg14 : memref<128x64xf32, #tpu.memory_space<vmem>>)
    %dma_start3A_185 = arith.constant 0 : i32
    %dma_start3A_186 = arith.constant 0 : i32
    %dma_start3A_187 = tpu.memref_slice %arg13[%dma_start3A_185, %dma_start3A_186] : memref<80x128xi32, #tpu.memory_space<vmem>> -> memref<1x128xi32, #tpu.memory_space<vmem>>
    %dma_start3A_188 = tpu.memref_squeeze %dma_start3A_187 : memref<1x128xi32, #tpu.memory_space<vmem>> -> memref<128xi32, #tpu.memory_space<vmem>>
    %dma_start3A_189 = arith.constant 0 : i32
    %dma_start3A_190 = arith.constant 0 : i32
    %dma_start3A_191 = tpu.memref_slice %arg18[%dma_start3A_189, %dma_start3A_190] : memref<10112x64xf32, #tpu.memory_space<vmem_shared>> -> memref<10112x64xf32, #tpu.memory_space<vmem_shared>>
    tpu.enqueue_indirect_dma source(%arg14 : memref<128x64xf32, #tpu.memory_space<vmem>>) target(%dma_start3A_191 : memref<10112x64xf32, #tpu.memory_space<vmem_shared>>) offsets(%dma_start3A_188 : memref<128xi32, #tpu.memory_space<vmem>>) semaphore(%arg20 : memref<!tpu.dma_semaphore, #tpu.memory_space<semaphore_mem>>) {add = true}
    %rem3A_192 = arith.constant 2 : i32
    %rem3A_193 = arith.constant 80 : i32
    %rem3A_194 = arith.remsi %rem3A_192, %rem3A_193 : i32
    %dma_start3A_195 = arith.constant 0 : i32
    %dma_start3A_196 = tpu.memref_slice %arg12[%rem3A_194, %dma_start3A_195] : memref<80x128xi32, #tpu.memory_space<vmem>> -> memref<1x128xi32, #tpu.memory_space<vmem>>
    %dma_start3A_197 = tpu.memref_squeeze %dma_start3A_196 : memref<1x128xi32, #tpu.memory_space<vmem>> -> memref<128xi32, #tpu.memory_space<vmem>>
    %dma_start3A_198 = arith.constant 0 : i32
    %dma_start3A_199 = arith.constant 0 : i32
    %dma_start3A_200 = tpu.memref_slice %arg2[%dma_start3A_198, %dma_start3A_199] : memref<20000x64xf32, #tpu.memory_space<hbm>> -> memref<20000x64xf32, #tpu.memory_space<hbm>>
    tpu.enqueue_indirect_dma source(%dma_start3A_200 : memref<20000x64xf32, #tpu.memory_space<hbm>>) target(%arg16 : memref<128x64xf32, #tpu.memory_space<vmem>>) offsets(%dma_start3A_197 : memref<128xi32, #tpu.memory_space<vmem>>) semaphore(%arg19 : memref<!tpu.dma_semaphore, #tpu.memory_space<semaphore_mem>>)
    %dma_wait3A_201 = arith.constant 1 : i32
    %dma_wait3A_202 = arith.constant 0 : i32
    %dma_wait3A_203 = tpu.memref_slice %arg12[%dma_wait3A_201, %dma_wait3A_202] : memref<80x128xi32, #tpu.memory_space<vmem>> -> memref<1x128xi32, #tpu.memory_space<vmem>>
    %dma_wait3A_204 = tpu.memref_squeeze %dma_wait3A_203 : memref<1x128xi32, #tpu.memory_space<vmem>> -> memref<128xi32, #tpu.memory_space<vmem>>
    %dma_wait3A_205 = arith.constant 0 : i32
    %dma_wait3A_206 = arith.constant 0 : i32
    %dma_wait3A_207 = tpu.memref_slice %arg2[%dma_wait3A_205, %dma_wait3A_206] : memref<20000x64xf32, #tpu.memory_space<hbm>> -> memref<20000x64xf32, #tpu.memory_space<hbm>>
    tpu.wait_indirect_dma semaphore(%arg19 : memref<!tpu.dma_semaphore, #tpu.memory_space<semaphore_mem>>) src(%dma_wait3A_207 : memref<20000x64xf32, #tpu.memory_space<hbm>>) dst(%arg15 : memref<128x64xf32, #tpu.memory_space<vmem>>)
    %dma_start3A_208 = arith.constant 1 : i32
    %dma_start3A_209 = arith.constant 0 : i32
    %dma_start3A_210 = tpu.memref_slice %arg13[%dma_start3A_208, %dma_start3A_209] : memref<80x128xi32, #tpu.memory_space<vmem>> -> memref<1x128xi32, #tpu.memory_space<vmem>>
    %dma_start3A_211 = tpu.memref_squeeze %dma_start3A_210 : memref<1x128xi32, #tpu.memory_space<vmem>> -> memref<128xi32, #tpu.memory_space<vmem>>
    %dma_start3A_212 = arith.constant 0 : i32
    %dma_start3A_213 = arith.constant 0 : i32
    %dma_start3A_214 = tpu.memref_slice %arg18[%dma_start3A_212, %dma_start3A_213] : memref<10112x64xf32, #tpu.memory_space<vmem_shared>> -> memref<10112x64xf32, #tpu.memory_space<vmem_shared>>
    tpu.enqueue_indirect_dma source(%arg15 : memref<128x64xf32, #tpu.memory_space<vmem>>) target(%dma_start3A_214 : memref<10112x64xf32, #tpu.memory_space<vmem_shared>>) offsets(%dma_start3A_211 : memref<128xi32, #tpu.memory_space<vmem>>) semaphore(%arg20 : memref<!tpu.dma_semaphore, #tpu.memory_space<semaphore_mem>>) {add = true}
    %rem3A_215 = arith.constant 3 : i32
    %rem3A_216 = arith.constant 80 : i32
    %rem3A_217 = arith.remsi %rem3A_215, %rem3A_216 : i32
    %dma_start3A_218 = arith.constant 0 : i32
    %dma_start3A_219 = tpu.memref_slice %arg12[%rem3A_217, %dma_start3A_218] : memref<80x128xi32, #tpu.memory_space<vmem>> -> memref<1x128xi32, #tpu.memory_space<vmem>>
    %dma_start3A_220 = tpu.memref_squeeze %dma_start3A_219 : memref<1x128xi32, #tpu.memory_space<vmem>> -> memref<128xi32, #tpu.memory_space<vmem>>
    %dma_start3A_221 = arith.constant 0 : i32
    %dma_start3A_222 = arith.constant 0 : i32
    %dma_start3A_223 = tpu.memref_slice %arg2[%dma_start3A_221, %dma_start3A_222] : memref<20000x64xf32, #tpu.memory_space<hbm>> -> memref<20000x64xf32, #tpu.memory_space<hbm>>
    tpu.enqueue_indirect_dma source(%dma_start3A_223 : memref<20000x64xf32, #tpu.memory_space<hbm>>) target(%arg17 : memref<128x64xf32, #tpu.memory_space<vmem>>) offsets(%dma_start3A_220 : memref<128xi32, #tpu.memory_space<vmem>>) semaphore(%arg19 : memref<!tpu.dma_semaphore, #tpu.memory_space<semaphore_mem>>)
    %dma_wait3A_224 = arith.constant 2 : i32
    %dma_wait3A_225 = arith.constant 0 : i32
    %dma_wait3A_226 = tpu.memref_slice %arg12[%dma_wait3A_224, %dma_wait3A_225] : memref<80x128xi32, #tpu.memory_space<vmem>> -> memref<1x128xi32, #tpu.memory_space<vmem>>
    %dma_wait3A_227 = tpu.memref_squeeze %dma_wait3A_226 : memref<1x128xi32, #tpu.memory_space<vmem>> -> memref<128xi32, #tpu.memory_space<vmem>>
    %dma_wait3A_228 = arith.constant 0 : i32
    %dma_wait3A_229 = arith.constant 0 : i32
    %dma_wait3A_230 = tpu.memref_slice %arg2[%dma_wait3A_228, %dma_wait3A_229] : memref<20000x64xf32, #tpu.memory_space<hbm>> -> memref<20000x64xf32, #tpu.memory_space<hbm>>
    tpu.wait_indirect_dma semaphore(%arg19 : memref<!tpu.dma_semaphore, #tpu.memory_space<semaphore_mem>>) src(%dma_wait3A_230 : memref<20000x64xf32, #tpu.memory_space<hbm>>) dst(%arg16 : memref<128x64xf32, #tpu.memory_space<vmem>>)
    %dma_start3A_231 = arith.constant 2 : i32
    %dma_start3A_232 = arith.constant 0 : i32
    %dma_start3A_233 = tpu.memref_slice %arg13[%dma_start3A_231, %dma_start3A_232] : memref<80x128xi32, #tpu.memory_space<vmem>> -> memref<1x128xi32, #tpu.memory_space<vmem>>
    %dma_start3A_234 = tpu.memref_squeeze %dma_start3A_233 : memref<1x128xi32, #tpu.memory_space<vmem>> -> memref<128xi32, #tpu.memory_space<vmem>>
    %dma_start3A_235 = arith.constant 0 : i32
    %dma_start3A_236 = arith.constant 0 : i32
    %dma_start3A_237 = tpu.memref_slice %arg18[%dma_start3A_235, %dma_start3A_236] : memref<10112x64xf32, #tpu.memory_space<vmem_shared>> -> memref<10112x64xf32, #tpu.memory_space<vmem_shared>>
    tpu.enqueue_indirect_dma source(%arg16 : memref<128x64xf32, #tpu.memory_space<vmem>>) target(%dma_start3A_237 : memref<10112x64xf32, #tpu.memory_space<vmem_shared>>) offsets(%dma_start3A_234 : memref<128xi32, #tpu.memory_space<vmem>>) semaphore(%arg20 : memref<!tpu.dma_semaphore, #tpu.memory_space<semaphore_mem>>) {add = true}
    %dma_wait3A_238 = arith.constant 2 : i32
    %dma_wait3A_239 = arith.constant 0 : i32
    %dma_wait3A_240 = tpu.memref_slice %arg13[%dma_wait3A_238, %dma_wait3A_239] : memref<80x128xi32, #tpu.memory_space<vmem>> -> memref<1x128xi32, #tpu.memory_space<vmem>>
    %dma_wait3A_241 = tpu.memref_squeeze %dma_wait3A_240 : memref<1x128xi32, #tpu.memory_space<vmem>> -> memref<128xi32, #tpu.memory_space<vmem>>
    %dma_wait3A_242 = arith.constant 0 : i32
    %dma_wait3A_243 = arith.constant 0 : i32
    %dma_wait3A_244 = tpu.memref_slice %arg18[%dma_wait3A_242, %dma_wait3A_243] : memref<10112x64xf32, #tpu.memory_space<vmem_shared>> -> memref<10112x64xf32, #tpu.memory_space<vmem_shared>>
    tpu.wait_indirect_dma semaphore(%arg20 : memref<!tpu.dma_semaphore, #tpu.memory_space<semaphore_mem>>) src(%arg16 : memref<128x64xf32, #tpu.memory_space<vmem>>) dst(%dma_wait3A_244 : memref<10112x64xf32, #tpu.memory_space<vmem_shared>>)
    %rem3A_245 = arith.constant 4 : i32
    %rem3A_246 = arith.constant 80 : i32
    %rem3A_247 = arith.remsi %rem3A_245, %rem3A_246 : i32
    %dma_start3A_248 = arith.constant 0 : i32
    %dma_start3A_249 = tpu.memref_slice %arg12[%rem3A_247, %dma_start3A_248] : memref<80x128xi32, #tpu.memory_space<vmem>> -> memref<1x128xi32, #tpu.memory_space<vmem>>
    %dma_start3A_250 = tpu.memref_squeeze %dma_start3A_249 : memref<1x128xi32, #tpu.memory_space<vmem>> -> memref<128xi32, #tpu.memory_space<vmem>>
    %dma_start3A_251 = arith.constant 0 : i32
    %dma_start3A_252 = arith.constant 0 : i32
    %dma_start3A_253 = tpu.memref_slice %arg2[%dma_start3A_251, %dma_start3A_252] : memref<20000x64xf32, #tpu.memory_space<hbm>> -> memref<20000x64xf32, #tpu.memory_space<hbm>>
    tpu.enqueue_indirect_dma source(%dma_start3A_253 : memref<20000x64xf32, #tpu.memory_space<hbm>>) target(%arg14 : memref<128x64xf32, #tpu.memory_space<vmem>>) offsets(%dma_start3A_250 : memref<128xi32, #tpu.memory_space<vmem>>) semaphore(%arg19 : memref<!tpu.dma_semaphore, #tpu.memory_space<semaphore_mem>>)
    %dma_wait3A_254 = arith.constant 3 : i32
    %dma_wait3A_255 = arith.constant 0 : i32
    %dma_wait3A_256 = tpu.memref_slice %arg12[%dma_wait3A_254, %dma_wait3A_255] : memref<80x128xi32, #tpu.memory_space<vmem>> -> memref<1x128xi32, #tpu.memory_space<vmem>>
    %dma_wait3A_257 = tpu.memref_squeeze %dma_wait3A_256 : memref<1x128xi32, #tpu.memory_space<vmem>> -> memref<128xi32, #tpu.memory_space<vmem>>
    %dma_wait3A_258 = arith.constant 0 : i32
    %dma_wait3A_259 = arith.constant 0 : i32
    %dma_wait3A_260 = tpu.memref_slice %arg2[%dma_wait3A_258, %dma_wait3A_259] : memref<20000x64xf32, #tpu.memory_space<hbm>> -> memref<20000x64xf32, #tpu.memory_space<hbm>>
    tpu.wait_indirect_dma semaphore(%arg19 : memref<!tpu.dma_semaphore, #tpu.memory_space<semaphore_mem>>) src(%dma_wait3A_260 : memref<20000x64xf32, #tpu.memory_space<hbm>>) dst(%arg17 : memref<128x64xf32, #tpu.memory_space<vmem>>)
    %dma_start3A_261 = arith.constant 3 : i32
    %dma_start3A_262 = arith.constant 0 : i32
    %dma_start3A_263 = tpu.memref_slice %arg13[%dma_start3A_261, %dma_start3A_262] : memref<80x128xi32, #tpu.memory_space<vmem>> -> memref<1x128xi32, #tpu.memory_space<vmem>>
    %dma_start3A_264 = tpu.memref_squeeze %dma_start3A_263 : memref<1x128xi32, #tpu.memory_space<vmem>> -> memref<128xi32, #tpu.memory_space<vmem>>
    %dma_start3A_265 = arith.constant 0 : i32
    %dma_start3A_266 = arith.constant 0 : i32
    %dma_start3A_267 = tpu.memref_slice %arg18[%dma_start3A_265, %dma_start3A_266] : memref<10112x64xf32, #tpu.memory_space<vmem_shared>> -> memref<10112x64xf32, #tpu.memory_space<vmem_shared>>
    tpu.enqueue_indirect_dma source(%arg17 : memref<128x64xf32, #tpu.memory_space<vmem>>) target(%dma_start3A_267 : memref<10112x64xf32, #tpu.memory_space<vmem_shared>>) offsets(%dma_start3A_264 : memref<128xi32, #tpu.memory_space<vmem>>) semaphore(%arg20 : memref<!tpu.dma_semaphore, #tpu.memory_space<semaphore_mem>>) {add = true}
    %dma_wait3A_268 = arith.constant 3 : i32
    %dma_wait3A_269 = arith.constant 0 : i32
    %dma_wait3A_270 = tpu.memref_slice %arg13[%dma_wait3A_268, %dma_wait3A_269] : memref<80x128xi32, #tpu.memory_space<vmem>> -> memref<1x128xi32, #tpu.memory_space<vmem>>
    %dma_wait3A_271 = tpu.memref_squeeze %dma_wait3A_270 : memref<1x128xi32, #tpu.memory_space<vmem>> -> memref<128xi32, #tpu.memory_space<vmem>>
    %dma_wait3A_272 = arith.constant 0 : i32
    %dma_wait3A_273 = arith.constant 0 : i32
    %dma_wait3A_274 = tpu.memref_slice %arg18[%dma_wait3A_272, %dma_wait3A_273] : memref<10112x64xf32, #tpu.memory_space<vmem_shared>> -> memref<10112x64xf32, #tpu.memory_space<vmem_shared>>
    tpu.wait_indirect_dma semaphore(%arg20 : memref<!tpu.dma_semaphore, #tpu.memory_space<semaphore_mem>>) src(%arg17 : memref<128x64xf32, #tpu.memory_space<vmem>>) dst(%dma_wait3A_274 : memref<10112x64xf32, #tpu.memory_space<vmem_shared>>)
    %rem3A_275 = arith.constant 5 : i32
    %rem3A_276 = arith.constant 80 : i32
    %rem3A_277 = arith.remsi %rem3A_275, %rem3A_276 : i32
    %dma_start3A_278 = arith.constant 0 : i32
    %dma_start3A_279 = tpu.memref_slice %arg12[%rem3A_277, %dma_start3A_278] : memref<80x128xi32, #tpu.memory_space<vmem>> -> memref<1x128xi32, #tpu.memory_space<vmem>>
    %dma_start3A_280 = tpu.memref_squeeze %dma_start3A_279 : memref<1x128xi32, #tpu.memory_space<vmem>> -> memref<128xi32, #tpu.memory_space<vmem>>
    %dma_start3A_281 = arith.constant 0 : i32
    %dma_start3A_282 = arith.constant 0 : i32
    %dma_start3A_283 = tpu.memref_slice %arg2[%dma_start3A_281, %dma_start3A_282] : memref<20000x64xf32, #tpu.memory_space<hbm>> -> memref<20000x64xf32, #tpu.memory_space<hbm>>
    tpu.enqueue_indirect_dma source(%dma_start3A_283 : memref<20000x64xf32, #tpu.memory_space<hbm>>) target(%arg15 : memref<128x64xf32, #tpu.memory_space<vmem>>) offsets(%dma_start3A_280 : memref<128xi32, #tpu.memory_space<vmem>>) semaphore(%arg19 : memref<!tpu.dma_semaphore, #tpu.memory_space<semaphore_mem>>)
    %scan3A_284 = arith.constant 0 : i32
    %scan3A_285 = arith.constant 1 : i32
    %scan3A_286 = arith.constant 19 : i32
    %scan3A_287 = arith.addi %scan3A_285, %scan3A_286 : i32
    %scan3A_288 = arith.constant 1 : i32
    scf.for %scan3A_329 = %scan3A_285 to %scan3A_287 step %scan3A_288  : i32 {
      %mul3A_330 = arith.constant 4 : i32
      %mul3A_331 = arith.muli %mul3A_330, %scan3A_329 : i32
      %add3A_332 = arith.constant 0 : i32
      %add3A_333 = arith.addi %mul3A_331, %add3A_332 : i32
      %dma_wait3A_334 = arith.constant 0 : i32
      %dma_wait3A_335 = tpu.memref_slice %arg12[%add3A_333, %dma_wait3A_334] : memref<80x128xi32, #tpu.memory_space<vmem>> -> memref<1x128xi32, #tpu.memory_space<vmem>>
      %dma_wait3A_336 = tpu.memref_squeeze %dma_wait3A_335 : memref<1x128xi32, #tpu.memory_space<vmem>> -> memref<128xi32, #tpu.memory_space<vmem>>
      %dma_wait3A_337 = arith.constant 0 : i32
      %dma_wait3A_338 = arith.constant 0 : i32
      %dma_wait3A_339 = tpu.memref_slice %arg2[%dma_wait3A_337, %dma_wait3A_338] : memref<20000x64xf32, #tpu.memory_space<hbm>> -> memref<20000x64xf32, #tpu.memory_space<hbm>>
      tpu.wait_indirect_dma semaphore(%arg19 : memref<!tpu.dma_semaphore, #tpu.memory_space<semaphore_mem>>) src(%dma_wait3A_339 : memref<20000x64xf32, #tpu.memory_space<hbm>>) dst(%arg14 : memref<128x64xf32, #tpu.memory_space<vmem>>)
      %dma_start3A_340 = arith.constant 0 : i32
      %dma_start3A_341 = tpu.memref_slice %arg13[%add3A_333, %dma_start3A_340] : memref<80x128xi32, #tpu.memory_space<vmem>> -> memref<1x128xi32, #tpu.memory_space<vmem>>
      %dma_start3A_342 = tpu.memref_squeeze %dma_start3A_341 : memref<1x128xi32, #tpu.memory_space<vmem>> -> memref<128xi32, #tpu.memory_space<vmem>>
      %dma_start3A_343 = arith.constant 0 : i32
      %dma_start3A_344 = arith.constant 0 : i32
      %dma_start3A_345 = tpu.memref_slice %arg18[%dma_start3A_343, %dma_start3A_344] : memref<10112x64xf32, #tpu.memory_space<vmem_shared>> -> memref<10112x64xf32, #tpu.memory_space<vmem_shared>>
      tpu.enqueue_indirect_dma source(%arg14 : memref<128x64xf32, #tpu.memory_space<vmem>>) target(%dma_start3A_345 : memref<10112x64xf32, #tpu.memory_space<vmem_shared>>) offsets(%dma_start3A_342 : memref<128xi32, #tpu.memory_space<vmem>>) semaphore(%arg20 : memref<!tpu.dma_semaphore, #tpu.memory_space<semaphore_mem>>) {add = true}
      %dma_wait3A_346 = arith.constant 0 : i32
      %dma_wait3A_347 = tpu.memref_slice %arg13[%add3A_333, %dma_wait3A_346] : memref<80x128xi32, #tpu.memory_space<vmem>> -> memref<1x128xi32, #tpu.memory_space<vmem>>
      %dma_wait3A_348 = tpu.memref_squeeze %dma_wait3A_347 : memref<1x128xi32, #tpu.memory_space<vmem>> -> memref<128xi32, #tpu.memory_space<vmem>>
      %dma_wait3A_349 = arith.constant 0 : i32
      %dma_wait3A_350 = arith.constant 0 : i32
      %dma_wait3A_351 = tpu.memref_slice %arg18[%dma_wait3A_349, %dma_wait3A_350] : memref<10112x64xf32, #tpu.memory_space<vmem_shared>> -> memref<10112x64xf32, #tpu.memory_space<vmem_shared>>
      tpu.wait_indirect_dma semaphore(%arg20 : memref<!tpu.dma_semaphore, #tpu.memory_space<semaphore_mem>>) src(%arg14 : memref<128x64xf32, #tpu.memory_space<vmem>>) dst(%dma_wait3A_351 : memref<10112x64xf32, #tpu.memory_space<vmem_shared>>)
      %add3A_352 = arith.constant 2 : i32
      %add3A_353 = arith.addi %add3A_333, %add3A_352 : i32
      %rem3A_354 = arith.constant 80 : i32
      %rem3A_355 = arith.remsi %add3A_353, %rem3A_354 : i32
      %dma_start3A_356 = arith.constant 0 : i32
      %dma_start3A_357 = tpu.memref_slice %arg12[%rem3A_355, %dma_start3A_356] : memref<80x128xi32, #tpu.memory_space<vmem>> -> memref<1x128xi32, #tpu.memory_space<vmem>>
      %dma_start3A_358 = tpu.memref_squeeze %dma_start3A_357 : memref<1x128xi32, #tpu.memory_space<vmem>> -> memref<128xi32, #tpu.memory_space<vmem>>
      %dma_start3A_359 = arith.constant 0 : i32
      %dma_start3A_360 = arith.constant 0 : i32
      %dma_start3A_361 = tpu.memref_slice %arg2[%dma_start3A_359, %dma_start3A_360] : memref<20000x64xf32, #tpu.memory_space<hbm>> -> memref<20000x64xf32, #tpu.memory_space<hbm>>
      tpu.enqueue_indirect_dma source(%dma_start3A_361 : memref<20000x64xf32, #tpu.memory_space<hbm>>) target(%arg16 : memref<128x64xf32, #tpu.memory_space<vmem>>) offsets(%dma_start3A_358 : memref<128xi32, #tpu.memory_space<vmem>>) semaphore(%arg19 : memref<!tpu.dma_semaphore, #tpu.memory_space<semaphore_mem>>)
      %add3A_362 = arith.constant 1 : i32
      %add3A_363 = arith.addi %mul3A_331, %add3A_362 : i32
      %dma_wait3A_364 = arith.constant 0 : i32
      %dma_wait3A_365 = tpu.memref_slice %arg12[%add3A_363, %dma_wait3A_364] : memref<80x128xi32, #tpu.memory_space<vmem>> -> memref<1x128xi32, #tpu.memory_space<vmem>>
      %dma_wait3A_366 = tpu.memref_squeeze %dma_wait3A_365 : memref<1x128xi32, #tpu.memory_space<vmem>> -> memref<128xi32, #tpu.memory_space<vmem>>
      %dma_wait3A_367 = arith.constant 0 : i32
      %dma_wait3A_368 = arith.constant 0 : i32
      %dma_wait3A_369 = tpu.memref_slice %arg2[%dma_wait3A_367, %dma_wait3A_368] : memref<20000x64xf32, #tpu.memory_space<hbm>> -> memref<20000x64xf32, #tpu.memory_space<hbm>>
      tpu.wait_indirect_dma semaphore(%arg19 : memref<!tpu.dma_semaphore, #tpu.memory_space<semaphore_mem>>) src(%dma_wait3A_369 : memref<20000x64xf32, #tpu.memory_space<hbm>>) dst(%arg15 : memref<128x64xf32, #tpu.memory_space<vmem>>)
      %dma_start3A_370 = arith.constant 0 : i32
      %dma_start3A_371 = tpu.memref_slice %arg13[%add3A_363, %dma_start3A_370] : memref<80x128xi32, #tpu.memory_space<vmem>> -> memref<1x128xi32, #tpu.memory_space<vmem>>
      %dma_start3A_372 = tpu.memref_squeeze %dma_start3A_371 : memref<1x128xi32, #tpu.memory_space<vmem>> -> memref<128xi32, #tpu.memory_space<vmem>>
      %dma_start3A_373 = arith.constant 0 : i32
      %dma_start3A_374 = arith.constant 0 : i32
      %dma_start3A_375 = tpu.memref_slice %arg18[%dma_start3A_373, %dma_start3A_374] : memref<10112x64xf32, #tpu.memory_space<vmem_shared>> -> memref<10112x64xf32, #tpu.memory_space<vmem_shared>>
      tpu.enqueue_indirect_dma source(%arg15 : memref<128x64xf32, #tpu.memory_space<vmem>>) target(%dma_start3A_375 : memref<10112x64xf32, #tpu.memory_space<vmem_shared>>) offsets(%dma_start3A_372 : memref<128xi32, #tpu.memory_space<vmem>>) semaphore(%arg20 : memref<!tpu.dma_semaphore, #tpu.memory_space<semaphore_mem>>) {add = true}
      %dma_wait3A_376 = arith.constant 0 : i32
      %dma_wait3A_377 = tpu.memref_slice %arg13[%add3A_363, %dma_wait3A_376] : memref<80x128xi32, #tpu.memory_space<vmem>> -> memref<1x128xi32, #tpu.memory_space<vmem>>
      %dma_wait3A_378 = tpu.memref_squeeze %dma_wait3A_377 : memref<1x128xi32, #tpu.memory_space<vmem>> -> memref<128xi32, #tpu.memory_space<vmem>>
      %dma_wait3A_379 = arith.constant 0 : i32
      %dma_wait3A_380 = arith.constant 0 : i32
      %dma_wait3A_381 = tpu.memref_slice %arg18[%dma_wait3A_379, %dma_wait3A_380] : memref<10112x64xf32, #tpu.memory_space<vmem_shared>> -> memref<10112x64xf32, #tpu.memory_space<vmem_shared>>
      tpu.wait_indirect_dma semaphore(%arg20 : memref<!tpu.dma_semaphore, #tpu.memory_space<semaphore_mem>>) src(%arg15 : memref<128x64xf32, #tpu.memory_space<vmem>>) dst(%dma_wait3A_381 : memref<10112x64xf32, #tpu.memory_space<vmem_shared>>)
      %add3A_382 = arith.constant 2 : i32
      %add3A_383 = arith.addi %add3A_363, %add3A_382 : i32
      %rem3A_384 = arith.constant 80 : i32
      %rem3A_385 = arith.remsi %add3A_383, %rem3A_384 : i32
      %dma_start3A_386 = arith.constant 0 : i32
      %dma_start3A_387 = tpu.memref_slice %arg12[%rem3A_385, %dma_start3A_386] : memref<80x128xi32, #tpu.memory_space<vmem>> -> memref<1x128xi32, #tpu.memory_space<vmem>>
      %dma_start3A_388 = tpu.memref_squeeze %dma_start3A_387 : memref<1x128xi32, #tpu.memory_space<vmem>> -> memref<128xi32, #tpu.memory_space<vmem>>
      %dma_start3A_389 = arith.constant 0 : i32
      %dma_start3A_390 = arith.constant 0 : i32
      %dma_start3A_391 = tpu.memref_slice %arg2[%dma_start3A_389, %dma_start3A_390] : memref<20000x64xf32, #tpu.memory_space<hbm>> -> memref<20000x64xf32, #tpu.memory_space<hbm>>
      tpu.enqueue_indirect_dma source(%dma_start3A_391 : memref<20000x64xf32, #tpu.memory_space<hbm>>) target(%arg17 : memref<128x64xf32, #tpu.memory_space<vmem>>) offsets(%dma_start3A_388 : memref<128xi32, #tpu.memory_space<vmem>>) semaphore(%arg19 : memref<!tpu.dma_semaphore, #tpu.memory_space<semaphore_mem>>)
      %add3A_392 = arith.constant 2 : i32
      %add3A_393 = arith.addi %mul3A_331, %add3A_392 : i32
      %dma_wait3A_394 = arith.constant 0 : i32
      %dma_wait3A_395 = tpu.memref_slice %arg12[%add3A_393, %dma_wait3A_394] : memref<80x128xi32, #tpu.memory_space<vmem>> -> memref<1x128xi32, #tpu.memory_space<vmem>>
      %dma_wait3A_396 = tpu.memref_squeeze %dma_wait3A_395 : memref<1x128xi32, #tpu.memory_space<vmem>> -> memref<128xi32, #tpu.memory_space<vmem>>
      %dma_wait3A_397 = arith.constant 0 : i32
      %dma_wait3A_398 = arith.constant 0 : i32
      %dma_wait3A_399 = tpu.memref_slice %arg2[%dma_wait3A_397, %dma_wait3A_398] : memref<20000x64xf32, #tpu.memory_space<hbm>> -> memref<20000x64xf32, #tpu.memory_space<hbm>>
      tpu.wait_indirect_dma semaphore(%arg19 : memref<!tpu.dma_semaphore, #tpu.memory_space<semaphore_mem>>) src(%dma_wait3A_399 : memref<20000x64xf32, #tpu.memory_space<hbm>>) dst(%arg16 : memref<128x64xf32, #tpu.memory_space<vmem>>)
      %dma_start3A_400 = arith.constant 0 : i32
      %dma_start3A_401 = tpu.memref_slice %arg13[%add3A_393, %dma_start3A_400] : memref<80x128xi32, #tpu.memory_space<vmem>> -> memref<1x128xi32, #tpu.memory_space<vmem>>
      %dma_start3A_402 = tpu.memref_squeeze %dma_start3A_401 : memref<1x128xi32, #tpu.memory_space<vmem>> -> memref<128xi32, #tpu.memory_space<vmem>>
      %dma_start3A_403 = arith.constant 0 : i32
      %dma_start3A_404 = arith.constant 0 : i32
      %dma_start3A_405 = tpu.memref_slice %arg18[%dma_start3A_403, %dma_start3A_404] : memref<10112x64xf32, #tpu.memory_space<vmem_shared>> -> memref<10112x64xf32, #tpu.memory_space<vmem_shared>>
      tpu.enqueue_indirect_dma source(%arg16 : memref<128x64xf32, #tpu.memory_space<vmem>>) target(%dma_start3A_405 : memref<10112x64xf32, #tpu.memory_space<vmem_shared>>) offsets(%dma_start3A_402 : memref<128xi32, #tpu.memory_space<vmem>>) semaphore(%arg20 : memref<!tpu.dma_semaphore, #tpu.memory_space<semaphore_mem>>) {add = true}
      %dma_wait3A_406 = arith.constant 0 : i32
      %dma_wait3A_407 = tpu.memref_slice %arg13[%add3A_393, %dma_wait3A_406] : memref<80x128xi32, #tpu.memory_space<vmem>> -> memref<1x128xi32, #tpu.memory_space<vmem>>
      %dma_wait3A_408 = tpu.memref_squeeze %dma_wait3A_407 : memref<1x128xi32, #tpu.memory_space<vmem>> -> memref<128xi32, #tpu.memory_space<vmem>>
      %dma_wait3A_409 = arith.constant 0 : i32
      %dma_wait3A_410 = arith.constant 0 : i32
      %dma_wait3A_411 = tpu.memref_slice %arg18[%dma_wait3A_409, %dma_wait3A_410] : memref<10112x64xf32, #tpu.memory_space<vmem_shared>> -> memref<10112x64xf32, #tpu.memory_space<vmem_shared>>
      tpu.wait_indirect_dma semaphore(%arg20 : memref<!tpu.dma_semaphore, #tpu.memory_space<semaphore_mem>>) src(%arg16 : memref<128x64xf32, #tpu.memory_space<vmem>>) dst(%dma_wait3A_411 : memref<10112x64xf32, #tpu.memory_space<vmem_shared>>)
      %add3A_412 = arith.constant 2 : i32
      %add3A_413 = arith.addi %add3A_393, %add3A_412 : i32
      %rem3A_414 = arith.constant 80 : i32
      %rem3A_415 = arith.remsi %add3A_413, %rem3A_414 : i32
      %dma_start3A_416 = arith.constant 0 : i32
      %dma_start3A_417 = tpu.memref_slice %arg12[%rem3A_415, %dma_start3A_416] : memref<80x128xi32, #tpu.memory_space<vmem>> -> memref<1x128xi32, #tpu.memory_space<vmem>>
      %dma_start3A_418 = tpu.memref_squeeze %dma_start3A_417 : memref<1x128xi32, #tpu.memory_space<vmem>> -> memref<128xi32, #tpu.memory_space<vmem>>
      %dma_start3A_419 = arith.constant 0 : i32
      %dma_start3A_420 = arith.constant 0 : i32
      %dma_start3A_421 = tpu.memref_slice %arg2[%dma_start3A_419, %dma_start3A_420] : memref<20000x64xf32, #tpu.memory_space<hbm>> -> memref<20000x64xf32, #tpu.memory_space<hbm>>
      tpu.enqueue_indirect_dma source(%dma_start3A_421 : memref<20000x64xf32, #tpu.memory_space<hbm>>) target(%arg14 : memref<128x64xf32, #tpu.memory_space<vmem>>) offsets(%dma_start3A_418 : memref<128xi32, #tpu.memory_space<vmem>>) semaphore(%arg19 : memref<!tpu.dma_semaphore, #tpu.memory_space<semaphore_mem>>)
      %add3A_422 = arith.constant 3 : i32
      %add3A_423 = arith.addi %mul3A_331, %add3A_422 : i32
      %dma_wait3A_424 = arith.constant 0 : i32
      %dma_wait3A_425 = tpu.memref_slice %arg12[%add3A_423, %dma_wait3A_424] : memref<80x128xi32, #tpu.memory_space<vmem>> -> memref<1x128xi32, #tpu.memory_space<vmem>>
      %dma_wait3A_426 = tpu.memref_squeeze %dma_wait3A_425 : memref<1x128xi32, #tpu.memory_space<vmem>> -> memref<128xi32, #tpu.memory_space<vmem>>
      %dma_wait3A_427 = arith.constant 0 : i32
      %dma_wait3A_428 = arith.constant 0 : i32
      %dma_wait3A_429 = tpu.memref_slice %arg2[%dma_wait3A_427, %dma_wait3A_428] : memref<20000x64xf32, #tpu.memory_space<hbm>> -> memref<20000x64xf32, #tpu.memory_space<hbm>>
      tpu.wait_indirect_dma semaphore(%arg19 : memref<!tpu.dma_semaphore, #tpu.memory_space<semaphore_mem>>) src(%dma_wait3A_429 : memref<20000x64xf32, #tpu.memory_space<hbm>>) dst(%arg17 : memref<128x64xf32, #tpu.memory_space<vmem>>)
      %dma_start3A_430 = arith.constant 0 : i32
      %dma_start3A_431 = tpu.memref_slice %arg13[%add3A_423, %dma_start3A_430] : memref<80x128xi32, #tpu.memory_space<vmem>> -> memref<1x128xi32, #tpu.memory_space<vmem>>
      %dma_start3A_432 = tpu.memref_squeeze %dma_start3A_431 : memref<1x128xi32, #tpu.memory_space<vmem>> -> memref<128xi32, #tpu.memory_space<vmem>>
      %dma_start3A_433 = arith.constant 0 : i32
      %dma_start3A_434 = arith.constant 0 : i32
      %dma_start3A_435 = tpu.memref_slice %arg18[%dma_start3A_433, %dma_start3A_434] : memref<10112x64xf32, #tpu.memory_space<vmem_shared>> -> memref<10112x64xf32, #tpu.memory_space<vmem_shared>>
      tpu.enqueue_indirect_dma source(%arg17 : memref<128x64xf32, #tpu.memory_space<vmem>>) target(%dma_start3A_435 : memref<10112x64xf32, #tpu.memory_space<vmem_shared>>) offsets(%dma_start3A_432 : memref<128xi32, #tpu.memory_space<vmem>>) semaphore(%arg20 : memref<!tpu.dma_semaphore, #tpu.memory_space<semaphore_mem>>) {add = true}
      %dma_wait3A_436 = arith.constant 0 : i32
      %dma_wait3A_437 = tpu.memref_slice %arg13[%add3A_423, %dma_wait3A_436] : memref<80x128xi32, #tpu.memory_space<vmem>> -> memref<1x128xi32, #tpu.memory_space<vmem>>
      %dma_wait3A_438 = tpu.memref_squeeze %dma_wait3A_437 : memref<1x128xi32, #tpu.memory_space<vmem>> -> memref<128xi32, #tpu.memory_space<vmem>>
      %dma_wait3A_439 = arith.constant 0 : i32
      %dma_wait3A_440 = arith.constant 0 : i32
      %dma_wait3A_441 = tpu.memref_slice %arg18[%dma_wait3A_439, %dma_wait3A_440] : memref<10112x64xf32, #tpu.memory_space<vmem_shared>> -> memref<10112x64xf32, #tpu.memory_space<vmem_shared>>
      tpu.wait_indirect_dma semaphore(%arg20 : memref<!tpu.dma_semaphore, #tpu.memory_space<semaphore_mem>>) src(%arg17 : memref<128x64xf32, #tpu.memory_space<vmem>>) dst(%dma_wait3A_441 : memref<10112x64xf32, #tpu.memory_space<vmem_shared>>)
      %add3A_442 = arith.constant 2 : i32
      %add3A_443 = arith.addi %add3A_423, %add3A_442 : i32
      %rem3A_444 = arith.constant 80 : i32
      %rem3A_445 = arith.remsi %add3A_443, %rem3A_444 : i32
      %dma_start3A_446 = arith.constant 0 : i32
      %dma_start3A_447 = tpu.memref_slice %arg12[%rem3A_445, %dma_start3A_446] : memref<80x128xi32, #tpu.memory_space<vmem>> -> memref<1x128xi32, #tpu.memory_space<vmem>>
      %dma_start3A_448 = tpu.memref_squeeze %dma_start3A_447 : memref<1x128xi32, #tpu.memory_space<vmem>> -> memref<128xi32, #tpu.memory_space<vmem>>
      %dma_start3A_449 = arith.constant 0 : i32
      %dma_start3A_450 = arith.constant 0 : i32
      %dma_start3A_451 = tpu.memref_slice %arg2[%dma_start3A_449, %dma_start3A_450] : memref<20000x64xf32, #tpu.memory_space<hbm>> -> memref<20000x64xf32, #tpu.memory_space<hbm>>
      tpu.enqueue_indirect_dma source(%dma_start3A_451 : memref<20000x64xf32, #tpu.memory_space<hbm>>) target(%arg15 : memref<128x64xf32, #tpu.memory_space<vmem>>) offsets(%dma_start3A_448 : memref<128xi32, #tpu.memory_space<vmem>>) semaphore(%arg19 : memref<!tpu.dma_semaphore, #tpu.memory_space<semaphore_mem>>)
    }
    %scan3A_289 = arith.constant 19 : i32
    %dma_wait3A_290 = arith.constant 0 : i32
    %dma_wait3A_291 = arith.constant 0 : i32
    %dma_wait3A_292 = tpu.memref_slice %arg13[%dma_wait3A_290, %dma_wait3A_291] : memref<80x128xi32, #tpu.memory_space<vmem>> -> memref<1x128xi32, #tpu.memory_space<vmem>>
    %dma_wait3A_293 = tpu.memref_squeeze %dma_wait3A_292 : memref<1x128xi32, #tpu.memory_space<vmem>> -> memref<128xi32, #tpu.memory_space<vmem>>
    %dma_wait3A_294 = arith.constant 0 : i32
    %dma_wait3A_295 = arith.constant 0 : i32
    %dma_wait3A_296 = tpu.memref_slice %arg18[%dma_wait3A_294, %dma_wait3A_295] : memref<10112x64xf32, #tpu.memory_space<vmem_shared>> -> memref<10112x64xf32, #tpu.memory_space<vmem_shared>>
    tpu.wait_indirect_dma semaphore(%arg20 : memref<!tpu.dma_semaphore, #tpu.memory_space<semaphore_mem>>) src(%arg14 : memref<128x64xf32, #tpu.memory_space<vmem>>) dst(%dma_wait3A_296 : memref<10112x64xf32, #tpu.memory_space<vmem_shared>>)
    %dma_wait3A_297 = arith.constant 0 : i32
    %dma_wait3A_298 = arith.constant 0 : i32
    %dma_wait3A_299 = tpu.memref_slice %arg12[%dma_wait3A_297, %dma_wait3A_298] : memref<80x128xi32, #tpu.memory_space<vmem>> -> memref<1x128xi32, #tpu.memory_space<vmem>>
    %dma_wait3A_300 = tpu.memref_squeeze %dma_wait3A_299 : memref<1x128xi32, #tpu.memory_space<vmem>> -> memref<128xi32, #tpu.memory_space<vmem>>
    %dma_wait3A_301 = arith.constant 0 : i32
    %dma_wait3A_302 = arith.constant 0 : i32
    %dma_wait3A_303 = tpu.memref_slice %arg2[%dma_wait3A_301, %dma_wait3A_302] : memref<20000x64xf32, #tpu.memory_space<hbm>> -> memref<20000x64xf32, #tpu.memory_space<hbm>>
    tpu.wait_indirect_dma semaphore(%arg19 : memref<!tpu.dma_semaphore, #tpu.memory_space<semaphore_mem>>) src(%dma_wait3A_303 : memref<20000x64xf32, #tpu.memory_space<hbm>>) dst(%arg14 : memref<128x64xf32, #tpu.memory_space<vmem>>)
    %dma_wait3A_304 = arith.constant 0 : i32
    %dma_wait3A_305 = arith.constant 0 : i32
    %dma_wait3A_306 = tpu.memref_slice %arg13[%dma_wait3A_304, %dma_wait3A_305] : memref<80x128xi32, #tpu.memory_space<vmem>> -> memref<1x128xi32, #tpu.memory_space<vmem>>
    %dma_wait3A_307 = tpu.memref_squeeze %dma_wait3A_306 : memref<1x128xi32, #tpu.memory_space<vmem>> -> memref<128xi32, #tpu.memory_space<vmem>>
    %dma_wait3A_308 = arith.constant 0 : i32
    %dma_wait3A_309 = arith.constant 0 : i32
    %dma_wait3A_310 = tpu.memref_slice %arg18[%dma_wait3A_308, %dma_wait3A_309] : memref<10112x64xf32, #tpu.memory_space<vmem_shared>> -> memref<10112x64xf32, #tpu.memory_space<vmem_shared>>
    tpu.wait_indirect_dma semaphore(%arg20 : memref<!tpu.dma_semaphore, #tpu.memory_space<semaphore_mem>>) src(%arg15 : memref<128x64xf32, #tpu.memory_space<vmem>>) dst(%dma_wait3A_310 : memref<10112x64xf32, #tpu.memory_space<vmem_shared>>)
    %dma_wait3A_311 = arith.constant 0 : i32
    %dma_wait3A_312 = arith.constant 0 : i32
    %dma_wait3A_313 = tpu.memref_slice %arg12[%dma_wait3A_311, %dma_wait3A_312] : memref<80x128xi32, #tpu.memory_space<vmem>> -> memref<1x128xi32, #tpu.memory_space<vmem>>
    %dma_wait3A_314 = tpu.memref_squeeze %dma_wait3A_313 : memref<1x128xi32, #tpu.memory_space<vmem>> -> memref<128xi32, #tpu.memory_space<vmem>>
    %dma_wait3A_315 = arith.constant 0 : i32
    %dma_wait3A_316 = arith.constant 0 : i32
    %dma_wait3A_317 = tpu.memref_slice %arg2[%dma_wait3A_315, %dma_wait3A_316] : memref<20000x64xf32, #tpu.memory_space<hbm>> -> memref<20000x64xf32, #tpu.memory_space<hbm>>
    tpu.wait_indirect_dma semaphore(%arg19 : memref<!tpu.dma_semaphore, #tpu.memory_space<semaphore_mem>>) src(%dma_wait3A_317 : memref<20000x64xf32, #tpu.memory_space<hbm>>) dst(%arg15 : memref<128x64xf32, #tpu.memory_space<vmem>>)
    %barrier3A_318 = arith.constant 0 : index
    tpu.barrier barrier_id(%barrier3A_318)
    %eq3A_319 = arith.constant 0 : i32
    %eq3A_320 = arith.cmpi eq, %arg0, %eq3A_319 : i32
    %convert_element_type3A_321 = arith.extui %eq3A_320 : i1 to i32
    %cond3A_322 = arith.constant 0 : i32
    %cond3A_323 = arith.cmpi ne, %convert_element_type3A_321, %cond3A_322 : i32
    scf.if %cond3A_323 {
      "tpu.region"() ({
        %run_scoped3A = tpu.sem_alloc : memref<!tpu.dma_semaphore, #tpu.memory_space<semaphore_mem>>
        %dma_start3A_329 = arith.constant 0 : i32
        %dma_start3A_330 = tpu.memref_slice %arg8[%mul3A_2, %dma_start3A_329] : memref<10112x64xf32, #tpu.memory_space<hbm>> -> memref<632x64xf32, #tpu.memory_space<hbm>>
        %dma_start3A_331 = arith.constant 0 : i32
        %dma_start3A_332 = tpu.memref_slice %arg18[%mul3A_2, %dma_start3A_331] : memref<10112x64xf32, #tpu.memory_space<vmem_shared>> -> memref<632x64xf32, #tpu.memory_space<vmem_shared>>
        tpu.enqueue_dma source(%dma_start3A_332 : memref<632x64xf32, #tpu.memory_space<vmem_shared>>) target(%dma_start3A_330 : memref<632x64xf32, #tpu.memory_space<hbm>>) target_semaphore(%run_scoped3A : memref<!tpu.dma_semaphore, #tpu.memory_space<semaphore_mem>>)
        %dma_wait3A_333 = arith.constant 0 : i32
        %dma_wait3A_334 = tpu.memref_slice %arg8[%mul3A_2, %dma_wait3A_333] : memref<10112x64xf32, #tpu.memory_space<hbm>> -> memref<632x64xf32, #tpu.memory_space<hbm>>
        %dma_wait3A_335 = arith.constant 0 : i32
        %dma_wait3A_336 = tpu.memref_slice %arg18[%mul3A_2, %dma_wait3A_335] : memref<10112x64xf32, #tpu.memory_space<vmem_shared>> -> memref<632x64xf32, #tpu.memory_space<vmem_shared>>
        tpu.wait_dma2 semaphore(%run_scoped3A : memref<!tpu.dma_semaphore, #tpu.memory_space<semaphore_mem>>) src(%dma_wait3A_336 : memref<632x64xf32, #tpu.memory_space<vmem_shared>>) dst(%dma_wait3A_334 : memref<632x64xf32, #tpu.memory_space<hbm>>)
        tpu.yield
      }) : () -> ()
    } else {
    }
    %eq3A_324 = arith.constant 1 : i32
    %eq3A_325 = arith.cmpi eq, %arg0, %eq3A_324 : i32
    %convert_element_type3A_326 = arith.extui %eq3A_325 : i1 to i32
    %cond3A_327 = arith.constant 0 : i32
    %cond3A_328 = arith.cmpi ne, %convert_element_type3A_326, %cond3A_327 : i32
    scf.if %cond3A_328 {
      "tpu.region"() ({
        %run_scoped3A = tpu.sem_alloc : memref<!tpu.dma_semaphore, #tpu.memory_space<semaphore_mem>>
        %dma_start3A_329 = arith.constant 0 : i32
        %dma_start3A_330 = tpu.memref_slice %arg10[%mul3A_2, %dma_start3A_329] : memref<10112x64xf32, #tpu.memory_space<hbm>> -> memref<632x64xf32, #tpu.memory_space<hbm>>
        %dma_start3A_331 = arith.constant 0 : i32
        %dma_start3A_332 = tpu.memref_slice %arg18[%mul3A_2, %dma_start3A_331] : memref<10112x64xf32, #tpu.memory_space<vmem_shared>> -> memref<632x64xf32, #tpu.memory_space<vmem_shared>>
        tpu.enqueue_dma source(%dma_start3A_332 : memref<632x64xf32, #tpu.memory_space<vmem_shared>>) target(%dma_start3A_330 : memref<632x64xf32, #tpu.memory_space<hbm>>) target_semaphore(%run_scoped3A : memref<!tpu.dma_semaphore, #tpu.memory_space<semaphore_mem>>)
        %dma_wait3A_333 = arith.constant 0 : i32
        %dma_wait3A_334 = tpu.memref_slice %arg10[%mul3A_2, %dma_wait3A_333] : memref<10112x64xf32, #tpu.memory_space<hbm>> -> memref<632x64xf32, #tpu.memory_space<hbm>>
        %dma_wait3A_335 = arith.constant 0 : i32
        %dma_wait3A_336 = tpu.memref_slice %arg18[%mul3A_2, %dma_wait3A_335] : memref<10112x64xf32, #tpu.memory_space<vmem_shared>> -> memref<632x64xf32, #tpu.memory_space<vmem_shared>>
        tpu.wait_dma2 semaphore(%run_scoped3A : memref<!tpu.dma_semaphore, #tpu.memory_space<semaphore_mem>>) src(%dma_wait3A_336 : memref<632x64xf32, #tpu.memory_space<vmem_shared>>) dst(%dma_wait3A_334 : memref<632x64xf32, #tpu.memory_space<hbm>>)
        tpu.yield
      }) : () -> ()
    } else {
    }
    return
  }
}

module attributes {stable_mosaic.version = 14 : i64} {
  func.func @_dense_body(%arg0: i32, %arg1: memref<632x64xf32, #tpu.memory_space<vmem>>, %arg2: memref<632x64xf32, #tpu.memory_space<vmem>>, %arg3: memref<632x64xf32, #tpu.memory_space<vmem>>, %arg4: memref<632x64xf32, #tpu.memory_space<vmem>>, %arg5: memref<632x16xf32, #tpu.memory_space<vmem>>, %arg6: memref<632x16xf32, #tpu.memory_space<vmem>>, %arg7: memref<632x128xf32, #tpu.memory_space<vmem>>, %arg8: memref<128x128xf32, #tpu.memory_space<vmem>>, %arg9: memref<128x128xf32, #tpu.memory_space<vmem>>, %arg10: memref<1x128xf32, #tpu.memory_space<vmem>>, %arg11: memref<632x128xf32, #tpu.memory_space<vmem>>) attributes {dimension_semantics = [#tpu.dimension_semantics<arbitrary>], iteration_bounds = array<i64: 16>, scalar_prefetch = 0 : i64, scratch_operands = 0 : i64, tpu.core_type = #tpu.core_type<tc>, window_params = [{transform_indices = @transform_0, window_bounds = array<i64: 632, 64>}, {transform_indices = @transform_1, window_bounds = array<i64: 632, 64>}, {transform_indices = @transform_2, window_bounds = array<i64: 632, 64>}, {transform_indices = @transform_3, window_bounds = array<i64: 632, 64>}, {transform_indices = @transform_4, window_bounds = array<i64: 632, 16>}, {transform_indices = @transform_5, window_bounds = array<i64: 632, 16>}, {transform_indices = @transform_6, window_bounds = array<i64: 632, 128>}, {pipeline_mode = #tpu.pipeline_mode<synchronous>, transform_indices = @transform_7, window_bounds = array<i64: 128, 128>}, {pipeline_mode = #tpu.pipeline_mode<synchronous>, transform_indices = @transform_8, window_bounds = array<i64: 128, 128>}, {pipeline_mode = #tpu.pipeline_mode<synchronous>, transform_indices = @transform_9, window_bounds = array<i64: 1, 128>}, {transform_indices = @transform_10, window_bounds = array<i64: 632, 128>}]} {
    %get3A = arith.constant 0 : index
    %get3A_0 = arith.constant 0 : index
    %get3A_1 = vector.load %arg5[%get3A, %get3A_0] : memref<632x16xf32, #tpu.memory_space<vmem>>, vector<632x1xf32>
    %get3A_2 = arith.constant 0 : index
    %get3A_3 = arith.constant 0 : index
    %get3A_4 = vector.load %arg6[%get3A_2, %get3A_3] : memref<632x16xf32, #tpu.memory_space<vmem>>, vector<632x1xf32>
    %add3A = arith.addf %get3A_1, %get3A_4 : vector<632x1xf32>
    %max3A = arith.constant 1.000000e+00 : f32
    %max3A_5 = vector.broadcast %max3A : f32 to vector<632x1xf32>
    %max3A_6 = arith.maximumf %add3A, %max3A_5 : vector<632x1xf32>
    %get3A_7 = arith.constant 0 : index
    %get3A_8 = arith.constant 0 : index
    %get3A_9 = vector.load %arg1[%get3A_7, %get3A_8] : memref<632x64xf32, #tpu.memory_space<vmem>>, vector<632x64xf32>
    %get3A_10 = arith.constant 0 : index
    %get3A_11 = arith.constant 0 : index
    %get3A_12 = vector.load %arg3[%get3A_10, %get3A_11] : memref<632x64xf32, #tpu.memory_space<vmem>>, vector<632x64xf32>
    %add3A_13 = arith.addf %get3A_9, %get3A_12 : vector<632x64xf32>
    %get3A_14 = arith.constant 0 : index
    %get3A_15 = arith.constant 0 : index
    %get3A_16 = vector.load %arg2[%get3A_14, %get3A_15] : memref<632x64xf32, #tpu.memory_space<vmem>>, vector<632x64xf32>
    %get3A_17 = arith.constant 0 : index
    %get3A_18 = arith.constant 0 : index
    %get3A_19 = vector.load %arg4[%get3A_17, %get3A_18] : memref<632x64xf32, #tpu.memory_space<vmem>>, vector<632x64xf32>
    %add3A_20 = arith.addf %get3A_16, %get3A_19 : vector<632x64xf32>
    %concatenate3A = tpu.concatenate %add3A_13, %add3A_20 in 1 : vector<632x64xf32>, vector<632x64xf32> -> vector<632x128xf32>
    %div3A = vector.broadcast %max3A_6 : vector<632x1xf32> to vector<632x128xf32>
    %div3A_21 = arith.divf %concatenate3A, %div3A : vector<632x128xf32>
    %get3A_22 = arith.constant 0 : index
    %get3A_23 = arith.constant 0 : index
    %get3A_24 = vector.load %arg8[%get3A_22, %get3A_23] : memref<128x128xf32, #tpu.memory_space<vmem>>, vector<128x128xf32>
    %dot_general3A = arith.constant dense<0.000000e+00> : vector<632x128xf32>
    %dot_general3A_25 = tpu.matmul %div3A_21, %get3A_24, %dot_general3A {dimension_numbers = #tpu.dot_dimension_numbers<[1], [0], [0], [1], [0, 0, 1, 1], [], []>, transpose_lhs_hint = false} : vector<632x128xf32>, vector<128x128xf32>, vector<632x128xf32> -> vector<632x128xf32>
    %get3A_26 = arith.constant 0 : index
    %get3A_27 = arith.constant 0 : index
    %get3A_28 = vector.load %arg7[%get3A_26, %get3A_27] : memref<632x128xf32, #tpu.memory_space<vmem>>, vector<632x128xf32>
    %get3A_29 = arith.constant 0 : index
    %get3A_30 = arith.constant 0 : index
    %get3A_31 = vector.load %arg9[%get3A_29, %get3A_30] : memref<128x128xf32, #tpu.memory_space<vmem>>, vector<128x128xf32>
    %dot_general3A_32 = arith.constant dense<0.000000e+00> : vector<632x128xf32>
    %dot_general3A_33 = tpu.matmul %get3A_28, %get3A_31, %dot_general3A_32 {dimension_numbers = #tpu.dot_dimension_numbers<[1], [0], [0], [1], [0, 0, 1, 1], [], []>, transpose_lhs_hint = false} : vector<632x128xf32>, vector<128x128xf32>, vector<632x128xf32> -> vector<632x128xf32>
    %add3A_34 = arith.addf %dot_general3A_25, %dot_general3A_33 : vector<632x128xf32>
    %get3A_35 = arith.constant 0 : index
    %get3A_36 = arith.constant 0 : index
    %get3A_37 = vector.load %arg10[%get3A_35, %get3A_36] : memref<1x128xf32, #tpu.memory_space<vmem>>, vector<1x128xf32>
    %add3A_38 = vector.broadcast %get3A_37 : vector<1x128xf32> to vector<632x128xf32>
    %add3A_39 = arith.addf %add3A_34, %add3A_38 : vector<632x128xf32>
    %max3A_40 = arith.constant 0.000000e+00 : f32
    %max3A_41 = vector.broadcast %max3A_40 : f32 to vector<632x128xf32>
    %max3A_42 = arith.maximumf %add3A_39, %max3A_41 : vector<632x128xf32>
    %swap3A = arith.constant 0 : index
    %swap3A_43 = arith.constant 0 : index
    %swap3A_44 = vector.load %arg11[%swap3A, %swap3A_43] : memref<632x128xf32, #tpu.memory_space<vmem>>, vector<632x128xf32>
    tpu.vector_store %arg11[%swap3A, %swap3A_43], %max3A_42 {strides = array<i32>} : memref<632x128xf32, #tpu.memory_space<vmem>>, vector<632x128xf32>,
    return
  }
  func.func @transform_0(%arg0: i32) -> (i32, i32) {
    %c0_i32 = arith.constant 0 : i32
    %c0_i32_0 = arith.constant 0 : i32
    return %arg0, %c0_i32 : i32, i32
  }
  func.func @transform_1(%arg0: i32) -> (i32, i32) {
    %c0_i32 = arith.constant 0 : i32
    %c0_i32_0 = arith.constant 0 : i32
    return %arg0, %c0_i32 : i32, i32
  }
  func.func @transform_2(%arg0: i32) -> (i32, i32) {
    %c0_i32 = arith.constant 0 : i32
    %c0_i32_0 = arith.constant 0 : i32
    return %arg0, %c0_i32 : i32, i32
  }
  func.func @transform_3(%arg0: i32) -> (i32, i32) {
    %c0_i32 = arith.constant 0 : i32
    %c0_i32_0 = arith.constant 0 : i32
    return %arg0, %c0_i32 : i32, i32
  }
  func.func @transform_4(%arg0: i32) -> (i32, i32) {
    %c0_i32 = arith.constant 0 : i32
    %c0_i32_0 = arith.constant 0 : i32
    return %arg0, %c0_i32 : i32, i32
  }
  func.func @transform_5(%arg0: i32) -> (i32, i32) {
    %c0_i32 = arith.constant 0 : i32
    %c0_i32_0 = arith.constant 0 : i32
    return %arg0, %c0_i32 : i32, i32
  }
  func.func @transform_6(%arg0: i32) -> (i32, i32) {
    %c0_i32 = arith.constant 0 : i32
    %c0_i32_0 = arith.constant 0 : i32
    return %arg0, %c0_i32 : i32, i32
  }
  func.func @transform_7(%arg0: i32) -> (i32, i32) {
    %c0_i32 = arith.constant 0 : i32
    %c0_i32_0 = arith.constant 0 : i32
    %c0_i32_1 = arith.constant 0 : i32
    return %c0_i32, %c0_i32_0 : i32, i32
  }
  func.func @transform_8(%arg0: i32) -> (i32, i32) {
    %c0_i32 = arith.constant 0 : i32
    %c0_i32_0 = arith.constant 0 : i32
    %c0_i32_1 = arith.constant 0 : i32
    return %c0_i32, %c0_i32_0 : i32, i32
  }
  func.func @transform_9(%arg0: i32) -> (i32, i32) {
    %c0_i32 = arith.constant 0 : i32
    %c0_i32_0 = arith.constant 0 : i32
    %c0_i32_1 = arith.constant 0 : i32
    return %c0_i32, %c0_i32_0 : i32, i32
  }
  func.func @transform_10(%arg0: i32) -> (i32, i32) {
    %c0_i32 = arith.constant 0 : i32
    %c0_i32_0 = arith.constant 0 : i32
    return %arg0, %c0_i32 : i32, i32
  }
}

module attributes {stable_mosaic.version = 14 : i64} {
  func.func @_dense_body(%arg0: i32, %arg1: memref<632x64xf32, #tpu.memory_space<vmem>>, %arg2: memref<632x64xf32, #tpu.memory_space<vmem>>, %arg3: memref<632x64xf32, #tpu.memory_space<vmem>>, %arg4: memref<632x64xf32, #tpu.memory_space<vmem>>, %arg5: memref<632x16xf32, #tpu.memory_space<vmem>>, %arg6: memref<632x16xf32, #tpu.memory_space<vmem>>, %arg7: memref<632x128xf32, #tpu.memory_space<vmem>>, %arg8: memref<128x128xf32, #tpu.memory_space<vmem>>, %arg9: memref<128x128xf32, #tpu.memory_space<vmem>>, %arg10: memref<1x128xf32, #tpu.memory_space<vmem>>, %arg11: memref<632x128xf32, #tpu.memory_space<vmem>>) attributes {dimension_semantics = [#tpu.dimension_semantics<arbitrary>], iteration_bounds = array<i64: 16>, scalar_prefetch = 0 : i64, scratch_operands = 0 : i64, tpu.core_type = #tpu.core_type<tc>, window_params = [{transform_indices = @transform_0, window_bounds = array<i64: 632, 64>}, {transform_indices = @transform_1, window_bounds = array<i64: 632, 64>}, {transform_indices = @transform_2, window_bounds = array<i64: 632, 64>}, {transform_indices = @transform_3, window_bounds = array<i64: 632, 64>}, {transform_indices = @transform_4, window_bounds = array<i64: 632, 16>}, {transform_indices = @transform_5, window_bounds = array<i64: 632, 16>}, {transform_indices = @transform_6, window_bounds = array<i64: 632, 128>}, {pipeline_mode = #tpu.pipeline_mode<synchronous>, transform_indices = @transform_7, window_bounds = array<i64: 128, 128>}, {pipeline_mode = #tpu.pipeline_mode<synchronous>, transform_indices = @transform_8, window_bounds = array<i64: 128, 128>}, {pipeline_mode = #tpu.pipeline_mode<synchronous>, transform_indices = @transform_9, window_bounds = array<i64: 1, 128>}, {transform_indices = @transform_10, window_bounds = array<i64: 632, 128>}]} {
    %get3A = arith.constant 0 : index
    %get3A_0 = arith.constant 0 : index
    %get3A_1 = vector.load %arg5[%get3A, %get3A_0] : memref<632x16xf32, #tpu.memory_space<vmem>>, vector<632x1xf32>
    %get3A_2 = arith.constant 0 : index
    %get3A_3 = arith.constant 0 : index
    %get3A_4 = vector.load %arg6[%get3A_2, %get3A_3] : memref<632x16xf32, #tpu.memory_space<vmem>>, vector<632x1xf32>
    %add3A = arith.addf %get3A_1, %get3A_4 : vector<632x1xf32>
    %max3A = arith.constant 1.000000e+00 : f32
    %max3A_5 = vector.broadcast %max3A : f32 to vector<632x1xf32>
    %max3A_6 = arith.maximumf %add3A, %max3A_5 : vector<632x1xf32>
    %get3A_7 = arith.constant 0 : index
    %get3A_8 = arith.constant 0 : index
    %get3A_9 = vector.load %arg1[%get3A_7, %get3A_8] : memref<632x64xf32, #tpu.memory_space<vmem>>, vector<632x64xf32>
    %get3A_10 = arith.constant 0 : index
    %get3A_11 = arith.constant 0 : index
    %get3A_12 = vector.load %arg3[%get3A_10, %get3A_11] : memref<632x64xf32, #tpu.memory_space<vmem>>, vector<632x64xf32>
    %add3A_13 = arith.addf %get3A_9, %get3A_12 : vector<632x64xf32>
    %get3A_14 = arith.constant 0 : index
    %get3A_15 = arith.constant 0 : index
    %get3A_16 = vector.load %arg2[%get3A_14, %get3A_15] : memref<632x64xf32, #tpu.memory_space<vmem>>, vector<632x64xf32>
    %get3A_17 = arith.constant 0 : index
    %get3A_18 = arith.constant 0 : index
    %get3A_19 = vector.load %arg4[%get3A_17, %get3A_18] : memref<632x64xf32, #tpu.memory_space<vmem>>, vector<632x64xf32>
    %add3A_20 = arith.addf %get3A_16, %get3A_19 : vector<632x64xf32>
    %concatenate3A = tpu.concatenate %add3A_13, %add3A_20 in 1 : vector<632x64xf32>, vector<632x64xf32> -> vector<632x128xf32>
    %div3A = vector.broadcast %max3A_6 : vector<632x1xf32> to vector<632x128xf32>
    %div3A_21 = arith.divf %concatenate3A, %div3A : vector<632x128xf32>
    %get3A_22 = arith.constant 0 : index
    %get3A_23 = arith.constant 0 : index
    %get3A_24 = vector.load %arg8[%get3A_22, %get3A_23] : memref<128x128xf32, #tpu.memory_space<vmem>>, vector<128x128xf32>
    %dot_general3A = arith.constant dense<0.000000e+00> : vector<632x128xf32>
    %dot_general3A_25 = tpu.matmul %div3A_21, %get3A_24, %dot_general3A {dimension_numbers = #tpu.dot_dimension_numbers<[1], [0], [0], [1], [0, 0, 1, 1], [], []>, transpose_lhs_hint = false} : vector<632x128xf32>, vector<128x128xf32>, vector<632x128xf32> -> vector<632x128xf32>
    %get3A_26 = arith.constant 0 : index
    %get3A_27 = arith.constant 0 : index
    %get3A_28 = vector.load %arg7[%get3A_26, %get3A_27] : memref<632x128xf32, #tpu.memory_space<vmem>>, vector<632x128xf32>
    %get3A_29 = arith.constant 0 : index
    %get3A_30 = arith.constant 0 : index
    %get3A_31 = vector.load %arg9[%get3A_29, %get3A_30] : memref<128x128xf32, #tpu.memory_space<vmem>>, vector<128x128xf32>
    %dot_general3A_32 = arith.constant dense<0.000000e+00> : vector<632x128xf32>
    %dot_general3A_33 = tpu.matmul %get3A_28, %get3A_31, %dot_general3A_32 {dimension_numbers = #tpu.dot_dimension_numbers<[1], [0], [0], [1], [0, 0, 1, 1], [], []>, transpose_lhs_hint = false} : vector<632x128xf32>, vector<128x128xf32>, vector<632x128xf32> -> vector<632x128xf32>
    %add3A_34 = arith.addf %dot_general3A_25, %dot_general3A_33 : vector<632x128xf32>
    %get3A_35 = arith.constant 0 : index
    %get3A_36 = arith.constant 0 : index
    %get3A_37 = vector.load %arg10[%get3A_35, %get3A_36] : memref<1x128xf32, #tpu.memory_space<vmem>>, vector<1x128xf32>
    %add3A_38 = vector.broadcast %get3A_37 : vector<1x128xf32> to vector<632x128xf32>
    %add3A_39 = arith.addf %add3A_34, %add3A_38 : vector<632x128xf32>
    %swap3A = arith.constant 0 : index
    %swap3A_40 = arith.constant 0 : index
    %swap3A_41 = vector.load %arg11[%swap3A, %swap3A_40] : memref<632x128xf32, #tpu.memory_space<vmem>>, vector<632x128xf32>
    tpu.vector_store %arg11[%swap3A, %swap3A_40], %add3A_39 {strides = array<i32>} : memref<632x128xf32, #tpu.memory_space<vmem>>, vector<632x128xf32>,
    return
  }
  func.func @transform_0(%arg0: i32) -> (i32, i32) {
    %c0_i32 = arith.constant 0 : i32
    %c0_i32_0 = arith.constant 0 : i32
    return %arg0, %c0_i32 : i32, i32
  }
  func.func @transform_1(%arg0: i32) -> (i32, i32) {
    %c0_i32 = arith.constant 0 : i32
    %c0_i32_0 = arith.constant 0 : i32
    return %arg0, %c0_i32 : i32, i32
  }
  func.func @transform_2(%arg0: i32) -> (i32, i32) {
    %c0_i32 = arith.constant 0 : i32
    %c0_i32_0 = arith.constant 0 : i32
    return %arg0, %c0_i32 : i32, i32
  }
  func.func @transform_3(%arg0: i32) -> (i32, i32) {
    %c0_i32 = arith.constant 0 : i32
    %c0_i32_0 = arith.constant 0 : i32
    return %arg0, %c0_i32 : i32, i32
  }
  func.func @transform_4(%arg0: i32) -> (i32, i32) {
    %c0_i32 = arith.constant 0 : i32
    %c0_i32_0 = arith.constant 0 : i32
    return %arg0, %c0_i32 : i32, i32
  }
  func.func @transform_5(%arg0: i32) -> (i32, i32) {
    %c0_i32 = arith.constant 0 : i32
    %c0_i32_0 = arith.constant 0 : i32
    return %arg0, %c0_i32 : i32, i32
  }
  func.func @transform_6(%arg0: i32) -> (i32, i32) {
    %c0_i32 = arith.constant 0 : i32
    %c0_i32_0 = arith.constant 0 : i32
    return %arg0, %c0_i32 : i32, i32
  }
  func.func @transform_7(%arg0: i32) -> (i32, i32) {
    %c0_i32 = arith.constant 0 : i32
    %c0_i32_0 = arith.constant 0 : i32
    %c0_i32_1 = arith.constant 0 : i32
    return %c0_i32, %c0_i32_0 : i32, i32
  }
  func.func @transform_8(%arg0: i32) -> (i32, i32) {
    %c0_i32 = arith.constant 0 : i32
    %c0_i32_0 = arith.constant 0 : i32
    %c0_i32_1 = arith.constant 0 : i32
    return %c0_i32, %c0_i32_0 : i32, i32
  }
  func.func @transform_9(%arg0: i32) -> (i32, i32) {
    %c0_i32 = arith.constant 0 : i32
    %c0_i32_0 = arith.constant 0 : i32
    %c0_i32_1 = arith.constant 0 : i32
    return %c0_i32, %c0_i32_0 : i32, i32
  }
  func.func @transform_10(%arg0: i32) -> (i32, i32) {
    %c0_i32 = arith.constant 0 : i32
    %c0_i32_0 = arith.constant 0 : i32
    return %arg0, %c0_i32 : i32, i32
  }
}

</mosaic_0001>

<sc_bundles>
// kernel: kernel.6.cloned.1.call-start
scs
__scs_entry_jumppad:
0x0: {  	(pc) =	sbr.rel $0x88, $3  }
0x1: {  	(tag) =	ssettag $0x0;
	lr =	simm.s32 $0x1  }
0x2: {  	[smem:$0x3F99] =	sst lr;
	_ =	strace $0xD0000000  }
0x3: {  	_ = 	snop  }
0x4: {  	_ = 	snop  }
0x5: {  	_ = 	snop  }
0x6: {  	_ = 	snop  }
0x7: {  	_ = 	snop  }
__scs_overlays_trampoline_lowered:
0x8: {  	[smem:$0x3FA8] =	sst s0  }
0x9: {  	[smem:$0x3FA9] =	sst s1  }
0xa: {  	[smem:$0x3FAA] =	sst s2  }
0xb: {  	[smem:$0x3FAB] =	sst s3  }
0xc: {  	[smem:$0x3FAC] =	sst s4  }
0xd: {  	[smem:$0x3FAD] =	sst s5  }
0xe: {  	[smem:$0x3FAE] =	sst s6  }
0xf: {  	[smem:$0x3FAF] =	sst s7  }
0x10: {  	[smem:$0x3FB0] =	sst s8  }
0x11: {  	[smem:$0x3FB1] =	sst s9;
	s0 =	simm.s32 @!p0 $0x0  }
0x12: {  	s1 =	sld [smem:$0x3F97];
	s0 =	simm.s32 @p0 $0x1  }
0x13: {  	[smem:$0x3FB2] =	sst s0;
	s0 =	simm.s32 @!p1 $0x0  }
0x14: {  	s2 =	sld [smem:$0x3F96];
	s0 =	simm.s32 @p1 $0x1  }
0x15: {  	[smem:$0x3FB3] =	sst s0;
	s0 =	simm.s32 @!p2 $0x0  }
0x16: {  	s3 =	sld [smem:$0x3FDB];
	s0 =	simm.s32 @p2 $0x1  }
0x17: {  	s4 =	simm.s32 $0x1BF5;
	[smem:$0x3FB5] =	sst s0  }
0x18: {  	s0 =	sld [smem:$0x3F98];
	_ =	swait.ge [sflag:s4], $0x0  }
0x19: {  	s7 =	sld [smem:$0x3F99]  }
0x1a: {  	s8 =	sadd.s32 $0xFFFFE003, lr  }
0x1b: {  	s9 =	sadd.s32 $0xFFFFFEF7, lr;
	s5 =	simm.s32 $0xFFFFFFFF;
	p2 =	slt.u32 s8, $0xFFFFF086  }
0x1c: {  	p1 =	slt.u32 s9, $0xF7A;
	s5 =	simm.s32 @!p2 $0x0  }
0x1d: {  	s5 =	simm.s32 @p1 $0x1;
	p0 =	seq.s32 s7, s2  }
0x1e: {  	s7 =	smul.u32 @!p0 $0xF7A, s2;
	p2 =	seq.s32 @!p0 s5, $0x0  }
0x1f: {  	s9 =	smul.u32 $0xF7A, s1;
	s8 =	simm.s32 @!p0 $0x1BF5;
	p2 =	por !p2, p0  }
0x20: {  	[sflag:s8] =	ssyncset.s32 @!p0 $0xFFFFF086;
	s6 =	sadd.s32 @!p0 s3, s7;
	s7 =	simm.s32 @!p0 $0x108  }
0x21: {  	s3 =	sadd.s32 s3, s9;
	s6 =	sadd.s32 @!p0 $0x88, s6;
	s7 =	simm.s32 @p2 $0x1082  }
0x22: {  	[simem:s7], [sflag:s8] =	dma.local @!p0 [hbm:s6], $0xF7A  }
0x23: {  	s9 =	sor.u32 $0xD0000000, s2;
	s6 =	simm.s32 $0x108;
	_ =	swait.ge @!p0 [sflag:s8], $0x0  }
0x24: {  	s3 =	sadd.s32 $0x88, s3;
	s6 =	simm.s32 @!p1 $0x1082;
	[sflag:s4] =	ssyncset.s32 $0xFFFFF086  }
0x25: {  	[simem:s6], [sflag:s4] =	dma.local [hbm:s3], $0xF7A  }
0x26: {  	[smem:$0x3F99] =	sst s1;
	(tag) =	ssettag s2;
	_ =	strace s9  }
0x27: {  	s1 =	sld [smem:$0x3FA9]  }
0x28: {  	s2 =	sld [smem:$0x3FAA]  }
0x29: {  	s4 =	sld [smem:$0x3FAC]  }
0x2a: {  	p0 =	seq.s32 s5, $0x0;
	s5 =	sld [smem:$0x3FAD]  }
0x2b: {  	s6 =	sld [smem:$0x3FAE]  }
0x2c: {  	s7 =	sld [smem:$0x3FAF]  }
0x2d: {  	s3 =	simm.s32 $0x108;
	s8 =	sld [smem:$0x3FB0]  }
0x2e: {  	s3 =	simm.s32 @!p0 $0x1082;
	s9 =	sld [smem:$0x3FB1]  }
0x2f: {  	lr =	sadd.s32 s0, s3;
	s0 =	sld [smem:$0x3FA8]  }
0x30: {  	s3 =	sld [smem:$0x3FAB]  }
0x31: {  	[smem:$0x3FB4] =	sst s10  }
0x32: {  	s10 =	sld [smem:$0x3FB2];
	_ =	sdelay $0x3  }
0x33: {  	p0 =	seq.s32 s10, $0x1;
	s10 =	sld [smem:$0x3FB4];
	_ =	sdelay $0x3  }
0x34: {  	[smem:$0x3FB4] =	sst s10  }
0x35: {  	s10 =	sld [smem:$0x3FB3];
	_ =	sdelay $0x3  }
0x36: {  	p1 =	seq.s32 s10, $0x1;
	s10 =	sld [smem:$0x3FB4];
	_ =	sdelay $0x3  }
0x37: {  	[smem:$0x3FB4] =	sst s10  }
0x38: {  	s10 =	sld [smem:$0x3FB5]  }
0x39: {  	_ = 	snop;
	(pc) =	sbr.ind lr, $3  }
0x3a: {  	_ = 	snop  }
0x3b: {  	_ = 	snop  }
0x3c: {  	p2 =	seq.s32 s10, $0x1;
	s10 =	sld [smem:$0x3FB4]  }
0x3d: {  	_ =	shalt  }
0x3e: {  	_ =	shalt  }
0x3f: {  	_ =	shalt  }
0x40: {  	_ =	shalt  }
0x41: {  	_ =	shalt  }
0x42: {  	_ =	shalt  }
0x43: {  	_ =	shalt  }
0x44: {  	_ =	shalt  }
0x45: {  	_ =	shalt  }
0x46: {  	_ =	shalt  }
0x47: {  	_ =	shalt  }
0x48: {  	_ =	shalt  }
0x49: {  	_ =	shalt  }
0x4a: {  	_ =	shalt  }
0x4b: {  	_ =	shalt  }
0x4c: {  	_ =	shalt  }
0x4d: {  	_ =	shalt  }
0x4e: {  	_ =	shalt  }
0x4f: {  	_ =	shalt  }
0x50: {  	_ =	shalt  }
0x51: {  	_ =	shalt  }
0x52: {  	_ =	shalt  }
0x53: {  	_ =	shalt  }
0x54: {  	_ =	shalt  }
0x55: {  	_ =	shalt  }
0x56: {  	_ =	shalt  }
0x57: {  	_ =	shalt  }
0x58: {  	_ =	shalt  }
0x59: {  	_ =	shalt  }
0x5a: {  	_ =	shalt  }
0x5b: {  	_ =	shalt  }
0x5c: {  	_ =	shalt  }
0x5d: {  	_ =	shalt  }
0x5e: {  	_ =	shalt  }
0x5f: {  	_ =	shalt  }
0x60: {  	_ =	shalt  }
0x61: {  	_ =	shalt  }
0x62: {  	_ =	shalt  }
0x63: {  	_ =	shalt  }
0x64: {  	_ =	shalt  }
0x65: {  	_ =	shalt  }
0x66: {  	_ =	shalt  }
0x67: {  	_ =	shalt  }
0x68: {  	_ =	shalt  }
0x69: {  	_ =	shalt  }
0x6a: {  	_ =	shalt  }
0x6b: {  	_ =	shalt  }
0x6c: {  	_ =	shalt  }
0x6d: {  	_ =	shalt  }
0x6e: {  	_ =	shalt  }
0x6f: {  	_ =	shalt  }
0x70: {  	_ =	shalt  }
0x71: {  	_ =	shalt  }
0x72: {  	_ =	shalt  }
0x73: {  	_ =	shalt  }
0x74: {  	_ =	shalt  }
0x75: {  	_ =	shalt  }
0x76: {  	_ =	shalt  }
0x77: {  	_ =	shalt  }
0x78: {  	_ =	shalt  }
0x79: {  	_ =	shalt  }
0x7a: {  	_ =	shalt  }
0x7b: {  	_ =	shalt  }
0x7c: {  	_ =	shalt  }
0x7d: {  	_ =	shalt  }
0x7e: {  	_ =	shalt  }
0x7f: {  	_ =	shalt  }
0x80: {  	_ =	shalt  }
0x81: {  	_ =	shalt  }
0x82: {  	_ =	shalt  }
0x83: {  	_ =	shalt  }
0x84: {  	_ =	shalt  }
0x85: {  	_ =	shalt  }
0x86: {  	_ =	shalt  }
0x87: {  	_ =	shalt  }
.Lfunc_end0:
.L_simem_size_0:
called_computation_lowered:
.L_overlay_start_0:
0x88: {  	s2 =	sld [smem:$0x3FD9]  }
0x89: {  	s3 =	sld [smem:$0x3FFE];
	_ =	sdelay $0x1  }
0x8a: {  	s1 =	srdreg.scid  }
0x8b: {  	s0 =	sand.u32 $0x1, s1  }
0x8c: {  	s17 =	sshll.u32 s0, $0xA;
	s2 =	sadd.s32 s3, s2  }
0x8d: {  	s2 =	sadd.s32 s2, s17  }
0x8e: {  	[smem:$0x3FC0] =	sst s2  }
0x8f: {  	_ = 	snop  }
0x90: {  	s2 =	sld [smem:$0x3FC9]  }
0x91: {  	s18 =	sld [smem:$0x3FD0];
	(tm) =	ssettm $0x1  }
0x92: {  	s4 =	sld [smem:$0x3FFB];
	_ =	sdelay $0x3  }
0x93: {  	_ =	strace s4  }
0x94: {  	s4 =	sld [smem:$0x3FFC];
	_ =	sdelay $0x3  }
0x95: {  	_ =	strace s4  }
0x96: {  	s4 =	sld [smem:$0x3FFD];
	_ =	sdelay $0x3  }
0x97: {  	_ =	strace s4  }
0x98: {  	_ =	strace $0x8FFFFFFF  }
0x99: {  	s19 =	sld [smem:$0x3FDB];
	_ =	sdelay $0x1  }
0x9a: {  	s5 =	simm.s32 $_scs_section_size  }
0x9b: {  	s6 =	simm.s32 $_size__tile_overlayer_lowered;
	s7 =	simm.s32 $_tile_overlayer_lowered  }
0x9c: {  	s22 =	simm.s32 $0x1BFF;
	s21 =	sshll.u32 s7, $0x1;
	s4 =	sadd.s32 s5, s19  }
0x9d: {  	s8 =	simm.s32 $0x0;
	s20 =	sshll.u32 s6, $0x1;
	s6 =	sadd.s32 s21, s4  }
0x9e: {  	[timem:s8], [sflag:s22] =	dma.local [hbm:s6], s20  }
0x9f: {  	_ =	swait.ge [sflag:s22], s20  }
0xa0: {  	s5 =	ssub.s32 $0x0, s20;
	[sflag:s22] =	ssyncset.done $0x0  }
0xa1: {  	[sflag:s22] =	ssyncadd.s32 s5;
	_ =	sdelay $0x1  }
0xa2: {  	s23 =	simm.s32 $0x1B8B  }
0xa3: {  	_ =	swait.ge [sflag:s23], $0x1  }
0xa4: {  	[sflag:s23] =	ssyncset.done $0x0  }
0xa5: {  	s25 =	simm.s32 $0x1B8E;
	s24 =	sld [smem:$0x3FFE];
	[sflag:s23] =	ssyncadd.s32 $0xFFFFFFFF  }
0xa6: {  	s26 =	simm.s32 $execute0_lowered;
	[smem:$0x3FD2] =	sst s25  }
0xa7: {  	s6 =	sshll.u32 s26, $0x1;
	_ =	strace $0x80000046;
	[dreg:$0x1] =	wrdreg $0xFFFFFFFF  }
0xa8: {  	s28 =	simm.s32 $_size_execute0_lowered;
	s4 =	sadd.s32 s4, s6;
	[dreg:$0x0] =	wrdreg $0x0  }
0xa9: {  	s6 =	sshll.u32 s28, $0x1;
	[dreg:$0x2] =	wrdreg s4  }
0xaa: {  	[dreg:$0x3] =	wrdreg s6  }
0xab: {  	[dreg:$0x4] =	wrdreg $0xC0  }
0xac: {  	_ =	task [dreg:s8], $0x5FFFF  }
0xad: {  	[dreg:$0x1] =	wrdreg $0xFFFFFFFF  }
0xae: {  	[dreg:$0x0] =	wrdreg $0x60  }
0xaf: {  	[dreg:$0x2] =	wrdreg s2  }
0xb0: {  	[dreg:$0x3] =	wrdreg s24  }
0xb1: {  	[dreg:$0x4] =	wrdreg s18  }
0xb2: {  	[dreg:$0x5] =	wrdreg $0x100000  }
0xb3: {  	[dreg:$0x6] =	wrdreg $0x19E000  }
0xb4: {  	[dreg:$0x7] =	wrdreg $0x9  }
0xb5: {  	_ =	task.clear_ibuf [dreg:s8], $0x8FFFF;
	_ =	strace $0x90000046  }
0xb6: {  	s29 =	simm.s32 $0x9;
	_ =	strace $0x80000048  }
0xb7: {  	_ =	swait.ge [sflag:s29], $0x1  }
0xb8: {  	[sflag:s29] =	ssyncadd.s32 $0xFFFFFFFF  }
0xb9: {  	_ =	strace $0x90000048  }
0xba: {  	_ =	sfence  }
0xbb: {  	s30 =	sld [smem:$0x0];
	_ =	sdelay $0x2  }
0xbc: {  	s31 =	sshll.u32 s1, $0xD;
	s1 =	sshrl.u32 s1, $0x2  }
0xbd: {  	s3 =	sand.u32 $0x4000, s31;
	s1 =	sadd.s32 s1, s30  }
0xbe: {  	s0 =	sor.u32 s3, s0;
	s1 =	sshll.u32 s1, $0x11  }
0xbf: {  	s0 =	sor.u32 s1, s0  }
0xc0: {  	s0 =	sadd.s32 $0x8F2B, s0  }
0xc1: {  	[sflag:s0] =	ssyncadd.remote.s32 $0x1  }
0xc2: {  	_ =	sfence.sel $0xFFFF  }
0xc3: {  	[dreg:$0x0] =	wrdreg $0xFFFFFFFF;
	(pc) =	sbr.abs _section_cstart, $3  }
0xc4: {  	[dreg:$0x1] =	wrdreg $0xFFFFFFFF  }
0xc5: {  	_ =	task.clear_ibuf [dreg:s8], $0x2FFFF;
	_ =	strace $0x9FFFFFFF  }
0xc6: {  	(tm) =	ssettm $0x7FFFFFFF  }
0xc7: {  	_ =	shalt  }
tec
execute0_lowered:
.L_overlay_start_1:
0x0: {  	(tag) =	ssettag $0x1  }
0x1: {  	s0 =	rddreg [dreg:$0x0]  }
0x2: {  	s1 =	rddreg [dreg:$0x1]  }
0x3: {  	s2 =	rddreg [dreg:$0x2]  }
0x4: {  	s4 =	srdreg.scid;
	s3 =	rddreg [dreg:$0x3]  }
0x5: {  	s16 =	stileid.u32;
	s5 =	simm.s32 $0x0;
	s18 =	simm.s32 $0x800  }
0x6: {  	s28 =	simm.s32 $0x1;
	s30 =	simm.s32 $0xC000;
	s31 =	simm.s32 $0x5880  }
0x7: {  	s29 =	simm.s32 $0x5900;
	s6 =	sand.u32 $0x1, s4;
	s4 =	rddreg [dreg:$0x4]  }
0x8: {  	[smem:$0x7FF] =	sst s5;
	s19 =	sadd.s32 $0x21800, s1;
	s9 =	sadd.s32 $0x21A00, s1  }
0x9: {  	s10 =	sadd.s32 $0x41000, s1;
	s11 =	sadd.s32 $0x54C00, s1;
	s15 =	smul.u32 $0x9E00, s16  }
0xa: {  	s12 =	sadd.s32 $0x37000, s1;
	s21 =	smul.u32 $0x2780, s16;
	s26 =	sshll.u32 s16, $0x6  }
0xb: {  	s7 =	sshll.u32 s6, $0x4;
	_ =	strace $0x80000047;
	[dreg:$0x6] =	wrdreg s19  }
0xc: {  	[dreg:$0x7] =	wrdreg s9;
	s9 =	sadd.s32 $0x23400, s1;
	s13 =	ssub.s32 $0x2, s6  }
0xd: {  	p0 =	seq.s32 s6, $0x0;
	s19 =	simm.s32 $0x3000;
	s6 =	simm.s32 $0x3  }
0xe: {  	s7 =	sor.u32 s16, s7;
	s14 =	sshrl.u32 s13, $0x1;
	s22 =	sadd.s32 s15, s3  }
0xf: {  	s23 =	sadd.s32 s21, s4;
	s24 =	sshrl.u32 s15, $0x3;
	s10 =	smov.u32 @p0 s2  }
0x10: {  	s11 =	smov.u32 @p0 s9;
	s9 =	simm.s32 $0x7E00;
	s7 =	smul.u32 $0x500, s7  }
0x11: {  	s13 =	ssub.s32 s13, s14;
	[dreg:$0xb] =	wrdreg s23;
	s14 =	sshrl.u32 s21, $0x3  }
0x12: {  	s2 =	sadd.s32 s10, s24;
	s25 =	sadd.s32 s11, s24;
	s21 =	sor.u32 $0x1C04, s26  }
0x13: {  	s22 =	sshrl.u32 s22, $0x3;
	s23 =	simm.s32 $0x80;
	s24 =	simm.s32 $0x8000  }
0x14: {  	s26 =	simm.s32 $0xA000;
	s10 =	simm.s32 $0x7E80;
	[dreg:$0xd] =	wrdreg s2  }
0x15: {  	s11 =	simm.s32 $0x7F00;
	s13 =	smax.u32 s13, $0x1;
	[dreg:$0xf] =	wrdreg s25  }
0x16: {  	s25 =	simm.s32 $0x880;
	s2 =	simm.s32 $0xE000;
	s8 =	sadd.s32 s7, s1  }
0x17: {  	s7 =	sadd.s32 $0x22000, s1;
	[dreg:$0xc] =	wrdreg s13;
	s20 =	sadd.s32 $0x17800, s8  }
0x18: {  	s1 =	sadd.s32 $0x3C000, s1;
	s17 =	sadd.s32 $0xD800, s8;
	[dreg:$0x8] =	wrdreg s20  }
0x19: {  	s8 =	sadd.s32 $0x3800, s8;
	s1 =	smov.u32 @p0 s12;
	[dreg:$0x9] =	wrdreg s17  }
0x1a: {  	s12 =	simm.s32 $0x7F80;
	[dreg:$0xa] =	wrdreg s8;
	s1 =	sadd.s32 s1, s14  }
0x1b: {  	s17 =	simm.s32 $0x4;
	s20 =	simm.s32 $0x5800;
	s8 =	simm.s32 $0x5980  }
0x1c: {  	s14 =	simm.s32 $0x0;
	[dreg:$0xe] =	wrdreg s1;
	s1 =	simm.s32 $0x2  }
.LBB2_1:
0x1d: {  	s13 =	rddreg [dreg:$0x6]  }
0x1e: {  	[tilespmem:s5], [sflag:$0x4] =	stream.linear.gather [hbm4b:s13+s5], $0x800, $0x38;
	[tilespmem:$0x1C580] =	vst v63  }
0x1f: {  	_ =	swait.ge [sflag:s17], $0x800  }
0x20: {  	[sflag:s17] =	ssyncset.done $0x0  }
0x21: {  	s16 =	rddreg [dreg:$0x8];
	[sflag:s17] =	ssyncadd.s32 $0xFFFFF800  }
0x22: {  	[tilespmem:s18], [sflag:$0x4] =	stream.linear.gather [hbm4b:s16+s5], $0x2800, $0x38;
	[tilespmem:$0x1C580] =	vst v63  }
0x23: {  	_ =	swait.ge [sflag:s17], $0x2800  }
0x24: {  	[sflag:s17] =	ssyncset.done $0x0  }
0x25: {  	s15 =	rddreg [dreg:$0x9];
	[sflag:s17] =	ssyncadd.s32 $0xFFFFD800  }
0x26: {  	[tilespmem:s19], [sflag:$0x4] =	stream.linear.gather [hbm4b:s15+s5], $0x2800, $0x38;
	[tilespmem:$0x1C580] =	vst v63  }
0x27: {  	_ =	swait.ge [sflag:s17], $0x2800  }
0x28: {  	[sflag:s17] =	ssyncset.done $0x0  }
0x29: {  	s16 =	rddreg [dreg:$0xa];
	[sflag:s17] =	ssyncadd.s32 $0xFFFFD800  }
0x2a: {  	[tilespmem:s20], [sflag:$0x4] =	stream.linear.gather [hbm4b:s16+s5], $0x2800, $0x38;
	[tilespmem:$0x1C580] =	vst v63  }
0x2b: {  	_ =	swait.ge [sflag:s17], $0x2800  }
0x2c: {  	[sflag:s17] =	ssyncset.done $0x0  }
0x2d: {  	[sflag:s17] =	ssyncadd.s32 $0xFFFFD800  }
0x2e: {  	[spmem:s22], [sflag:s21] =	dma.local [hbm:s7], $0x13C0  }
0x2f: {  	_ =	swait.ge [sflag:s17], $0x13C0  }
0x30: {  	[sflag:s17] =	ssyncset.done $0x0;
	s15 =	rddreg [dreg:$0xb]  }
0x31: {  	s16 =	rddreg [dreg:$0x7];
	[sflag:s17] =	ssyncadd.s32 $0xFFFFEC40;
	s15 =	sshrl.u32 s15, $0x3  }
0x32: {  	[spmem:s15], [sflag:s21] =	dma.local [hbm:s16], $0x4F0  }
0x33: {  	_ =	swait.ge [sflag:s17], $0x4F0  }
0x34: {  	[sflag:s17] =	ssyncset.done $0x0  }
0x35: {  	[sflag:s17] =	ssyncadd.s32 $0xFFFFFB10  }
0x36: {  	[bflag:$0x0] =	sbarrier.arrive $0xFFFF  }
0x37: {  	[tilespmem:s24], [sflag:$0x1] =	stream.indirect.gather [hbm4b:s0+s23], $0x40, s18, s23, $0xb8;
	[tilespmem:$0x1C580] =	vst v63  }
0x38: {  	_ = 	snop  }
0x39: {  	[tilespmem:s26], [sflag:$0x1] =	stream.indirect.gather [hbm4b:s0+s23], $0x40, s25, s23, $0xb8;
	[tilespmem:$0x1C580] =	vst v63  }
0x3a: {  	_ =	swait.ge [sflag:s28], $0x2000  }
0x3b: {  	[sflag:s28] =	ssyncset.done $0x0  }
0x3c: {  	[sflag:s28] =	ssyncadd.s32 $0xFFFFE000  }
0x3d: {  	[spmem:s3] =	stream.indirect.scatter.add.f32 [tilespmem:s24], [sflag:$0x2], $0x40, s20, s23, $0xb8;
	[tilespmem:$0x1C580] =	vst v63  }
0x3e: {  	_ = 	snop  }
0x3f: {  	[spmem:s4] =	stream.indirect.scatter.add.f32 [tilespmem:s5], [sflag:$0x3], $0x10, s20, s23, $0xb8;
	[tilespmem:$0x1C580] =	vst v63  }
0x40: {  	s16 =	simm.s32 $0x900  }
0x41: {  	[tilespmem:s30], [sflag:$0x1] =	stream.indirect.gather [hbm4b:s0+s23], $0x40, s16, s23, $0xb8;
	[tilespmem:$0x1C580] =	vst v63  }
0x42: {  	_ =	swait.ge [sflag:s28], $0x2000  }
0x43: {  	[sflag:s28] =	ssyncset.done $0x0  }
0x44: {  	[sflag:s28] =	ssyncadd.s32 $0xFFFFE000  }
0x45: {  	[spmem:s3] =	stream.indirect.scatter.add.f32 [tilespmem:s26], [sflag:$0x2], $0x40, s31, s23, $0xb8;
	[tilespmem:$0x1C580] =	vst v63  }
0x46: {  	_ = 	snop  }
0x47: {  	[spmem:s4] =	stream.indirect.scatter.add.f32 [tilespmem:s5], [sflag:$0x3], $0x10, s31, s23, $0xb8;
	[tilespmem:$0x1C580] =	vst v63  }
0x48: {  	s25 =	simm.s32 $0x980  }
0x49: {  	[tilespmem:s2], [sflag:$0x1] =	stream.indirect.gather [hbm4b:s0+s23], $0x40, s25, s23, $0xb8;
	[tilespmem:$0x1C580] =	vst v63  }
0x4a: {  	_ =	swait.ge [sflag:s28], $0x2000  }
0x4b: {  	[sflag:s28] =	ssyncset.done $0x0  }
0x4c: {  	[sflag:s28] =	ssyncadd.s32 $0xFFFFE000  }
0x4d: {  	[spmem:s3] =	stream.indirect.scatter.add.f32 [tilespmem:s30], [sflag:$0x2], $0x40, s29, s23, $0xb8;
	[tilespmem:$0x1C580] =	vst v63  }
0x4e: {  	_ = 	snop  }
0x4f: {  	[spmem:s4] =	stream.indirect.scatter.add.f32 [tilespmem:s5], [sflag:$0x3], $0x10, s29, s23, $0xb8;
	[tilespmem:$0x1C580] =	vst v63  }
0x50: {  	_ =	swait.ge [sflag:s1], $0x2000  }
0x51: {  	[sflag:s1] =	ssyncset.done $0x0  }
0x52: {  	[sflag:s1] =	ssyncadd.s32 $0xFFFFE000  }
0x53: {  	_ =	swait.ge [sflag:s6], $0x800  }
0x54: {  	[sflag:s6] =	ssyncset.done $0x0  }
0x55: {  	s16 =	simm.s32 $0xA00;
	[sflag:s6] =	ssyncadd.s32 $0xFFFFF800  }
0x56: {  	[tilespmem:s24], [sflag:$0x1] =	stream.indirect.gather [hbm4b:s0+s23], $0x40, s16, s23, $0xb8;
	[tilespmem:$0x1C580] =	vst v63  }
0x57: {  	_ =	swait.ge [sflag:s28], $0x2000  }
0x58: {  	[sflag:s28] =	ssyncset.done $0x0  }
0x59: {  	[sflag:s28] =	ssyncadd.s32 $0xFFFFE000  }
0x5a: {  	[spmem:s3] =	stream.indirect.scatter.add.f32 [tilespmem:s2], [sflag:$0x2], $0x40, s8, s23, $0xb8;
	[tilespmem:$0x1C580] =	vst v63  }
0x5b: {  	_ = 	snop  }
0x5c: {  	[spmem:s4] =	stream.indirect.scatter.add.f32 [tilespmem:s5], [sflag:$0x3], $0x10, s8, s23, $0xb8;
	[tilespmem:$0x1C580] =	vst v63  }
0x5d: {  	_ =	swait.ge [sflag:s1], $0x2000  }
0x5e: {  	[sflag:s1] =	ssyncset.done $0x0  }
0x5f: {  	[sflag:s1] =	ssyncadd.s32 $0xFFFFE000  }
0x60: {  	_ =	swait.ge [sflag:s6], $0x800  }
0x61: {  	[sflag:s6] =	ssyncset.done $0x0  }
0x62: {  	s25 =	simm.s32 $0xA80;
	[sflag:s6] =	ssyncadd.s32 $0xFFFFF800  }
0x63: {  	[tilespmem:s26], [sflag:$0x1] =	stream.indirect.gather [hbm4b:s0+s23], $0x40, s25, s23, $0xb8;
	[tilespmem:$0x1C580] =	vst v63  }
0x64: {  	_ =	swait.ge [sflag:s28], $0x2000  }
0x65: {  	[sflag:s28] =	ssyncset.done $0x0  }
0x66: {  	s16 =	simm.s32 $0x5A00;
	[sflag:s28] =	ssyncadd.s32 $0xFFFFE000  }
0x67: {  	[spmem:s3] =	stream.indirect.scatter.add.f32 [tilespmem:s24], [sflag:$0x2], $0x40, s16, s23, $0xb8;
	[tilespmem:$0x1C580] =	vst v63  }
0x68: {  	_ = 	snop  }
0x69: {  	[spmem:s4] =	stream.indirect.scatter.add.f32 [tilespmem:s5], [sflag:$0x3], $0x10, s16, s23, $0xb8;
	[tilespmem:$0x1C580] =	vst v63  }
0x6a: {  	_ =	swait.ge [sflag:s1], $0x2000  }
0x6b: {  	[sflag:s1] =	ssyncset.done $0x0  }
0x6c: {  	[sflag:s1] =	ssyncadd.s32 $0xFFFFE000  }
0x6d: {  	_ =	swait.ge [sflag:s6], $0x800  }
0x6e: {  	[sflag:s6] =	ssyncset.done $0x0  }
0x6f: {  	s13 =	simm.s32 $0xB00;
	[sflag:s6] =	ssyncadd.s32 $0xFFFFF800  }
0x70: {  	[tilespmem:s30], [sflag:$0x1] =	stream.indirect.gather [hbm4b:s0+s23], $0x40, s13, s23, $0xb8;
	[tilespmem:$0x1C580] =	vst v63  }
0x71: {  	_ =	swait.ge [sflag:s28], $0x2000  }
0x72: {  	[sflag:s28] =	ssyncset.done $0x0  }
0x73: {  	s25 =	simm.s32 $0x5A80;
	[sflag:s28] =	ssyncadd.s32 $0xFFFFE000  }
0x74: {  	[spmem:s3] =	stream.indirect.scatter.add.f32 [tilespmem:s26], [sflag:$0x2], $0x40, s25, s23, $0xb8;
	[tilespmem:$0x1C580] =	vst v63  }
0x75: {  	_ = 	snop  }
0x76: {  	[spmem:s4] =	stream.indirect.scatter.add.f32 [tilespmem:s5], [sflag:$0x3], $0x10, s25, s23, $0xb8;
	[tilespmem:$0x1C580] =	vst v63  }
0x77: {  	_ =	swait.ge [sflag:s1], $0x2000  }
0x78: {  	[sflag:s1] =	ssyncset.done $0x0  }
0x79: {  	[sflag:s1] =	ssyncadd.s32 $0xFFFFE000  }
0x7a: {  	_ =	swait.ge [sflag:s6], $0x800  }
0x7b: {  	[sflag:s6] =	ssyncset.done $0x0  }
0x7c: {  	s13 =	simm.s32 $0xB80;
	[sflag:s6] =	ssyncadd.s32 $0xFFFFF800  }
0x7d: {  	[tilespmem:s2], [sflag:$0x1] =	stream.indirect.gather [hbm4b:s0+s23], $0x40, s13, s23, $0xb8;
	[tilespmem:$0x1C580] =	vst v63  }
0x7e: {  	_ =	swait.ge [sflag:s28], $0x2000  }
0x7f: {  	[sflag:s28] =	ssyncset.done $0x0  }
0x80: {  	s25 =	simm.s32 $0x5B00;
	[sflag:s28] =	ssyncadd.s32 $0xFFFFE000  }
0x81: {  	[spmem:s3] =	stream.indirect.scatter.add.f32 [tilespmem:s30], [sflag:$0x2], $0x40, s25, s23, $0xb8;
	[tilespmem:$0x1C580] =	vst v63  }
0x82: {  	_ = 	snop  }
0x83: {  	[spmem:s4] =	stream.indirect.scatter.add.f32 [tilespmem:s5], [sflag:$0x3], $0x10, s25, s23, $0xb8;
	[tilespmem:$0x1C580] =	vst v63  }
0x84: {  	_ =	swait.ge [sflag:s1], $0x2000  }
0x85: {  	[sflag:s1] =	ssyncset.done $0x0  }
0x86: {  	[sflag:s1] =	ssyncadd.s32 $0xFFFFE000  }
0x87: {  	_ =	swait.ge [sflag:s6], $0x800  }
0x88: {  	[sflag:s6] =	ssyncset.done $0x0  }
0x89: {  	s13 =	simm.s32 $0xC00;
	[sflag:s6] =	ssyncadd.s32 $0xFFFFF800  }
0x8a: {  	[tilespmem:s24], [sflag:$0x1] =	stream.indirect.gather [hbm4b:s0+s23], $0x40, s13, s23, $0xb8;
	[tilespmem:$0x1C580] =	vst v63  }
0x8b: {  	_ =	swait.ge [sflag:s28], $0x2000  }
0x8c: {  	[sflag:s28] =	ssyncset.done $0x0  }
0x8d: {  	s25 =	simm.s32 $0x5B80;
	[sflag:s28] =	ssyncadd.s32 $0xFFFFE000  }
0x8e: {  	[spmem:s3] =	stream.indirect.scatter.add.f32 [tilespmem:s2], [sflag:$0x2], $0x40, s25, s23, $0xb8;
	[tilespmem:$0x1C580] =	vst v63  }
0x8f: {  	_ = 	snop  }
0x90: {  	[spmem:s4] =	stream.indirect.scatter.add.f32 [tilespmem:s5], [sflag:$0x3], $0x10, s25, s23, $0xb8;
	[tilespmem:$0x1C580] =	vst v63  }
0x91: {  	_ =	swait.ge [sflag:s1], $0x2000  }
0x92: {  	[sflag:s1] =	ssyncset.done $0x0  }
0x93: {  	[sflag:s1] =	ssyncadd.s32 $0xFFFFE000  }
0x94: {  	_ =	swait.ge [sflag:s6], $0x800  }
0x95: {  	[sflag:s6] =	ssyncset.done $0x0  }
0x96: {  	s16 =	simm.s32 $0x800;
	s25 =	simm.s32 $0xC80;
	[sflag:s6] =	ssyncadd.s32 $0xFFFFF800  }
.LBB2_2:
0x97: {  	[tilespmem:s26], [sflag:$0x1] =	stream.indirect.gather [hbm4b:s0+s23], $0x40, s25, s23, $0xb8;
	[tilespmem:$0x1C580] =	vst v63  }
0x98: {  	s25 =	smov.u32 s16  }
0x99: {  	p0 =	sne.s32 s16, $0x8800;
	s16 =	sadd.s32 $0x800, s16;
	_ =	swait.ge [sflag:s28], $0x2000  }
0x9a: {  	s25 =	sshra.s32 s25, $0x2;
	[sflag:s28] =	ssyncset.done $0x0  }
0x9b: {  	s13 =	sadd.s32 $0x5A00, s25;
	[sflag:s28] =	ssyncadd.s32 $0xFFFFE000  }
0x9c: {  	[spmem:s3] =	stream.indirect.scatter.add.f32 [tilespmem:s24], [sflag:$0x2], $0x40, s13, s23, $0xb8;
	[tilespmem:$0x1C580] =	vst v63  }
0x9d: {  	_ = 	snop  }
0x9e: {  	[spmem:s4] =	stream.indirect.scatter.add.f32 [tilespmem:s5], [sflag:$0x3], $0x10, s13, s23, $0xb8;
	[tilespmem:$0x1C580] =	vst v63  }
0x9f: {  	_ =	swait.ge [sflag:s1], $0x2000  }
0xa0: {  	[sflag:s1] =	ssyncset.done $0x0  }
0xa1: {  	[sflag:s1] =	ssyncadd.s32 $0xFFFFE000  }
0xa2: {  	_ =	swait.ge [sflag:s6], $0x800  }
0xa3: {  	[sflag:s6] =	ssyncset.done $0x0  }
0xa4: {  	s13 =	sadd.s32 $0xB00, s25;
	[sflag:s6] =	ssyncadd.s32 $0xFFFFF800  }
0xa5: {  	[tilespmem:s30], [sflag:$0x1] =	stream.indirect.gather [hbm4b:s0+s23], $0x40, s13, s23, $0xb8;
	[tilespmem:$0x1C580] =	vst v63  }
0xa6: {  	_ =	swait.ge [sflag:s28], $0x2000  }
0xa7: {  	[sflag:s28] =	ssyncset.done $0x0  }
0xa8: {  	s13 =	sadd.s32 $0x5A80, s25;
	[sflag:s28] =	ssyncadd.s32 $0xFFFFE000  }
0xa9: {  	[spmem:s3] =	stream.indirect.scatter.add.f32 [tilespmem:s26], [sflag:$0x2], $0x40, s13, s23, $0xb8;
	[tilespmem:$0x1C580] =	vst v63  }
0xaa: {  	_ = 	snop  }
0xab: {  	[spmem:s4] =	stream.indirect.scatter.add.f32 [tilespmem:s5], [sflag:$0x3], $0x10, s13, s23, $0xb8;
	[tilespmem:$0x1C580] =	vst v63  }
0xac: {  	_ =	swait.ge [sflag:s1], $0x2000  }
0xad: {  	[sflag:s1] =	ssyncset.done $0x0  }
0xae: {  	[sflag:s1] =	ssyncadd.s32 $0xFFFFE000  }
0xaf: {  	_ =	swait.ge [sflag:s6], $0x800  }
0xb0: {  	[sflag:s6] =	ssyncset.done $0x0  }
0xb1: {  	s13 =	sadd.s32 $0xB80, s25;
	[sflag:s6] =	ssyncadd.s32 $0xFFFFF800  }
0xb2: {  	[tilespmem:s2], [sflag:$0x1] =	stream.indirect.gather [hbm4b:s0+s23], $0x40, s13, s23, $0xb8;
	[tilespmem:$0x1C580] =	vst v63  }
0xb3: {  	_ =	swait.ge [sflag:s28], $0x2000  }
0xb4: {  	[sflag:s28] =	ssyncset.done $0x0  }
0xb5: {  	s13 =	sadd.s32 $0x5B00, s25;
	[sflag:s28] =	ssyncadd.s32 $0xFFFFE000  }
0xb6: {  	[spmem:s3] =	stream.indirect.scatter.add.f32 [tilespmem:s30], [sflag:$0x2], $0x40, s13, s23, $0xb8;
	[tilespmem:$0x1C580] =	vst v63  }
0xb7: {  	_ = 	snop  }
0xb8: {  	[spmem:s4] =	stream.indirect.scatter.add.f32 [tilespmem:s5], [sflag:$0x3], $0x10, s13, s23, $0xb8;
	[tilespmem:$0x1C580] =	vst v63  }
0xb9: {  	_ =	swait.ge [sflag:s1], $0x2000  }
0xba: {  	[sflag:s1] =	ssyncset.done $0x0  }
0xbb: {  	[sflag:s1] =	ssyncadd.s32 $0xFFFFE000  }
0xbc: {  	_ =	swait.ge [sflag:s6], $0x800  }
0xbd: {  	[sflag:s6] =	ssyncset.done $0x0  }
0xbe: {  	s13 =	sadd.s32 $0xC00, s25;
	[sflag:s6] =	ssyncadd.s32 $0xFFFFF800  }
0xbf: {  	[tilespmem:s24], [sflag:$0x1] =	stream.indirect.gather [hbm4b:s0+s23], $0x40, s13, s23, $0xb8;
	[tilespmem:$0x1C580] =	vst v63  }
0xc0: {  	_ =	swait.ge [sflag:s28], $0x2000  }
0xc1: {  	[sflag:s28] =	ssyncset.done $0x0  }
0xc2: {  	s13 =	sadd.s32 $0x5B80, s25;
	[sflag:s28] =	ssyncadd.s32 $0xFFFFE000  }
0xc3: {  	[spmem:s3] =	stream.indirect.scatter.add.f32 [tilespmem:s2], [sflag:$0x2], $0x40, s13, s23, $0xb8;
	[tilespmem:$0x1C580] =	vst v63  }
0xc4: {  	_ = 	snop  }
0xc5: {  	[spmem:s4] =	stream.indirect.scatter.add.f32 [tilespmem:s5], [sflag:$0x3], $0x10, s13, s23, $0xb8;
	[tilespmem:$0x1C580] =	vst v63  }
0xc6: {  	_ =	swait.ge [sflag:s1], $0x2000  }
.Ltmp0:
0xc7: {  	[sflag:s1] =	ssyncset.done $0x0;
	(pc) =	sbr.rel @p0 .LBB2_2-.Ltmp0, $4  }
0xc8: {  	[sflag:s1] =	ssyncadd.s32 $0xFFFFE000  }
0xc9: {  	_ =	swait.ge [sflag:s6], $0x800  }
0xca: {  	[sflag:s6] =	ssyncset.done $0x0  }
0xcb: {  	s25 =	sadd.s32 $0xC80, s25;
	[sflag:s6] =	ssyncadd.s32 $0xFFFFF800  }
0xcc: {  	[tilespmem:s26], [sflag:$0x1] =	stream.indirect.gather [hbm4b:s0+s23], $0x40, s25, s23, $0xb8;
	[tilespmem:$0x1C580] =	vst v63  }
0xcd: {  	_ =	swait.ge [sflag:s28], $0x2000  }
0xce: {  	[sflag:s28] =	ssyncset.done $0x0  }
0xcf: {  	[sflag:s28] =	ssyncadd.s32 $0xFFFFE000  }
0xd0: {  	[spmem:s3] =	stream.indirect.scatter.add.f32 [tilespmem:s24], [sflag:$0x2], $0x40, s9, s23, $0xb8;
	[tilespmem:$0x1C580] =	vst v63  }
0xd1: {  	s13 =	simm.s32 $0x0  }
0xd2: {  	[spmem:s4] =	stream.indirect.scatter.add.f32 [tilespmem:s13], [sflag:$0x3], $0x10, s9, s23, $0xb8;
	[tilespmem:$0x1C580] =	vst v63  }
0xd3: {  	_ =	swait.ge [sflag:s1], $0x2000  }
0xd4: {  	[sflag:s1] =	ssyncset.done $0x0  }
0xd5: {  	[sflag:s1] =	ssyncadd.s32 $0xFFFFE000  }
0xd6: {  	_ =	swait.ge [sflag:s6], $0x800  }
0xd7: {  	[sflag:s6] =	ssyncset.done $0x0  }
0xd8: {  	s16 =	simm.s32 $0x2F00;
	[sflag:s6] =	ssyncadd.s32 $0xFFFFF800  }
0xd9: {  	[tilespmem:s30], [sflag:$0x1] =	stream.indirect.gather [hbm4b:s0+s23], $0x40, s16, s23, $0xb8;
	[tilespmem:$0x1C580] =	vst v63  }
0xda: {  	_ =	swait.ge [sflag:s28], $0x2000  }
0xdb: {  	[sflag:s28] =	ssyncset.done $0x0  }
0xdc: {  	[sflag:s28] =	ssyncadd.s32 $0xFFFFE000  }
0xdd: {  	[spmem:s3] =	stream.indirect.scatter.add.f32 [tilespmem:s26], [sflag:$0x2], $0x40, s10, s23, $0xb8;
	[tilespmem:$0x1C580] =	vst v63  }
0xde: {  	_ = 	snop  }
0xdf: {  	[spmem:s4] =	stream.indirect.scatter.add.f32 [tilespmem:s13], [sflag:$0x3], $0x10, s10, s23, $0xb8;
	[tilespmem:$0x1C580] =	vst v63  }
0xe0: {  	_ =	swait.ge [sflag:s1], $0x2000  }
0xe1: {  	[sflag:s1] =	ssyncset.done $0x0  }
0xe2: {  	[sflag:s1] =	ssyncadd.s32 $0xFFFFE000  }
0xe3: {  	_ =	swait.ge [sflag:s6], $0x800  }
0xe4: {  	[sflag:s6] =	ssyncset.done $0x0  }
0xe5: {  	s25 =	simm.s32 $0x2F80;
	[sflag:s6] =	ssyncadd.s32 $0xFFFFF800  }
0xe6: {  	[tilespmem:s2], [sflag:$0x1] =	stream.indirect.gather [hbm4b:s0+s23], $0x40, s25, s23, $0xb8;
	[tilespmem:$0x1C580] =	vst v63  }
0xe7: {  	_ =	swait.ge [sflag:s28], $0x2000  }
0xe8: {  	[sflag:s28] =	ssyncset.done $0x0  }
0xe9: {  	[sflag:s28] =	ssyncadd.s32 $0xFFFFE000  }
0xea: {  	[spmem:s3] =	stream.indirect.scatter.add.f32 [tilespmem:s30], [sflag:$0x2], $0x40, s11, s23, $0xb8;
	[tilespmem:$0x1C580] =	vst v63  }
0xeb: {  	_ = 	snop  }
0xec: {  	[spmem:s4] =	stream.indirect.scatter.add.f32 [tilespmem:s13], [sflag:$0x3], $0x10, s11, s23, $0xb8;
	[tilespmem:$0x1C580] =	vst v63  }
0xed: {  	_ =	swait.ge [sflag:s1], $0x2000  }
0xee: {  	[sflag:s1] =	ssyncset.done $0x0  }
0xef: {  	[sflag:s1] =	ssyncadd.s32 $0xFFFFE000  }
0xf0: {  	_ =	swait.ge [sflag:s6], $0x800  }
0xf1: {  	[sflag:s6] =	ssyncset.done $0x0  }
0xf2: {  	[sflag:s6] =	ssyncadd.s32 $0xFFFFF800  }
0xf3: {  	[tilespmem:s24], [sflag:$0x1] =	stream.indirect.gather [hbm4b:s0+s23], $0x40, s18, s23, $0xb8;
	[tilespmem:$0x1C580] =	vst v63  }
0xf4: {  	_ =	swait.ge [sflag:s28], $0x2000  }
0xf5: {  	[sflag:s28] =	ssyncset.done $0x0  }
0xf6: {  	[sflag:s28] =	ssyncadd.s32 $0xFFFFE000  }
0xf7: {  	[spmem:s3] =	stream.indirect.scatter.add.f32 [tilespmem:s2], [sflag:$0x2], $0x40, s12, s23, $0xb8;
	[tilespmem:$0x1C580] =	vst v63  }
0xf8: {  	_ = 	snop  }
0xf9: {  	[spmem:s4] =	stream.indirect.scatter.add.f32 [tilespmem:s13], [sflag:$0x3], $0x10, s12, s23, $0xb8;
	[tilespmem:$0x1C580] =	vst v63  }
0xfa: {  	_ =	swait.ge [sflag:s1], $0x2000  }
0xfb: {  	[sflag:s1] =	ssyncset.done $0x0  }
0xfc: {  	[sflag:s1] =	ssyncadd.s32 $0xFFFFE000  }
0xfd: {  	_ =	swait.ge [sflag:s6], $0x800  }
0xfe: {  	[sflag:s6] =	ssyncset.done $0x0  }
0xff: {  	s25 =	simm.s32 $0x880;
	[sflag:s6] =	ssyncadd.s32 $0xFFFFF800  }
0x100: {  	[tilespmem:s26], [sflag:$0x1] =	stream.indirect.gather [hbm4b:s0+s23], $0x40, s25, s23, $0xb8;
	[tilespmem:$0x1C580] =	vst v63  }
0x101: {  	_ =	swait.ge [sflag:s1], $0x2000  }
0x102: {  	[sflag:s1] =	ssyncset.done $0x0  }
0x103: {  	[sflag:s1] =	ssyncadd.s32 $0xFFFFE000  }
0x104: {  	_ =	swait.ge [sflag:s6], $0x800  }
0x105: {  	[sflag:s6] =	ssyncset.done $0x0  }
0x106: {  	[sflag:s6] =	ssyncadd.s32 $0xFFFFF800  }
0x107: {  	_ =	swait.ge [sflag:s28], $0x2000  }
0x108: {  	[sflag:s28] =	ssyncset.done $0x0  }
0x109: {  	[sflag:s28] =	ssyncadd.s32 $0xFFFFE000  }
0x10a: {  	_ =	swait.ge [sflag:s1], $0x2000  }
0x10b: {  	[sflag:s1] =	ssyncset.done $0x0  }
0x10c: {  	[sflag:s1] =	ssyncadd.s32 $0xFFFFE000  }
0x10d: {  	_ =	swait.ge [sflag:s6], $0x800  }
0x10e: {  	[sflag:s6] =	ssyncset.done $0x0  }
0x10f: {  	[sflag:s6] =	ssyncadd.s32 $0xFFFFF800  }
0x110: {  	_ =	swait.ge [sflag:s28], $0x2000  }
0x111: {  	[sflag:s28] =	ssyncset.done $0x0  }
0x112: {  	[sflag:s28] =	ssyncadd.s32 $0xFFFFE000  }
0x113: {  	[bflag:$0x0] =	sbarrier.arrive $0xFFFF  }
0x114: {  	s16 =	rddreg [dreg:$0xd]  }
0x115: {  	[hbm:s16], [sflag:s21] =	dma.local [spmem:s22], $0x13C0  }
0x116: {  	_ =	swait.ge [sflag:s17], $0x13C0  }
0x117: {  	[sflag:s17] =	ssyncset.done $0x0  }
0x118: {  	s16 =	rddreg [dreg:$0xe];
	[sflag:s17] =	ssyncadd.s32 $0xFFFFEC40  }
0x119: {  	[hbm:s16], [sflag:s21] =	dma.local [spmem:s15], $0x4F0  }
0x11a: {  	_ =	swait.ge [sflag:s17], $0x4F0  }
0x11b: {  	[sflag:s17] =	ssyncset.done $0x0  }
0x11c: {  	[sflag:s17] =	ssyncadd.s32 $0xFFFFFB10  }
0x11d: {  	[spmem:s22], [sflag:s21] =	dma.local [hbm:s7], $0x13C0  }
0x11e: {  	_ =	swait.ge [sflag:s17], $0x13C0  }
0x11f: {  	[sflag:s17] =	ssyncset.done $0x0  }
0x120: {  	[sflag:s17] =	ssyncadd.s32 $0xFFFFEC40  }
0x121: {  	[bflag:$0x0] =	sbarrier.arrive $0xFFFF  }
0x122: {  	[tilespmem:s24], [sflag:$0x1] =	stream.indirect.gather [hbm4b:s0+s23], $0x40, s19, s23, $0xb8;
	[tilespmem:$0x1C580] =	vst v63  }
0x123: {  	s15 =	simm.s32 $0x3080  }
0x124: {  	[tilespmem:s26], [sflag:$0x1] =	stream.indirect.gather [hbm4b:s0+s23], $0x40, s15, s23, $0xb8;
	[tilespmem:$0x1C580] =	vst v63  }
0x125: {  	_ =	swait.ge [sflag:s28], $0x2000  }
0x126: {  	[sflag:s28] =	ssyncset.done $0x0  }
0x127: {  	[sflag:s28] =	ssyncadd.s32 $0xFFFFE000  }
0x128: {  	[spmem:s3] =	stream.indirect.scatter.add.f32 [tilespmem:s24], [sflag:$0x2], $0x40, s20, s23, $0xb8;
	[tilespmem:$0x1C580] =	vst v63  }
0x129: {  	s16 =	simm.s32 $0x3100  }
0x12a: {  	[tilespmem:s30], [sflag:$0x1] =	stream.indirect.gather [hbm4b:s0+s23], $0x40, s16, s23, $0xb8;
	[tilespmem:$0x1C580] =	vst v63  }
0x12b: {  	_ =	swait.ge [sflag:s28], $0x2000  }
0x12c: {  	[sflag:s28] =	ssyncset.done $0x0  }
0x12d: {  	[sflag:s28] =	ssyncadd.s32 $0xFFFFE000  }
0x12e: {  	[spmem:s3] =	stream.indirect.scatter.add.f32 [tilespmem:s26], [sflag:$0x2], $0x40, s31, s23, $0xb8;
	[tilespmem:$0x1C580] =	vst v63  }
0x12f: {  	s15 =	simm.s32 $0x3180  }
0x130: {  	[tilespmem:s2], [sflag:$0x1] =	stream.indirect.gather [hbm4b:s0+s23], $0x40, s15, s23, $0xb8;
	[tilespmem:$0x1C580] =	vst v63  }
0x131: {  	_ =	swait.ge [sflag:s28], $0x2000  }
0x132: {  	[sflag:s28] =	ssyncset.done $0x0  }
0x133: {  	[sflag:s28] =	ssyncadd.s32 $0xFFFFE000  }
0x134: {  	[spmem:s3] =	stream.indirect.scatter.add.f32 [tilespmem:s30], [sflag:$0x2], $0x40, s29, s23, $0xb8;
	[tilespmem:$0x1C580] =	vst v63  }
0x135: {  	_ =	swait.ge [sflag:s1], $0x2000  }
0x136: {  	[sflag:s1] =	ssyncset.done $0x0  }
0x137: {  	s16 =	simm.s32 $0x3200;
	[sflag:s1] =	ssyncadd.s32 $0xFFFFE000  }
0x138: {  	[tilespmem:s24], [sflag:$0x1] =	stream.indirect.gather [hbm4b:s0+s23], $0x40, s16, s23, $0xb8;
	[tilespmem:$0x1C580] =	vst v63  }
0x139: {  	_ =	swait.ge [sflag:s28], $0x2000  }
0x13a: {  	[sflag:s28] =	ssyncset.done $0x0  }
0x13b: {  	[sflag:s28] =	ssyncadd.s32 $0xFFFFE000  }
0x13c: {  	[spmem:s3] =	stream.indirect.scatter.add.f32 [tilespmem:s2], [sflag:$0x2], $0x40, s8, s23, $0xb8;
	[tilespmem:$0x1C580] =	vst v63  }
0x13d: {  	_ =	swait.ge [sflag:s1], $0x2000  }
0x13e: {  	[sflag:s1] =	ssyncset.done $0x0  }
0x13f: {  	s15 =	simm.s32 $0x3280;
	[sflag:s1] =	ssyncadd.s32 $0xFFFFE000  }
0x140: {  	[tilespmem:s26], [sflag:$0x1] =	stream.indirect.gather [hbm4b:s0+s23], $0x40, s15, s23, $0xb8;
	[tilespmem:$0x1C580] =	vst v63  }
0x141: {  	_ =	swait.ge [sflag:s28], $0x2000  }
0x142: {  	[sflag:s28] =	ssyncset.done $0x0  }
0x143: {  	s16 =	simm.s32 $0x5A00;
	[sflag:s28] =	ssyncadd.s32 $0xFFFFE000  }
0x144: {  	[spmem:s3] =	stream.indirect.scatter.add.f32 [tilespmem:s24], [sflag:$0x2], $0x40, s16, s23, $0xb8;
	[tilespmem:$0x1C580] =	vst v63  }
0x145: {  	_ =	swait.ge [sflag:s1], $0x2000  }
0x146: {  	[sflag:s1] =	ssyncset.done $0x0  }
0x147: {  	s15 =	simm.s32 $0x3300;
	[sflag:s1] =	ssyncadd.s32 $0xFFFFE000  }
0x148: {  	[tilespmem:s30], [sflag:$0x1] =	stream.indirect.gather [hbm4b:s0+s23], $0x40, s15, s23, $0xb8;
	[tilespmem:$0x1C580] =	vst v63  }
0x149: {  	_ =	swait.ge [sflag:s28], $0x2000  }
0x14a: {  	[sflag:s28] =	ssyncset.done $0x0  }
0x14b: {  	s16 =	simm.s32 $0x5A80;
	[sflag:s28] =	ssyncadd.s32 $0xFFFFE000  }
0x14c: {  	[spmem:s3] =	stream.indirect.scatter.add.f32 [tilespmem:s26], [sflag:$0x2], $0x40, s16, s23, $0xb8;
	[tilespmem:$0x1C580] =	vst v63  }
0x14d: {  	_ =	swait.ge [sflag:s1], $0x2000  }
0x14e: {  	[sflag:s1] =	ssyncset.done $0x0  }
0x14f: {  	s15 =	simm.s32 $0x3380;
	[sflag:s1] =	ssyncadd.s32 $0xFFFFE000  }
0x150: {  	[tilespmem:s2], [sflag:$0x1] =	stream.indirect.gather [hbm4b:s0+s23], $0x40, s15, s23, $0xb8;
	[tilespmem:$0x1C580] =	vst v63  }
0x151: {  	_ =	swait.ge [sflag:s28], $0x2000  }
0x152: {  	[sflag:s28] =	ssyncset.done $0x0  }
0x153: {  	s16 =	simm.s32 $0x5B00;
	[sflag:s28] =	ssyncadd.s32 $0xFFFFE000  }
0x154: {  	[spmem:s3] =	stream.indirect.scatter.add.f32 [tilespmem:s30], [sflag:$0x2], $0x40, s16, s23, $0xb8;
	[tilespmem:$0x1C580] =	vst v63  }
0x155: {  	_ =	swait.ge [sflag:s1], $0x2000  }
0x156: {  	[sflag:s1] =	ssyncset.done $0x0  }
0x157: {  	s15 =	simm.s32 $0x3400;
	[sflag:s1] =	ssyncadd.s32 $0xFFFFE000  }
0x158: {  	[tilespmem:s24], [sflag:$0x1] =	stream.indirect.gather [hbm4b:s0+s23], $0x40, s15, s23, $0xb8;
	[tilespmem:$0x1C580] =	vst v63  }
0x159: {  	_ =	swait.ge [sflag:s28], $0x2000  }
0x15a: {  	[sflag:s28] =	ssyncset.done $0x0  }
0x15b: {  	s16 =	simm.s32 $0x5B80;
	[sflag:s28] =	ssyncadd.s32 $0xFFFFE000  }
0x15c: {  	[spmem:s3] =	stream.indirect.scatter.add.f32 [tilespmem:s2], [sflag:$0x2], $0x40, s16, s23, $0xb8;
	[tilespmem:$0x1C580] =	vst v63  }
0x15d: {  	_ =	swait.ge [sflag:s1], $0x2000  }
0x15e: {  	[sflag:s1] =	ssyncset.done $0x0  }
0x15f: {  	s15 =	simm.s32 $0x800;
	s16 =	simm.s32 $0x3480;
	[sflag:s1] =	ssyncadd.s32 $0xFFFFE000  }
.LBB2_4:
0x160: {  	[tilespmem:s26], [sflag:$0x1] =	stream.indirect.gather [hbm4b:s0+s23], $0x40, s16, s23, $0xb8;
	[tilespmem:$0x1C580] =	vst v63  }
0x161: {  	s13 =	smov.u32 s15  }
0x162: {  	p0 =	sne.s32 s15, $0x8800;
	s15 =	sadd.s32 $0x800, s15;
	_ =	swait.ge [sflag:s28], $0x2000  }
0x163: {  	s16 =	sshra.s32 s13, $0x2;
	[sflag:s28] =	ssyncset.done $0x0  }
0x164: {  	s13 =	sadd.s32 $0x5A00, s16;
	[sflag:s28] =	ssyncadd.s32 $0xFFFFE000  }
0x165: {  	[spmem:s3] =	stream.indirect.scatter.add.f32 [tilespmem:s24], [sflag:$0x2], $0x40, s13, s23, $0xb8;
	[tilespmem:$0x1C580] =	vst v63  }
0x166: {  	_ =	swait.ge [sflag:s1], $0x2000  }
0x167: {  	[sflag:s1] =	ssyncset.done $0x0  }
0x168: {  	s13 =	sadd.s32 $0x3300, s16;
	[sflag:s1] =	ssyncadd.s32 $0xFFFFE000  }
0x169: {  	[tilespmem:s30], [sflag:$0x1] =	stream.indirect.gather [hbm4b:s0+s23], $0x40, s13, s23, $0xb8;
	[tilespmem:$0x1C580] =	vst v63  }
0x16a: {  	_ =	swait.ge [sflag:s28], $0x2000  }
0x16b: {  	[sflag:s28] =	ssyncset.done $0x0  }
0x16c: {  	s13 =	sadd.s32 $0x5A80, s16;
	[sflag:s28] =	ssyncadd.s32 $0xFFFFE000  }
0x16d: {  	[spmem:s3] =	stream.indirect.scatter.add.f32 [tilespmem:s26], [sflag:$0x2], $0x40, s13, s23, $0xb8;
	[tilespmem:$0x1C580] =	vst v63  }
0x16e: {  	_ =	swait.ge [sflag:s1], $0x2000  }
0x16f: {  	[sflag:s1] =	ssyncset.done $0x0  }
0x170: {  	s13 =	sadd.s32 $0x3380, s16;
	[sflag:s1] =	ssyncadd.s32 $0xFFFFE000  }
0x171: {  	[tilespmem:s2], [sflag:$0x1] =	stream.indirect.gather [hbm4b:s0+s23], $0x40, s13, s23, $0xb8;
	[tilespmem:$0x1C580] =	vst v63  }
0x172: {  	_ =	swait.ge [sflag:s28], $0x2000  }
0x173: {  	[sflag:s28] =	ssyncset.done $0x0  }
0x174: {  	s13 =	sadd.s32 $0x5B00, s16;
	[sflag:s28] =	ssyncadd.s32 $0xFFFFE000  }
0x175: {  	[spmem:s3] =	stream.indirect.scatter.add.f32 [tilespmem:s30], [sflag:$0x2], $0x40, s13, s23, $0xb8;
	[tilespmem:$0x1C580] =	vst v63  }
0x176: {  	_ =	swait.ge [sflag:s1], $0x2000  }
0x177: {  	[sflag:s1] =	ssyncset.done $0x0  }
0x178: {  	s13 =	sadd.s32 $0x3400, s16;
	[sflag:s1] =	ssyncadd.s32 $0xFFFFE000  }
0x179: {  	[tilespmem:s24], [sflag:$0x1] =	stream.indirect.gather [hbm4b:s0+s23], $0x40, s13, s23, $0xb8;
	[tilespmem:$0x1C580] =	vst v63  }
0x17a: {  	_ =	swait.ge [sflag:s28], $0x2000  }
0x17b: {  	[sflag:s28] =	ssyncset.done $0x0  }
.Ltmp1:
0x17c: {  	s13 =	sadd.s32 $0x5B80, s16;
	[sflag:s28] =	ssyncadd.s32 $0xFFFFE000;
	(pc) =	sbr.rel @p0 .LBB2_4-.Ltmp1, $4  }
0x17d: {  	[spmem:s3] =	stream.indirect.scatter.add.f32 [tilespmem:s2], [sflag:$0x2], $0x40, s13, s23, $0xb8;
	[tilespmem:$0x1C580] =	vst v63  }
0x17e: {  	_ =	swait.ge [sflag:s1], $0x2000  }
0x17f: {  	[sflag:s1] =	ssyncset.done $0x0  }
0x180: {  	s16 =	sadd.s32 $0x3480, s16;
	[sflag:s1] =	ssyncadd.s32 $0xFFFFE000  }
0x181: {  	[tilespmem:s26], [sflag:$0x1] =	stream.indirect.gather [hbm4b:s0+s23], $0x40, s16, s23, $0xb8;
	[tilespmem:$0x1C580] =	vst v63  }
0x182: {  	_ =	swait.ge [sflag:s28], $0x2000  }
0x183: {  	[sflag:s28] =	ssyncset.done $0x0  }
0x184: {  	[sflag:s28] =	ssyncadd.s32 $0xFFFFE000  }
0x185: {  	[spmem:s3] =	stream.indirect.scatter.add.f32 [tilespmem:s24], [sflag:$0x2], $0x40, s9, s23, $0xb8;
	[tilespmem:$0x1C580] =	vst v63  }
0x186: {  	_ =	swait.ge [sflag:s1], $0x2000  }
0x187: {  	[sflag:s1] =	ssyncset.done $0x0  }
0x188: {  	s13 =	simm.s32 $0x5700;
	[sflag:s1] =	ssyncadd.s32 $0xFFFFE000  }
0x189: {  	[tilespmem:s30], [sflag:$0x1] =	stream.indirect.gather [hbm4b:s0+s23], $0x40, s13, s23, $0xb8;
	[tilespmem:$0x1C580] =	vst v63  }
0x18a: {  	_ =	swait.ge [sflag:s28], $0x2000  }
0x18b: {  	[sflag:s28] =	ssyncset.done $0x0  }
0x18c: {  	[sflag:s28] =	ssyncadd.s32 $0xFFFFE000  }
0x18d: {  	[spmem:s3] =	stream.indirect.scatter.add.f32 [tilespmem:s26], [sflag:$0x2], $0x40, s10, s23, $0xb8;
	[tilespmem:$0x1C580] =	vst v63  }
0x18e: {  	_ =	swait.ge [sflag:s1], $0x2000  }
0x18f: {  	[sflag:s1] =	ssyncset.done $0x0  }
0x190: {  	s15 =	simm.s32 $0x5780;
	[sflag:s1] =	ssyncadd.s32 $0xFFFFE000  }
0x191: {  	[tilespmem:s2], [sflag:$0x1] =	stream.indirect.gather [hbm4b:s0+s23], $0x40, s15, s23, $0xb8;
	[tilespmem:$0x1C580] =	vst v63  }
0x192: {  	_ =	swait.ge [sflag:s28], $0x2000  }
0x193: {  	[sflag:s28] =	ssyncset.done $0x0  }
0x194: {  	[sflag:s28] =	ssyncadd.s32 $0xFFFFE000  }
0x195: {  	[spmem:s3] =	stream.indirect.scatter.add.f32 [tilespmem:s30], [sflag:$0x2], $0x40, s11, s23, $0xb8;
	[tilespmem:$0x1C580] =	vst v63  }
0x196: {  	_ =	swait.ge [sflag:s1], $0x2000  }
0x197: {  	[sflag:s1] =	ssyncset.done $0x0  }
0x198: {  	[sflag:s1] =	ssyncadd.s32 $0xFFFFE000  }
0x199: {  	[tilespmem:s24], [sflag:$0x1] =	stream.indirect.gather [hbm4b:s0+s23], $0x40, s19, s23, $0xb8;
	[tilespmem:$0x1C580] =	vst v63  }
0x19a: {  	_ =	swait.ge [sflag:s28], $0x2000  }
0x19b: {  	[sflag:s28] =	ssyncset.done $0x0  }
0x19c: {  	[sflag:s28] =	ssyncadd.s32 $0xFFFFE000  }
0x19d: {  	[spmem:s3] =	stream.indirect.scatter.add.f32 [tilespmem:s2], [sflag:$0x2], $0x40, s12, s23, $0xb8;
	[tilespmem:$0x1C580] =	vst v63  }
0x19e: {  	_ =	swait.ge [sflag:s1], $0x2000  }
0x19f: {  	[sflag:s1] =	ssyncset.done $0x0  }
0x1a0: {  	s16 =	simm.s32 $0x3080;
	[sflag:s1] =	ssyncadd.s32 $0xFFFFE000  }
0x1a1: {  	[tilespmem:s26], [sflag:$0x1] =	stream.indirect.gather [hbm4b:s0+s23], $0x40, s16, s23, $0xb8;
	[tilespmem:$0x1C580] =	vst v63  }
0x1a2: {  	_ =	swait.ge [sflag:s1], $0x2000  }
0x1a3: {  	[sflag:s1] =	ssyncset.done $0x0  }
0x1a4: {  	[sflag:s1] =	ssyncadd.s32 $0xFFFFE000  }
0x1a5: {  	_ =	swait.ge [sflag:s28], $0x2000  }
0x1a6: {  	[sflag:s28] =	ssyncset.done $0x0  }
0x1a7: {  	[sflag:s28] =	ssyncadd.s32 $0xFFFFE000  }
0x1a8: {  	_ =	swait.ge [sflag:s1], $0x2000  }
0x1a9: {  	[sflag:s1] =	ssyncset.done $0x0  }
0x1aa: {  	[sflag:s1] =	ssyncadd.s32 $0xFFFFE000  }
0x1ab: {  	_ =	swait.ge [sflag:s28], $0x2000  }
0x1ac: {  	[sflag:s28] =	ssyncset.done $0x0  }
0x1ad: {  	[sflag:s28] =	ssyncadd.s32 $0xFFFFE000  }
0x1ae: {  	[bflag:$0x0] =	sbarrier.arrive $0xFFFF  }
0x1af: {  	s15 =	rddreg [dreg:$0xf]  }
0x1b0: {  	[hbm:s15], [sflag:s21] =	dma.local [spmem:s22], $0x13C0  }
0x1b1: {  	_ =	swait.ge [sflag:s17], $0x13C0  }
0x1b2: {  	s14 =	sadd.s32 $0x1, s14;
	s16 =	rddreg [dreg:$0xc]  }
0x1b3: {  	p0 =	sne.s32 s14, s16  }
.Ltmp2:
0x1b4: {  	_ = 	snop;
	(pc) =	sbr.rel @p0 .LBB2_1-.Ltmp2, $3  }
0x1b5: {  	_ =	sdelay $0x1  }
0x1b6: {  	[sflag:s17] =	ssyncset.done $0x0  }
0x1b7: {  	[sflag:s17] =	ssyncadd.s32 $0xFFFFEC40  }
0x1b8: {  	_ =	sfence.sel $0x180000  }
0x1b9: {  	[bflag:$0x0] =	sbarrier.arrive $0xFFFF  }
0x1ba: {  	_ =	strace $0x90000047  }
0x1bb: {  	s0 =	stileid.u32;
	[bflag:$0x2] =	sbarrier.arrive $0xFFFF  }
0x1bc: {  	p0 =	sne.s32 s0, $0x0;
	s0 =	rddreg [dreg:$0x5]  }
0x1bd: {  	s0 =	sadd.s32 @!p0 $0x100000, s0  }
0x1be: {  	[sflag:s0] =	ssyncadd.tile.s32 @!p0 $0x1;
	_ =	shalt  }
.Lfunc_end2:
_tile_overlayer_lowered:
.L_overlay_start_2:
0x1bf: {  	(tag) =	ssettag $0x2  }
0x1c0: {  	s0 =	rddreg [dreg:$0x0];
	s2 =	stileid.u32  }
0x1c1: {  	s1 =	rddreg [dreg:$0x1];
	p0 =	sne.s32 s2, $0x0  }
0x1c2: {  	s3 =	rddreg [dreg:$0x2];
	[bflag:$0x3] =	sbarrier.arrive $0xFFFF;
	s2 =	simm.s32 @!p0 $0x1C04  }
0x1c3: {  	[timem:s3], [sflag:s2] =	dma.local @!p0 [hbm:s0], s1  }
0x1c4: {  	s0 =	simm.s32 @!p0 $0x4  }
0x1c5: {  	_ =	swait.ge @!p0 [sflag:s0], s1  }
0x1c6: {  	s1 =	ssub.s32 @!p0 $0x0, s1;
	[sflag:s0] =	ssyncset.done @!p0 $0x0  }
0x1c7: {  	[sflag:s0] =	ssyncadd.s32 @!p0 s1  }
0x1c8: {  	[bflag:$0x3] =	sbarrier.arrive $0xFFFF  }
0x1c9: {  	_ =	shalt  }

// kernel: kernel.9.cloned.1.call-start
scs
__scs_entry_jumppad:
0x0: {  	(pc) =	sbr.rel $0x88, $3  }
0x1: {  	(tag) =	ssettag $0x0;
	lr =	simm.s32 $0x1  }
0x2: {  	[smem:$0x3F99] =	sst lr;
	_ =	strace $0xD0000000  }
0x3: {  	_ = 	snop  }
0x4: {  	_ = 	snop  }
0x5: {  	_ = 	snop  }
0x6: {  	_ = 	snop  }
0x7: {  	_ = 	snop  }
__scs_overlays_trampoline_lowered:
0x8: {  	[smem:$0x3FA8] =	sst s0  }
0x9: {  	[smem:$0x3FA9] =	sst s1  }
0xa: {  	[smem:$0x3FAA] =	sst s2  }
0xb: {  	[smem:$0x3FAB] =	sst s3  }
0xc: {  	[smem:$0x3FAC] =	sst s4  }
0xd: {  	[smem:$0x3FAD] =	sst s5  }
0xe: {  	[smem:$0x3FAE] =	sst s6  }
0xf: {  	[smem:$0x3FAF] =	sst s7  }
0x10: {  	[smem:$0x3FB0] =	sst s8  }
0x11: {  	[smem:$0x3FB1] =	sst s9;
	s0 =	simm.s32 @!p0 $0x0  }
0x12: {  	s1 =	sld [smem:$0x3F97];
	s0 =	simm.s32 @p0 $0x1  }
0x13: {  	[smem:$0x3FB2] =	sst s0;
	s0 =	simm.s32 @!p1 $0x0  }
0x14: {  	s2 =	sld [smem:$0x3F96];
	s0 =	simm.s32 @p1 $0x1  }
0x15: {  	[smem:$0x3FB3] =	sst s0;
	s0 =	simm.s32 @!p2 $0x0  }
0x16: {  	s3 =	sld [smem:$0x3FDB];
	s0 =	simm.s32 @p2 $0x1  }
0x17: {  	s4 =	simm.s32 $0x1BF5;
	[smem:$0x3FB5] =	sst s0  }
0x18: {  	s0 =	sld [smem:$0x3F98];
	_ =	swait.ge [sflag:s4], $0x0  }
0x19: {  	s7 =	sld [smem:$0x3F99]  }
0x1a: {  	s8 =	sadd.s32 $0xFFFFE003, lr  }
0x1b: {  	s9 =	sadd.s32 $0xFFFFFEF7, lr;
	s5 =	simm.s32 $0xFFFFFFFF;
	p2 =	slt.u32 s8, $0xFFFFF086  }
0x1c: {  	p1 =	slt.u32 s9, $0xF7A;
	s5 =	simm.s32 @!p2 $0x0  }
0x1d: {  	s5 =	simm.s32 @p1 $0x1;
	p0 =	seq.s32 s7, s2  }
0x1e: {  	s7 =	smul.u32 @!p0 $0xF7A, s2;
	p2 =	seq.s32 @!p0 s5, $0x0  }
0x1f: {  	s9 =	smul.u32 $0xF7A, s1;
	s8 =	simm.s32 @!p0 $0x1BF5;
	p2 =	por !p2, p0  }
0x20: {  	[sflag:s8] =	ssyncset.s32 @!p0 $0xFFFFF086;
	s6 =	sadd.s32 @!p0 s3, s7;
	s7 =	simm.s32 @!p0 $0x108  }
0x21: {  	s3 =	sadd.s32 s3, s9;
	s6 =	sadd.s32 @!p0 $0x88, s6;
	s7 =	simm.s32 @p2 $0x1082  }
0x22: {  	[simem:s7], [sflag:s8] =	dma.local @!p0 [hbm:s6], $0xF7A  }
0x23: {  	s9 =	sor.u32 $0xD0000000, s2;
	s6 =	simm.s32 $0x108;
	_ =	swait.ge @!p0 [sflag:s8], $0x0  }
0x24: {  	s3 =	sadd.s32 $0x88, s3;
	s6 =	simm.s32 @!p1 $0x1082;
	[sflag:s4] =	ssyncset.s32 $0xFFFFF086  }
0x25: {  	[simem:s6], [sflag:s4] =	dma.local [hbm:s3], $0xF7A  }
0x26: {  	[smem:$0x3F99] =	sst s1;
	(tag) =	ssettag s2;
	_ =	strace s9  }
0x27: {  	s1 =	sld [smem:$0x3FA9]  }
0x28: {  	s2 =	sld [smem:$0x3FAA]  }
0x29: {  	s4 =	sld [smem:$0x3FAC]  }
0x2a: {  	p0 =	seq.s32 s5, $0x0;
	s5 =	sld [smem:$0x3FAD]  }
0x2b: {  	s6 =	sld [smem:$0x3FAE]  }
0x2c: {  	s7 =	sld [smem:$0x3FAF]  }
0x2d: {  	s3 =	simm.s32 $0x108;
	s8 =	sld [smem:$0x3FB0]  }
0x2e: {  	s3 =	simm.s32 @!p0 $0x1082;
	s9 =	sld [smem:$0x3FB1]  }
0x2f: {  	lr =	sadd.s32 s0, s3;
	s0 =	sld [smem:$0x3FA8]  }
0x30: {  	s3 =	sld [smem:$0x3FAB]  }
0x31: {  	[smem:$0x3FB4] =	sst s10  }
0x32: {  	s10 =	sld [smem:$0x3FB2];
	_ =	sdelay $0x3  }
0x33: {  	p0 =	seq.s32 s10, $0x1;
	s10 =	sld [smem:$0x3FB4];
	_ =	sdelay $0x3  }
0x34: {  	[smem:$0x3FB4] =	sst s10  }
0x35: {  	s10 =	sld [smem:$0x3FB3];
	_ =	sdelay $0x3  }
0x36: {  	p1 =	seq.s32 s10, $0x1;
	s10 =	sld [smem:$0x3FB4];
	_ =	sdelay $0x3  }
0x37: {  	[smem:$0x3FB4] =	sst s10  }
0x38: {  	s10 =	sld [smem:$0x3FB5]  }
0x39: {  	_ = 	snop;
	(pc) =	sbr.ind lr, $3  }
0x3a: {  	_ = 	snop  }
0x3b: {  	_ = 	snop  }
0x3c: {  	p2 =	seq.s32 s10, $0x1;
	s10 =	sld [smem:$0x3FB4]  }
0x3d: {  	_ =	shalt  }
0x3e: {  	_ =	shalt  }
0x3f: {  	_ =	shalt  }
0x40: {  	_ =	shalt  }
0x41: {  	_ =	shalt  }
0x42: {  	_ =	shalt  }
0x43: {  	_ =	shalt  }
0x44: {  	_ =	shalt  }
0x45: {  	_ =	shalt  }
0x46: {  	_ =	shalt  }
0x47: {  	_ =	shalt  }
0x48: {  	_ =	shalt  }
0x49: {  	_ =	shalt  }
0x4a: {  	_ =	shalt  }
0x4b: {  	_ =	shalt  }
0x4c: {  	_ =	shalt  }
0x4d: {  	_ =	shalt  }
0x4e: {  	_ =	shalt  }
0x4f: {  	_ =	shalt  }
0x50: {  	_ =	shalt  }
0x51: {  	_ =	shalt  }
0x52: {  	_ =	shalt  }
0x53: {  	_ =	shalt  }
0x54: {  	_ =	shalt  }
0x55: {  	_ =	shalt  }
0x56: {  	_ =	shalt  }
0x57: {  	_ =	shalt  }
0x58: {  	_ =	shalt  }
0x59: {  	_ =	shalt  }
0x5a: {  	_ =	shalt  }
0x5b: {  	_ =	shalt  }
0x5c: {  	_ =	shalt  }
0x5d: {  	_ =	shalt  }
0x5e: {  	_ =	shalt  }
0x5f: {  	_ =	shalt  }
0x60: {  	_ =	shalt  }
0x61: {  	_ =	shalt  }
0x62: {  	_ =	shalt  }
0x63: {  	_ =	shalt  }
0x64: {  	_ =	shalt  }
0x65: {  	_ =	shalt  }
0x66: {  	_ =	shalt  }
0x67: {  	_ =	shalt  }
0x68: {  	_ =	shalt  }
0x69: {  	_ =	shalt  }
0x6a: {  	_ =	shalt  }
0x6b: {  	_ =	shalt  }
0x6c: {  	_ =	shalt  }
0x6d: {  	_ =	shalt  }
0x6e: {  	_ =	shalt  }
0x6f: {  	_ =	shalt  }
0x70: {  	_ =	shalt  }
0x71: {  	_ =	shalt  }
0x72: {  	_ =	shalt  }
0x73: {  	_ =	shalt  }
0x74: {  	_ =	shalt  }
0x75: {  	_ =	shalt  }
0x76: {  	_ =	shalt  }
0x77: {  	_ =	shalt  }
0x78: {  	_ =	shalt  }
0x79: {  	_ =	shalt  }
0x7a: {  	_ =	shalt  }
0x7b: {  	_ =	shalt  }
0x7c: {  	_ =	shalt  }
0x7d: {  	_ =	shalt  }
0x7e: {  	_ =	shalt  }
0x7f: {  	_ =	shalt  }
0x80: {  	_ =	shalt  }
0x81: {  	_ =	shalt  }
0x82: {  	_ =	shalt  }
0x83: {  	_ =	shalt  }
0x84: {  	_ =	shalt  }
0x85: {  	_ =	shalt  }
0x86: {  	_ =	shalt  }
0x87: {  	_ =	shalt  }
.Lfunc_end0:
.L_simem_size_0:
called_computation.1_lowered:
.L_overlay_start_0:
0x88: {  	s2 =	sld [smem:$0x3FD9]  }
0x89: {  	s3 =	sld [smem:$0x3FFE];
	_ =	sdelay $0x1  }
0x8a: {  	s1 =	srdreg.scid  }
0x8b: {  	s0 =	sand.u32 $0x1, s1  }
0x8c: {  	s17 =	sshll.u32 s0, $0xA;
	s2 =	sadd.s32 s3, s2  }
0x8d: {  	s2 =	sadd.s32 s2, s17  }
0x8e: {  	[smem:$0x3FC0] =	sst s2  }
0x8f: {  	_ = 	snop  }
0x90: {  	s2 =	sld [smem:$0x3FD0];
	(tm) =	ssettm $0x1  }
0x91: {  	s18 =	sld [smem:$0x3FFB];
	_ =	sdelay $0x3  }
0x92: {  	_ =	strace s18  }
0x93: {  	s3 =	sld [smem:$0x3FFC];
	_ =	sdelay $0x3  }
0x94: {  	_ =	strace s3  }
0x95: {  	s3 =	sld [smem:$0x3FFD];
	_ =	sdelay $0x3  }
0x96: {  	_ =	strace s3  }
0x97: {  	_ =	strace $0x8FFFFFFF  }
0x98: {  	s19 =	sld [smem:$0x3FDB];
	_ =	sdelay $0x1  }
0x99: {  	s4 =	simm.s32 $_scs_section_size  }
0x9a: {  	s5 =	simm.s32 $_size__tile_overlayer_lowered;
	s6 =	simm.s32 $_tile_overlayer_lowered  }
0x9b: {  	s22 =	simm.s32 $0x1BFF;
	s21 =	sshll.u32 s6, $0x1;
	s3 =	sadd.s32 s4, s19  }
0x9c: {  	s7 =	simm.s32 $0x0;
	s20 =	sshll.u32 s5, $0x1;
	s5 =	sadd.s32 s21, s3  }
0x9d: {  	[timem:s7], [sflag:s22] =	dma.local [hbm:s5], s20  }
0x9e: {  	_ =	swait.ge [sflag:s22], s20  }
0x9f: {  	s4 =	ssub.s32 $0x0, s20;
	[sflag:s22] =	ssyncset.done $0x0  }
0xa0: {  	[sflag:s22] =	ssyncadd.s32 s4;
	_ =	sdelay $0x1  }
0xa1: {  	s23 =	simm.s32 $0x1B8B  }
0xa2: {  	_ =	swait.ge [sflag:s23], $0x1  }
0xa3: {  	[sflag:s23] =	ssyncset.done $0x0  }
0xa4: {  	s25 =	simm.s32 $0x1B8E;
	s24 =	sld [smem:$0x3FFE];
	[sflag:s23] =	ssyncadd.s32 $0xFFFFFFFF  }
0xa5: {  	s26 =	simm.s32 $execute0_lowered;
	[smem:$0x3FD2] =	sst s25  }
0xa6: {  	s5 =	sshll.u32 s26, $0x1;
	_ =	strace $0x80000049;
	[dreg:$0x1] =	wrdreg $0xFFFFFFFF  }
0xa7: {  	s28 =	simm.s32 $_size_execute0_lowered;
	s3 =	sadd.s32 s3, s5;
	[dreg:$0x0] =	wrdreg $0x0  }
0xa8: {  	s5 =	sshll.u32 s28, $0x1;
	[dreg:$0x2] =	wrdreg s3  }
0xa9: {  	[dreg:$0x3] =	wrdreg s5  }
0xaa: {  	[dreg:$0x4] =	wrdreg $0xC0  }
0xab: {  	_ =	task [dreg:s7], $0x5FFFF  }
0xac: {  	[dreg:$0x1] =	wrdreg $0xFFFFFFFF  }
0xad: {  	[dreg:$0x0] =	wrdreg $0x60  }
0xae: {  	[dreg:$0x2] =	wrdreg s2  }
0xaf: {  	[dreg:$0x3] =	wrdreg s24  }
0xb0: {  	[dreg:$0x4] =	wrdreg $0xF8000  }
0xb1: {  	[dreg:$0x5] =	wrdreg $0x9  }
0xb2: {  	_ =	task.clear_ibuf [dreg:s7], $0x6FFFF;
	_ =	strace $0x90000049  }
0xb3: {  	s29 =	simm.s32 $0x9;
	_ =	strace $0x8000004B  }
0xb4: {  	_ =	swait.ge [sflag:s29], $0x1  }
0xb5: {  	[sflag:s29] =	ssyncadd.s32 $0xFFFFFFFF  }
0xb6: {  	_ =	strace $0x9000004B  }
0xb7: {  	_ =	sfence  }
0xb8: {  	s30 =	sld [smem:$0x0];
	_ =	sdelay $0x2  }
0xb9: {  	s31 =	sshll.u32 s1, $0xD;
	s1 =	sshrl.u32 s1, $0x2  }
0xba: {  	s3 =	sand.u32 $0x4000, s31;
	s1 =	sadd.s32 s1, s30  }
0xbb: {  	s0 =	sor.u32 s3, s0;
	s1 =	sshll.u32 s1, $0x11  }
0xbc: {  	s0 =	sor.u32 s1, s0  }
0xbd: {  	s0 =	sadd.s32 $0x8F2B, s0  }
0xbe: {  	[sflag:s0] =	ssyncadd.remote.s32 $0x1  }
0xbf: {  	_ =	sfence.sel $0xFFFF  }
0xc0: {  	[dreg:$0x0] =	wrdreg $0xFFFFFFFF;
	(pc) =	sbr.abs _section_cstart, $3  }
0xc1: {  	[dreg:$0x1] =	wrdreg $0xFFFFFFFF  }
0xc2: {  	_ =	task.clear_ibuf [dreg:s7], $0x2FFFF;
	_ =	strace $0x9FFFFFFF  }
0xc3: {  	(tm) =	ssettm $0x7FFFFFFF  }
tec
execute0_lowered:
.L_overlay_start_1:
0x0: {  	(tag) =	ssettag $0x1  }
0x1: {  	s0 =	srdreg.scid;
	s1 =	rddreg [dreg:$0x0]  }
0x2: {  	s2 =	rddreg [dreg:$0x1];
	s15 =	stileid.u32  }
0x3: {  	s3 =	rddreg [dreg:$0x2];
	s13 =	simm.s32 $0x2800;
	s14 =	simm.s32 $0x5000  }
0x4: {  	s17 =	simm.s32 $0x80;
	s18 =	simm.s32 $0x7800;
	s19 =	simm.s32 $0x9800  }
0x5: {  	s20 =	simm.s32 $0x1;
	s28 =	simm.s32 $0x2;
	s30 =	simm.s32 $0x5180  }
0x6: {  	s21 =	simm.s32 $0x7680;
	s29 =	simm.s32 $0x7700;
	s31 =	simm.s32 $0x7780  }
0x7: {  	s0 =	sand.u32 $0x1, s0;
	s7 =	sadd.s32 $0x37000, s2;
	s10 =	sadd.s32 $0x23400, s2  }
0x8: {  	s11 =	sadd.s32 $0x4AC00, s2;
	s12 =	smul.u32 $0x9E00, s15;
	s26 =	sshll.u32 s15, $0x6  }
0x9: {  	s4 =	sshll.u32 s0, $0x4;
	s8 =	ssub.s32 $0x2, s0;
	p0 =	seq.s32 s0, $0x0  }
0xa: {  	s0 =	simm.s32 $0x2880;
	s5 =	sor.u32 s15, s4;
	s4 =	simm.s32 $0x0  }
0xb: {  	s9 =	sshrl.u32 s8, $0x1;
	s24 =	sadd.s32 s12, s3;
	s25 =	sshrl.u32 s12, $0x3  }
0xc: {  	s11 =	smov.u32 @p0 s7;
	s12 =	simm.s32 $0x3;
	s15 =	sor.u32 $0x1C03, s26  }
0xd: {  	s26 =	simm.s32 $0x5100;
	s5 =	smul.u32 $0x500, s5;
	[smem:$0x7FF] =	sst s4  }
0xe: {  	s9 =	ssub.s32 s8, s9;
	s16 =	sshrl.u32 s24, $0x3;
	s24 =	simm.s32 $0x0  }
0xf: {  	_ =	strace $0x8000004A;
	s9 =	smax.u32 s9, $0x1;
	s6 =	sadd.s32 s5, s2  }
0x10: {  	s5 =	sadd.s32 $0x22000, s2;
	s2 =	sadd.s32 $0xB7800, s2;
	s22 =	sadd.s32 $0x17800, s6  }
0x11: {  	s23 =	sadd.s32 $0xD800, s6;
	s6 =	sadd.s32 $0x3800, s6;
	[dreg:$0x4] =	wrdreg s22  }
0x12: {  	s2 =	smov.u32 @p0 s10;
	s10 =	sadd.s32 s11, s25;
	[dreg:$0x5] =	wrdreg s23  }
0x13: {  	[dreg:$0x6] =	wrdreg s6;
	s11 =	sadd.s32 s2, s25;
	s22 =	simm.s32 $0xB800  }
0x14: {  	s23 =	simm.s32 $0x5080;
	s25 =	simm.s32 $0xD800;
	s2 =	simm.s32 $0x7600  }
.LBB2_1:
0x15: {  	s6 =	rddreg [dreg:$0x4]  }
0x16: {  	[tilespmem:s4], [sflag:$0x3] =	stream.linear.gather [hbm4b:s6+s4], $0x2800, $0x38;
	[tilespmem:$0x19600] =	vst v63  }
0x17: {  	_ =	swait.ge [sflag:s12], $0x2800  }
0x18: {  	[sflag:s12] =	ssyncset.done $0x0  }
0x19: {  	s8 =	rddreg [dreg:$0x5];
	[sflag:s12] =	ssyncadd.s32 $0xFFFFD800  }
0x1a: {  	[tilespmem:s13], [sflag:$0x3] =	stream.linear.gather [hbm4b:s8+s4], $0x2800, $0x38;
	[tilespmem:$0x19600] =	vst v63  }
0x1b: {  	_ =	swait.ge [sflag:s12], $0x2800  }
0x1c: {  	[sflag:s12] =	ssyncset.done $0x0  }
0x1d: {  	s7 =	rddreg [dreg:$0x6];
	[sflag:s12] =	ssyncadd.s32 $0xFFFFD800  }
0x1e: {  	[tilespmem:s14], [sflag:$0x3] =	stream.linear.gather [hbm4b:s7+s4], $0x2800, $0x38;
	[tilespmem:$0x19600] =	vst v63  }
0x1f: {  	_ =	swait.ge [sflag:s12], $0x2800  }
0x20: {  	[sflag:s12] =	ssyncset.done $0x0  }
0x21: {  	[sflag:s12] =	ssyncadd.s32 $0xFFFFD800  }
0x22: {  	[spmem:s16], [sflag:s15] =	dma.local [hbm:s5], $0x13C0  }
0x23: {  	_ =	swait.ge [sflag:s12], $0x13C0  }
0x24: {  	[sflag:s12] =	ssyncset.done $0x0  }
0x25: {  	[sflag:s12] =	ssyncadd.s32 $0xFFFFEC40  }
0x26: {  	[bflag:$0x0] =	sbarrier.arrive $0xFFFF  }
0x27: {  	[tilespmem:s18], [sflag:$0x1] =	stream.indirect.gather [hbm4b:s1+s17], $0x40, s4, s17, $0xb8;
	[tilespmem:$0x19600] =	vst v63  }
0x28: {  	_ = 	snop  }
0x29: {  	[tilespmem:s19], [sflag:$0x1] =	stream.indirect.gather [hbm4b:s1+s17], $0x40, s17, s17, $0xb8;
	[tilespmem:$0x19600] =	vst v63  }
0x2a: {  	_ =	swait.ge [sflag:s20], $0x2000  }
0x2b: {  	[sflag:s20] =	ssyncset.done $0x0  }
0x2c: {  	[sflag:s20] =	ssyncadd.s32 $0xFFFFE000  }
0x2d: {  	[spmem:s3] =	stream.indirect.scatter.add.f32 [tilespmem:s18], [sflag:$0x2], $0x40, s14, s17, $0xb8;
	[tilespmem:$0x19600] =	vst v63  }
0x2e: {  	s8 =	simm.s32 $0x100  }
0x2f: {  	[tilespmem:s22], [sflag:$0x1] =	stream.indirect.gather [hbm4b:s1+s17], $0x40, s8, s17, $0xb8;
	[tilespmem:$0x19600] =	vst v63  }
0x30: {  	_ =	swait.ge [sflag:s20], $0x2000  }
0x31: {  	[sflag:s20] =	ssyncset.done $0x0  }
0x32: {  	[sflag:s20] =	ssyncadd.s32 $0xFFFFE000  }
0x33: {  	[spmem:s3] =	stream.indirect.scatter.add.f32 [tilespmem:s19], [sflag:$0x2], $0x40, s23, s17, $0xb8;
	[tilespmem:$0x19600] =	vst v63  }
0x34: {  	s7 =	simm.s32 $0x180  }
0x35: {  	[tilespmem:s25], [sflag:$0x1] =	stream.indirect.gather [hbm4b:s1+s17], $0x40, s7, s17, $0xb8;
	[tilespmem:$0x19600] =	vst v63  }
0x36: {  	_ =	swait.ge [sflag:s20], $0x2000  }
0x37: {  	[sflag:s20] =	ssyncset.done $0x0  }
0x38: {  	[sflag:s20] =	ssyncadd.s32 $0xFFFFE000  }
0x39: {  	[spmem:s3] =	stream.indirect.scatter.add.f32 [tilespmem:s22], [sflag:$0x2], $0x40, s26, s17, $0xb8;
	[tilespmem:$0x19600] =	vst v63  }
0x3a: {  	_ =	swait.ge [sflag:s28], $0x2000  }
0x3b: {  	[sflag:s28] =	ssyncset.done $0x0  }
0x3c: {  	s8 =	simm.s32 $0x200;
	[sflag:s28] =	ssyncadd.s32 $0xFFFFE000  }
0x3d: {  	[tilespmem:s18], [sflag:$0x1] =	stream.indirect.gather [hbm4b:s1+s17], $0x40, s8, s17, $0xb8;
	[tilespmem:$0x19600] =	vst v63  }
0x3e: {  	_ =	swait.ge [sflag:s20], $0x2000  }
0x3f: {  	[sflag:s20] =	ssyncset.done $0x0  }
0x40: {  	[sflag:s20] =	ssyncadd.s32 $0xFFFFE000  }
0x41: {  	[spmem:s3] =	stream.indirect.scatter.add.f32 [tilespmem:s25], [sflag:$0x2], $0x40, s30, s17, $0xb8;
	[tilespmem:$0x19600] =	vst v63  }
0x42: {  	_ =	swait.ge [sflag:s28], $0x2000  }
0x43: {  	[sflag:s28] =	ssyncset.done $0x0  }
0x44: {  	s7 =	simm.s32 $0x280;
	[sflag:s28] =	ssyncadd.s32 $0xFFFFE000  }
0x45: {  	[tilespmem:s19], [sflag:$0x1] =	stream.indirect.gather [hbm4b:s1+s17], $0x40, s7, s17, $0xb8;
	[tilespmem:$0x19600] =	vst v63  }
0x46: {  	_ =	swait.ge [sflag:s20], $0x2000  }
0x47: {  	[sflag:s20] =	ssyncset.done $0x0  }
0x48: {  	s8 =	simm.s32 $0x5200;
	[sflag:s20] =	ssyncadd.s32 $0xFFFFE000  }
0x49: {  	[spmem:s3] =	stream.indirect.scatter.add.f32 [tilespmem:s18], [sflag:$0x2], $0x40, s8, s17, $0xb8;
	[tilespmem:$0x19600] =	vst v63  }
0x4a: {  	_ =	swait.ge [sflag:s28], $0x2000  }
0x4b: {  	[sflag:s28] =	ssyncset.done $0x0  }
0x4c: {  	s7 =	simm.s32 $0x300;
	[sflag:s28] =	ssyncadd.s32 $0xFFFFE000  }
0x4d: {  	[tilespmem:s22], [sflag:$0x1] =	stream.indirect.gather [hbm4b:s1+s17], $0x40, s7, s17, $0xb8;
	[tilespmem:$0x19600] =	vst v63  }
0x4e: {  	_ =	swait.ge [sflag:s20], $0x2000  }
0x4f: {  	[sflag:s20] =	ssyncset.done $0x0  }
0x50: {  	s8 =	simm.s32 $0x5280;
	[sflag:s20] =	ssyncadd.s32 $0xFFFFE000  }
0x51: {  	[spmem:s3] =	stream.indirect.scatter.add.f32 [tilespmem:s19], [sflag:$0x2], $0x40, s8, s17, $0xb8;
	[tilespmem:$0x19600] =	vst v63  }
0x52: {  	_ =	swait.ge [sflag:s28], $0x2000  }
0x53: {  	[sflag:s28] =	ssyncset.done $0x0  }
0x54: {  	s7 =	simm.s32 $0x380;
	[sflag:s28] =	ssyncadd.s32 $0xFFFFE000  }
0x55: {  	[tilespmem:s25], [sflag:$0x1] =	stream.indirect.gather [hbm4b:s1+s17], $0x40, s7, s17, $0xb8;
	[tilespmem:$0x19600] =	vst v63  }
0x56: {  	_ =	swait.ge [sflag:s20], $0x2000  }
0x57: {  	[sflag:s20] =	ssyncset.done $0x0  }
0x58: {  	s8 =	simm.s32 $0x5300;
	[sflag:s20] =	ssyncadd.s32 $0xFFFFE000  }
0x59: {  	[spmem:s3] =	stream.indirect.scatter.add.f32 [tilespmem:s22], [sflag:$0x2], $0x40, s8, s17, $0xb8;
	[tilespmem:$0x19600] =	vst v63  }
0x5a: {  	_ =	swait.ge [sflag:s28], $0x2000  }
0x5b: {  	[sflag:s28] =	ssyncset.done $0x0  }
0x5c: {  	s7 =	simm.s32 $0x400;
	[sflag:s28] =	ssyncadd.s32 $0xFFFFE000  }
0x5d: {  	[tilespmem:s18], [sflag:$0x1] =	stream.indirect.gather [hbm4b:s1+s17], $0x40, s7, s17, $0xb8;
	[tilespmem:$0x19600] =	vst v63  }
0x5e: {  	_ =	swait.ge [sflag:s20], $0x2000  }
0x5f: {  	[sflag:s20] =	ssyncset.done $0x0  }
0x60: {  	s8 =	simm.s32 $0x5380;
	[sflag:s20] =	ssyncadd.s32 $0xFFFFE000  }
0x61: {  	[spmem:s3] =	stream.indirect.scatter.add.f32 [tilespmem:s25], [sflag:$0x2], $0x40, s8, s17, $0xb8;
	[tilespmem:$0x19600] =	vst v63  }
0x62: {  	_ =	swait.ge [sflag:s28], $0x2000  }
0x63: {  	[sflag:s28] =	ssyncset.done $0x0  }
0x64: {  	s6 =	simm.s32 $0x800;
	s7 =	simm.s32 $0x480;
	[sflag:s28] =	ssyncadd.s32 $0xFFFFE000  }
.LBB2_2:
0x65: {  	[tilespmem:s19], [sflag:$0x1] =	stream.indirect.gather [hbm4b:s1+s17], $0x40, s7, s17, $0xb8;
	[tilespmem:$0x19600] =	vst v63  }
0x66: {  	s7 =	smov.u32 s6  }
0x67: {  	p0 =	sne.s32 s6, $0x8800;
	s6 =	sadd.s32 $0x800, s6;
	_ =	swait.ge [sflag:s20], $0x2000  }
0x68: {  	s7 =	sshra.s32 s7, $0x2;
	[sflag:s20] =	ssyncset.done $0x0  }
0x69: {  	s8 =	sadd.s32 $0x5200, s7;
	[sflag:s20] =	ssyncadd.s32 $0xFFFFE000  }
0x6a: {  	[spmem:s3] =	stream.indirect.scatter.add.f32 [tilespmem:s18], [sflag:$0x2], $0x40, s8, s17, $0xb8;
	[tilespmem:$0x19600] =	vst v63  }
0x6b: {  	_ =	swait.ge [sflag:s28], $0x2000  }
0x6c: {  	[sflag:s28] =	ssyncset.done $0x0  }
0x6d: {  	s8 =	sadd.s32 $0x300, s7;
	[sflag:s28] =	ssyncadd.s32 $0xFFFFE000  }
0x6e: {  	[tilespmem:s22], [sflag:$0x1] =	stream.indirect.gather [hbm4b:s1+s17], $0x40, s8, s17, $0xb8;
	[tilespmem:$0x19600] =	vst v63  }
0x6f: {  	_ =	swait.ge [sflag:s20], $0x2000  }
0x70: {  	[sflag:s20] =	ssyncset.done $0x0  }
0x71: {  	s8 =	sadd.s32 $0x5280, s7;
	[sflag:s20] =	ssyncadd.s32 $0xFFFFE000  }
0x72: {  	[spmem:s3] =	stream.indirect.scatter.add.f32 [tilespmem:s19], [sflag:$0x2], $0x40, s8, s17, $0xb8;
	[tilespmem:$0x19600] =	vst v63  }
0x73: {  	_ =	swait.ge [sflag:s28], $0x2000  }
0x74: {  	[sflag:s28] =	ssyncset.done $0x0  }
0x75: {  	s8 =	sadd.s32 $0x380, s7;
	[sflag:s28] =	ssyncadd.s32 $0xFFFFE000  }
0x76: {  	[tilespmem:s25], [sflag:$0x1] =	stream.indirect.gather [hbm4b:s1+s17], $0x40, s8, s17, $0xb8;
	[tilespmem:$0x19600] =	vst v63  }
0x77: {  	_ =	swait.ge [sflag:s20], $0x2000  }
0x78: {  	[sflag:s20] =	ssyncset.done $0x0  }
0x79: {  	s8 =	sadd.s32 $0x5300, s7;
	[sflag:s20] =	ssyncadd.s32 $0xFFFFE000  }
0x7a: {  	[spmem:s3] =	stream.indirect.scatter.add.f32 [tilespmem:s22], [sflag:$0x2], $0x40, s8, s17, $0xb8;
	[tilespmem:$0x19600] =	vst v63  }
0x7b: {  	_ =	swait.ge [sflag:s28], $0x2000  }
0x7c: {  	[sflag:s28] =	ssyncset.done $0x0  }
0x7d: {  	s8 =	sadd.s32 $0x400, s7;
	[sflag:s28] =	ssyncadd.s32 $0xFFFFE000  }
0x7e: {  	[tilespmem:s18], [sflag:$0x1] =	stream.indirect.gather [hbm4b:s1+s17], $0x40, s8, s17, $0xb8;
	[tilespmem:$0x19600] =	vst v63  }
0x7f: {  	_ =	swait.ge [sflag:s20], $0x2000  }
0x80: {  	[sflag:s20] =	ssyncset.done $0x0  }
.Ltmp0:
0x81: {  	s8 =	sadd.s32 $0x5380, s7;
	[sflag:s20] =	ssyncadd.s32 $0xFFFFE000;
	(pc) =	sbr.rel @p0 .LBB2_2-.Ltmp0, $4  }
0x82: {  	[spmem:s3] =	stream.indirect.scatter.add.f32 [tilespmem:s25], [sflag:$0x2], $0x40, s8, s17, $0xb8;
	[tilespmem:$0x19600] =	vst v63  }
0x83: {  	_ =	swait.ge [sflag:s28], $0x2000  }
0x84: {  	[sflag:s28] =	ssyncset.done $0x0  }
0x85: {  	s7 =	sadd.s32 $0x480, s7;
	[sflag:s28] =	ssyncadd.s32 $0xFFFFE000  }
0x86: {  	[tilespmem:s19], [sflag:$0x1] =	stream.indirect.gather [hbm4b:s1+s17], $0x40, s7, s17, $0xb8;
	[tilespmem:$0x19600] =	vst v63  }
0x87: {  	_ =	swait.ge [sflag:s20], $0x2000  }
0x88: {  	[sflag:s20] =	ssyncset.done $0x0  }
0x89: {  	[sflag:s20] =	ssyncadd.s32 $0xFFFFE000  }
0x8a: {  	[spmem:s3] =	stream.indirect.scatter.add.f32 [tilespmem:s18], [sflag:$0x2], $0x40, s2, s17, $0xb8;
	[tilespmem:$0x19600] =	vst v63  }
0x8b: {  	_ =	swait.ge [sflag:s28], $0x2000  }
0x8c: {  	[sflag:s28] =	ssyncset.done $0x0  }
0x8d: {  	s6 =	simm.s32 $0x2700;
	[sflag:s28] =	ssyncadd.s32 $0xFFFFE000  }
0x8e: {  	[tilespmem:s22], [sflag:$0x1] =	stream.indirect.gather [hbm4b:s1+s17], $0x40, s6, s17, $0xb8;
	[tilespmem:$0x19600] =	vst v63  }
0x8f: {  	_ =	swait.ge [sflag:s20], $0x2000  }
0x90: {  	[sflag:s20] =	ssyncset.done $0x0  }
0x91: {  	[sflag:s20] =	ssyncadd.s32 $0xFFFFE000  }
0x92: {  	[spmem:s3] =	stream.indirect.scatter.add.f32 [tilespmem:s19], [sflag:$0x2], $0x40, s21, s17, $0xb8;
	[tilespmem:$0x19600] =	vst v63  }
0x93: {  	_ =	swait.ge [sflag:s28], $0x2000  }
0x94: {  	[sflag:s28] =	ssyncset.done $0x0  }
0x95: {  	s8 =	simm.s32 $0x2780;
	[sflag:s28] =	ssyncadd.s32 $0xFFFFE000  }
0x96: {  	[tilespmem:s25], [sflag:$0x1] =	stream.indirect.gather [hbm4b:s1+s17], $0x40, s8, s17, $0xb8;
	[tilespmem:$0x19600] =	vst v63  }
0x97: {  	_ =	swait.ge [sflag:s20], $0x2000  }
0x98: {  	[sflag:s20] =	ssyncset.done $0x0  }
0x99: {  	[sflag:s20] =	ssyncadd.s32 $0xFFFFE000  }
0x9a: {  	[spmem:s3] =	stream.indirect.scatter.add.f32 [tilespmem:s22], [sflag:$0x2], $0x40, s29, s17, $0xb8;
	[tilespmem:$0x19600] =	vst v63  }
0x9b: {  	_ =	swait.ge [sflag:s28], $0x2000  }
0x9c: {  	[sflag:s28] =	ssyncset.done $0x0  }
0x9d: {  	s7 =	simm.s32 $0x0;
	[sflag:s28] =	ssyncadd.s32 $0xFFFFE000  }
0x9e: {  	[tilespmem:s18], [sflag:$0x1] =	stream.indirect.gather [hbm4b:s1+s17], $0x40, s7, s17, $0xb8;
	[tilespmem:$0x19600] =	vst v63  }
0x9f: {  	_ =	swait.ge [sflag:s20], $0x2000  }
0xa0: {  	[sflag:s20] =	ssyncset.done $0x0  }
0xa1: {  	[sflag:s20] =	ssyncadd.s32 $0xFFFFE000  }
0xa2: {  	[spmem:s3] =	stream.indirect.scatter.add.f32 [tilespmem:s25], [sflag:$0x2], $0x40, s31, s17, $0xb8;
	[tilespmem:$0x19600] =	vst v63  }
0xa3: {  	_ =	swait.ge [sflag:s28], $0x2000  }
0xa4: {  	[sflag:s28] =	ssyncset.done $0x0  }
0xa5: {  	[sflag:s28] =	ssyncadd.s32 $0xFFFFE000  }
0xa6: {  	[tilespmem:s19], [sflag:$0x1] =	stream.indirect.gather [hbm4b:s1+s17], $0x40, s17, s17, $0xb8;
	[tilespmem:$0x19600] =	vst v63  }
0xa7: {  	_ =	swait.ge [sflag:s28], $0x2000  }
0xa8: {  	[sflag:s28] =	ssyncset.done $0x0  }
0xa9: {  	[sflag:s28] =	ssyncadd.s32 $0xFFFFE000  }
0xaa: {  	_ =	swait.ge [sflag:s20], $0x2000  }
0xab: {  	[sflag:s20] =	ssyncset.done $0x0  }
0xac: {  	[sflag:s20] =	ssyncadd.s32 $0xFFFFE000  }
0xad: {  	_ =	swait.ge [sflag:s28], $0x2000  }
0xae: {  	[sflag:s28] =	ssyncset.done $0x0  }
0xaf: {  	[sflag:s28] =	ssyncadd.s32 $0xFFFFE000  }
0xb0: {  	_ =	swait.ge [sflag:s20], $0x2000  }
0xb1: {  	[sflag:s20] =	ssyncset.done $0x0  }
0xb2: {  	[sflag:s20] =	ssyncadd.s32 $0xFFFFE000  }
0xb3: {  	[bflag:$0x0] =	sbarrier.arrive $0xFFFF  }
0xb4: {  	[hbm:s10], [sflag:s15] =	dma.local [spmem:s16], $0x13C0  }
0xb5: {  	_ =	swait.ge [sflag:s12], $0x13C0  }
0xb6: {  	[sflag:s12] =	ssyncset.done $0x0  }
0xb7: {  	[sflag:s12] =	ssyncadd.s32 $0xFFFFEC40  }
0xb8: {  	[spmem:s16], [sflag:s15] =	dma.local [hbm:s5], $0x13C0  }
0xb9: {  	_ =	swait.ge [sflag:s12], $0x13C0  }
0xba: {  	[sflag:s12] =	ssyncset.done $0x0  }
0xbb: {  	[sflag:s12] =	ssyncadd.s32 $0xFFFFEC40  }
0xbc: {  	[bflag:$0x0] =	sbarrier.arrive $0xFFFF  }
0xbd: {  	[tilespmem:s18], [sflag:$0x1] =	stream.indirect.gather [hbm4b:s1+s17], $0x40, s13, s17, $0xb8;
	[tilespmem:$0x19600] =	vst v63  }
0xbe: {  	_ = 	snop  }
0xbf: {  	[tilespmem:s19], [sflag:$0x1] =	stream.indirect.gather [hbm4b:s1+s17], $0x40, s0, s17, $0xb8;
	[tilespmem:$0x19600] =	vst v63  }
0xc0: {  	_ =	swait.ge [sflag:s20], $0x2000  }
0xc1: {  	[sflag:s20] =	ssyncset.done $0x0  }
0xc2: {  	[sflag:s20] =	ssyncadd.s32 $0xFFFFE000  }
0xc3: {  	[spmem:s3] =	stream.indirect.scatter.add.f32 [tilespmem:s18], [sflag:$0x2], $0x40, s14, s17, $0xb8;
	[tilespmem:$0x19600] =	vst v63  }
0xc4: {  	s8 =	simm.s32 $0x2900  }
0xc5: {  	[tilespmem:s22], [sflag:$0x1] =	stream.indirect.gather [hbm4b:s1+s17], $0x40, s8, s17, $0xb8;
	[tilespmem:$0x19600] =	vst v63  }
0xc6: {  	_ =	swait.ge [sflag:s20], $0x2000  }
0xc7: {  	[sflag:s20] =	ssyncset.done $0x0  }
0xc8: {  	[sflag:s20] =	ssyncadd.s32 $0xFFFFE000  }
0xc9: {  	[spmem:s3] =	stream.indirect.scatter.add.f32 [tilespmem:s19], [sflag:$0x2], $0x40, s23, s17, $0xb8;
	[tilespmem:$0x19600] =	vst v63  }
0xca: {  	s7 =	simm.s32 $0x2980  }
0xcb: {  	[tilespmem:s25], [sflag:$0x1] =	stream.indirect.gather [hbm4b:s1+s17], $0x40, s7, s17, $0xb8;
	[tilespmem:$0x19600] =	vst v63  }
0xcc: {  	_ =	swait.ge [sflag:s20], $0x2000  }
0xcd: {  	[sflag:s20] =	ssyncset.done $0x0  }
0xce: {  	[sflag:s20] =	ssyncadd.s32 $0xFFFFE000  }
0xcf: {  	[spmem:s3] =	stream.indirect.scatter.add.f32 [tilespmem:s22], [sflag:$0x2], $0x40, s26, s17, $0xb8;
	[tilespmem:$0x19600] =	vst v63  }
0xd0: {  	_ =	swait.ge [sflag:s28], $0x2000  }
0xd1: {  	[sflag:s28] =	ssyncset.done $0x0  }
0xd2: {  	s8 =	simm.s32 $0x2A00;
	[sflag:s28] =	ssyncadd.s32 $0xFFFFE000  }
0xd3: {  	[tilespmem:s18], [sflag:$0x1] =	stream.indirect.gather [hbm4b:s1+s17], $0x40, s8, s17, $0xb8;
	[tilespmem:$0x19600] =	vst v63  }
0xd4: {  	_ =	swait.ge [sflag:s20], $0x2000  }
0xd5: {  	[sflag:s20] =	ssyncset.done $0x0  }
0xd6: {  	[sflag:s20] =	ssyncadd.s32 $0xFFFFE000  }
0xd7: {  	[spmem:s3] =	stream.indirect.scatter.add.f32 [tilespmem:s25], [sflag:$0x2], $0x40, s30, s17, $0xb8;
	[tilespmem:$0x19600] =	vst v63  }
0xd8: {  	_ =	swait.ge [sflag:s28], $0x2000  }
0xd9: {  	[sflag:s28] =	ssyncset.done $0x0  }
0xda: {  	s7 =	simm.s32 $0x2A80;
	[sflag:s28] =	ssyncadd.s32 $0xFFFFE000  }
0xdb: {  	[tilespmem:s19], [sflag:$0x1] =	stream.indirect.gather [hbm4b:s1+s17], $0x40, s7, s17, $0xb8;
	[tilespmem:$0x19600] =	vst v63  }
0xdc: {  	_ =	swait.ge [sflag:s20], $0x2000  }
0xdd: {  	[sflag:s20] =	ssyncset.done $0x0  }
0xde: {  	s8 =	simm.s32 $0x5200;
	[sflag:s20] =	ssyncadd.s32 $0xFFFFE000  }
0xdf: {  	[spmem:s3] =	stream.indirect.scatter.add.f32 [tilespmem:s18], [sflag:$0x2], $0x40, s8, s17, $0xb8;
	[tilespmem:$0x19600] =	vst v63  }
0xe0: {  	_ =	swait.ge [sflag:s28], $0x2000  }
0xe1: {  	[sflag:s28] =	ssyncset.done $0x0  }
0xe2: {  	s7 =	simm.s32 $0x2B00;
	[sflag:s28] =	ssyncadd.s32 $0xFFFFE000  }
0xe3: {  	[tilespmem:s22], [sflag:$0x1] =	stream.indirect.gather [hbm4b:s1+s17], $0x40, s7, s17, $0xb8;
	[tilespmem:$0x19600] =	vst v63  }
0xe4: {  	_ =	swait.ge [sflag:s20], $0x2000  }
0xe5: {  	[sflag:s20] =	ssyncset.done $0x0  }
0xe6: {  	s8 =	simm.s32 $0x5280;
	[sflag:s20] =	ssyncadd.s32 $0xFFFFE000  }
0xe7: {  	[spmem:s3] =	stream.indirect.scatter.add.f32 [tilespmem:s19], [sflag:$0x2], $0x40, s8, s17, $0xb8;
	[tilespmem:$0x19600] =	vst v63  }
0xe8: {  	_ =	swait.ge [sflag:s28], $0x2000  }
0xe9: {  	[sflag:s28] =	ssyncset.done $0x0  }
0xea: {  	s7 =	simm.s32 $0x2B80;
	[sflag:s28] =	ssyncadd.s32 $0xFFFFE000  }
0xeb: {  	[tilespmem:s25], [sflag:$0x1] =	stream.indirect.gather [hbm4b:s1+s17], $0x40, s7, s17, $0xb8;
	[tilespmem:$0x19600] =	vst v63  }
0xec: {  	_ =	swait.ge [sflag:s20], $0x2000  }
0xed: {  	[sflag:s20] =	ssyncset.done $0x0  }
0xee: {  	s8 =	simm.s32 $0x5300;
	[sflag:s20] =	ssyncadd.s32 $0xFFFFE000  }
0xef: {  	[spmem:s3] =	stream.indirect.scatter.add.f32 [tilespmem:s22], [sflag:$0x2], $0x40, s8, s17, $0xb8;
	[tilespmem:$0x19600] =	vst v63  }
0xf0: {  	_ =	swait.ge [sflag:s28], $0x2000  }
0xf1: {  	[sflag:s28] =	ssyncset.done $0x0  }
0xf2: {  	s7 =	simm.s32 $0x2C00;
	[sflag:s28] =	ssyncadd.s32 $0xFFFFE000  }
0xf3: {  	[tilespmem:s18], [sflag:$0x1] =	stream.indirect.gather [hbm4b:s1+s17], $0x40, s7, s17, $0xb8;
	[tilespmem:$0x19600] =	vst v63  }
0xf4: {  	_ =	swait.ge [sflag:s20], $0x2000  }
0xf5: {  	[sflag:s20] =	ssyncset.done $0x0  }
0xf6: {  	s8 =	simm.s32 $0x5380;
	[sflag:s20] =	ssyncadd.s32 $0xFFFFE000  }
0xf7: {  	[spmem:s3] =	stream.indirect.scatter.add.f32 [tilespmem:s25], [sflag:$0x2], $0x40, s8, s17, $0xb8;
	[tilespmem:$0x19600] =	vst v63  }
0xf8: {  	_ =	swait.ge [sflag:s28], $0x2000  }
0xf9: {  	[sflag:s28] =	ssyncset.done $0x0  }
0xfa: {  	s6 =	simm.s32 $0x800;
	s7 =	simm.s32 $0x2C80;
	[sflag:s28] =	ssyncadd.s32 $0xFFFFE000  }
.LBB2_4:
0xfb: {  	[tilespmem:s19], [sflag:$0x1] =	stream.indirect.gather [hbm4b:s1+s17], $0x40, s7, s17, $0xb8;
	[tilespmem:$0x19600] =	vst v63  }
0xfc: {  	s7 =	smov.u32 s6  }
0xfd: {  	p0 =	sne.s32 s6, $0x8800;
	s6 =	sadd.s32 $0x800, s6;
	_ =	swait.ge [sflag:s20], $0x2000  }
0xfe: {  	s7 =	sshra.s32 s7, $0x2;
	[sflag:s20] =	ssyncset.done $0x0  }
0xff: {  	s8 =	sadd.s32 $0x5200, s7;
	[sflag:s20] =	ssyncadd.s32 $0xFFFFE000  }
0x100: {  	[spmem:s3] =	stream.indirect.scatter.add.f32 [tilespmem:s18], [sflag:$0x2], $0x40, s8, s17, $0xb8;
	[tilespmem:$0x19600] =	vst v63  }
0x101: {  	_ =	swait.ge [sflag:s28], $0x2000  }
0x102: {  	[sflag:s28] =	ssyncset.done $0x0  }
0x103: {  	s8 =	sadd.s32 $0x2B00, s7;
	[sflag:s28] =	ssyncadd.s32 $0xFFFFE000  }
0x104: {  	[tilespmem:s22], [sflag:$0x1] =	stream.indirect.gather [hbm4b:s1+s17], $0x40, s8, s17, $0xb8;
	[tilespmem:$0x19600] =	vst v63  }
0x105: {  	_ =	swait.ge [sflag:s20], $0x2000  }
0x106: {  	[sflag:s20] =	ssyncset.done $0x0  }
0x107: {  	s8 =	sadd.s32 $0x5280, s7;
	[sflag:s20] =	ssyncadd.s32 $0xFFFFE000  }
0x108: {  	[spmem:s3] =	stream.indirect.scatter.add.f32 [tilespmem:s19], [sflag:$0x2], $0x40, s8, s17, $0xb8;
	[tilespmem:$0x19600] =	vst v63  }
0x109: {  	_ =	swait.ge [sflag:s28], $0x2000  }
0x10a: {  	[sflag:s28] =	ssyncset.done $0x0  }
0x10b: {  	s8 =	sadd.s32 $0x2B80, s7;
	[sflag:s28] =	ssyncadd.s32 $0xFFFFE000  }
0x10c: {  	[tilespmem:s25], [sflag:$0x1] =	stream.indirect.gather [hbm4b:s1+s17], $0x40, s8, s17, $0xb8;
	[tilespmem:$0x19600] =	vst v63  }
0x10d: {  	_ =	swait.ge [sflag:s20], $0x2000  }
0x10e: {  	[sflag:s20] =	ssyncset.done $0x0  }
0x10f: {  	s8 =	sadd.s32 $0x5300, s7;
	[sflag:s20] =	ssyncadd.s32 $0xFFFFE000  }
0x110: {  	[spmem:s3] =	stream.indirect.scatter.add.f32 [tilespmem:s22], [sflag:$0x2], $0x40, s8, s17, $0xb8;
	[tilespmem:$0x19600] =	vst v63  }
0x111: {  	_ =	swait.ge [sflag:s28], $0x2000  }
0x112: {  	[sflag:s28] =	ssyncset.done $0x0  }
0x113: {  	s8 =	sadd.s32 $0x2C00, s7;
	[sflag:s28] =	ssyncadd.s32 $0xFFFFE000  }
0x114: {  	[tilespmem:s18], [sflag:$0x1] =	stream.indirect.gather [hbm4b:s1+s17], $0x40, s8, s17, $0xb8;
	[tilespmem:$0x19600] =	vst v63  }
0x115: {  	_ =	swait.ge [sflag:s20], $0x2000  }
0x116: {  	[sflag:s20] =	ssyncset.done $0x0  }
.Ltmp1:
0x117: {  	s8 =	sadd.s32 $0x5380, s7;
	[sflag:s20] =	ssyncadd.s32 $0xFFFFE000;
	(pc) =	sbr.rel @p0 .LBB2_4-.Ltmp1, $4  }
0x118: {  	[spmem:s3] =	stream.indirect.scatter.add.f32 [tilespmem:s25], [sflag:$0x2], $0x40, s8, s17, $0xb8;
	[tilespmem:$0x19600] =	vst v63  }
0x119: {  	_ =	swait.ge [sflag:s28], $0x2000  }
0x11a: {  	[sflag:s28] =	ssyncset.done $0x0  }
0x11b: {  	s7 =	sadd.s32 $0x2C80, s7;
	[sflag:s28] =	ssyncadd.s32 $0xFFFFE000  }
0x11c: {  	[tilespmem:s19], [sflag:$0x1] =	stream.indirect.gather [hbm4b:s1+s17], $0x40, s7, s17, $0xb8;
	[tilespmem:$0x19600] =	vst v63  }
0x11d: {  	_ =	swait.ge [sflag:s20], $0x2000  }
0x11e: {  	[sflag:s20] =	ssyncset.done $0x0  }
0x11f: {  	[sflag:s20] =	ssyncadd.s32 $0xFFFFE000  }
0x120: {  	[spmem:s3] =	stream.indirect.scatter.add.f32 [tilespmem:s18], [sflag:$0x2], $0x40, s2, s17, $0xb8;
	[tilespmem:$0x19600] =	vst v63  }
0x121: {  	_ =	swait.ge [sflag:s28], $0x2000  }
0x122: {  	[sflag:s28] =	ssyncset.done $0x0  }
0x123: {  	s6 =	simm.s32 $0x4F00;
	[sflag:s28] =	ssyncadd.s32 $0xFFFFE000  }
0x124: {  	[tilespmem:s22], [sflag:$0x1] =	stream.indirect.gather [hbm4b:s1+s17], $0x40, s6, s17, $0xb8;
	[tilespmem:$0x19600] =	vst v63  }
0x125: {  	_ =	swait.ge [sflag:s20], $0x2000  }
0x126: {  	[sflag:s20] =	ssyncset.done $0x0  }
0x127: {  	[sflag:s20] =	ssyncadd.s32 $0xFFFFE000  }
0x128: {  	[spmem:s3] =	stream.indirect.scatter.add.f32 [tilespmem:s19], [sflag:$0x2], $0x40, s21, s17, $0xb8;
	[tilespmem:$0x19600] =	vst v63  }
0x129: {  	_ =	swait.ge [sflag:s28], $0x2000  }
0x12a: {  	[sflag:s28] =	ssyncset.done $0x0  }
0x12b: {  	s8 =	simm.s32 $0x4F80;
	[sflag:s28] =	ssyncadd.s32 $0xFFFFE000  }
0x12c: {  	[tilespmem:s25], [sflag:$0x1] =	stream.indirect.gather [hbm4b:s1+s17], $0x40, s8, s17, $0xb8;
	[tilespmem:$0x19600] =	vst v63  }
0x12d: {  	_ =	swait.ge [sflag:s20], $0x2000  }
0x12e: {  	[sflag:s20] =	ssyncset.done $0x0  }
0x12f: {  	[sflag:s20] =	ssyncadd.s32 $0xFFFFE000  }
0x130: {  	[spmem:s3] =	stream.indirect.scatter.add.f32 [tilespmem:s22], [sflag:$0x2], $0x40, s29, s17, $0xb8;
	[tilespmem:$0x19600] =	vst v63  }
0x131: {  	_ =	swait.ge [sflag:s28], $0x2000  }
0x132: {  	[sflag:s28] =	ssyncset.done $0x0  }
0x133: {  	[sflag:s28] =	ssyncadd.s32 $0xFFFFE000  }
0x134: {  	[tilespmem:s18], [sflag:$0x1] =	stream.indirect.gather [hbm4b:s1+s17], $0x40, s13, s17, $0xb8;
	[tilespmem:$0x19600] =	vst v63  }
0x135: {  	_ =	swait.ge [sflag:s20], $0x2000  }
0x136: {  	[sflag:s20] =	ssyncset.done $0x0  }
0x137: {  	[sflag:s20] =	ssyncadd.s32 $0xFFFFE000  }
0x138: {  	[spmem:s3] =	stream.indirect.scatter.add.f32 [tilespmem:s25], [sflag:$0x2], $0x40, s31, s17, $0xb8;
	[tilespmem:$0x19600] =	vst v63  }
0x139: {  	_ =	swait.ge [sflag:s28], $0x2000  }
0x13a: {  	[sflag:s28] =	ssyncset.done $0x0  }
0x13b: {  	[sflag:s28] =	ssyncadd.s32 $0xFFFFE000  }
0x13c: {  	[tilespmem:s19], [sflag:$0x1] =	stream.indirect.gather [hbm4b:s1+s17], $0x40, s0, s17, $0xb8;
	[tilespmem:$0x19600] =	vst v63  }
0x13d: {  	_ =	swait.ge [sflag:s28], $0x2000  }
0x13e: {  	[sflag:s28] =	ssyncset.done $0x0  }
0x13f: {  	[sflag:s28] =	ssyncadd.s32 $0xFFFFE000  }
0x140: {  	_ =	swait.ge [sflag:s20], $0x2000  }
0x141: {  	[sflag:s20] =	ssyncset.done $0x0  }
0x142: {  	[sflag:s20] =	ssyncadd.s32 $0xFFFFE000  }
0x143: {  	_ =	swait.ge [sflag:s28], $0x2000  }
0x144: {  	[sflag:s28] =	ssyncset.done $0x0  }
0x145: {  	[sflag:s28] =	ssyncadd.s32 $0xFFFFE000  }
0x146: {  	_ =	swait.ge [sflag:s20], $0x2000  }
0x147: {  	s24 =	sadd.s32 $0x1, s24;
	[sflag:s20] =	ssyncset.done $0x0  }
0x148: {  	p0 =	sne.s32 s24, s9;
	[sflag:s20] =	ssyncadd.s32 $0xFFFFE000  }
.Ltmp2:
0x149: {  	[bflag:$0x0] =	sbarrier.arrive $0xFFFF;
	(pc) =	sbr.rel @p0 .LBB2_1-.Ltmp2, $4  }
0x14a: {  	[hbm:s11], [sflag:s15] =	dma.local [spmem:s16], $0x13C0  }
0x14b: {  	_ =	swait.ge [sflag:s12], $0x13C0  }
0x14c: {  	[sflag:s12] =	ssyncset.done $0x0  }
0x14d: {  	[sflag:s12] =	ssyncadd.s32 $0xFFFFEC40  }
0x14e: {  	_ =	sfence.sel $0x180000  }
0x14f: {  	[bflag:$0x0] =	sbarrier.arrive $0xFFFF  }
0x150: {  	_ =	strace $0x9000004A  }
0x151: {  	s0 =	stileid.u32;
	[bflag:$0x2] =	sbarrier.arrive $0xFFFF  }
0x152: {  	p0 =	sne.s32 s0, $0x0;
	s0 =	rddreg [dreg:$0x3]  }
0x153: {  	s0 =	sadd.s32 @!p0 $0x100000, s0  }
0x154: {  	[sflag:s0] =	ssyncadd.tile.s32 @!p0 $0x1;
	_ =	shalt  }
.Lfunc_end2:
_tile_overlayer_lowered:
.L_overlay_start_2:
0x155: {  	(tag) =	ssettag $0x2  }
0x156: {  	s0 =	rddreg [dreg:$0x0];
	s2 =	stileid.u32  }
0x157: {  	s1 =	rddreg [dreg:$0x1];
	p0 =	sne.s32 s2, $0x0  }
0x158: {  	s3 =	rddreg [dreg:$0x2];
	[bflag:$0x3] =	sbarrier.arrive $0xFFFF;
	s2 =	simm.s32 @!p0 $0x1C03  }
0x159: {  	[timem:s3], [sflag:s2] =	dma.local @!p0 [hbm:s0], s1  }
0x15a: {  	s0 =	simm.s32 @!p0 $0x3  }
0x15b: {  	_ =	swait.ge @!p0 [sflag:s0], s1  }
0x15c: {  	s1 =	ssub.s32 @!p0 $0x0, s1;
	[sflag:s0] =	ssyncset.done @!p0 $0x0  }
0x15d: {  	[sflag:s0] =	ssyncadd.s32 @!p0 s1  }
0x15e: {  	[bflag:$0x3] =	sbarrier.arrive $0xFFFF  }
0x15f: {  	_ =	shalt  }

</sc_bundles>
